<compile_context>
chip_gen: v7x
topology: tpu7x:2x2x1
jax: 0.10.2.dev20260603
libtpu: 0.0.44.dev20260713+nightly
codegen_flags: <defaults>
</compile_context>

<pallas_src>
import numpy as np
import jax
import jax.numpy as jnp
from jax import lax
from jax.experimental import pallas as pl
from jax.experimental.pallas import tpu as pltpu
from jax.experimental.pallas import tpu_sc as plsc

_VOCAB, _DMODEL, _BATCH, _SEQ = 100000, 1024, 4, 2048
_NC, _NS, _L = 2, 16, 16
_NW = _NC * _NS
_B = _BATCH * _SEQ
_SPW = _SEQ // _NW
_CH = 32
_NSTEP = (_SPW // _CH) * _BATCH
_NGRP = _DMODEL // (2 * _L)
_NU = _SEQ // _CH
_BWORDS = _CH * _DMODEL // 2


def _pe_factors():
    import ml_dtypes
    i32 = np.arange(0, _DMODEL, 2, dtype=np.float32)
    den = np.repeat(np.power(10000.0, i32 / float(_DMODEL)).astype(np.float64), 2)
    c = np.arange(_DMODEL)
    even = (c % 2 == 0)[None, :]
    u = np.arange(_NU, dtype=np.float64)[:, None]
    t = np.arange(_CH, dtype=np.float64)[:, None]
    a_ang = (u * _CH) / den[None, :]
    b_ang = t / den[None, :]
    a1 = np.where(even, np.sin(a_ang), np.cos(a_ang)).astype(np.float32)
    a2 = np.where(even, np.cos(a_ang), -np.sin(a_ang)).astype(np.float32)

    def pack(x):
        g = x.astype(np.float32).astype(ml_dtypes.bfloat16)
        bits = g.reshape(_CH, _NGRP, 2, _L).view(np.uint16).astype(np.uint32)
        return (bits[:, :, 0, :] | (bits[:, :, 1, :] << 16)).reshape(-1)

    a12 = np.concatenate([a1, a2], axis=1).reshape(-1)
    b12 = np.concatenate([pack(np.cos(b_ang)), pack(np.sin(b_ang))])
    return a12, b12.view(np.int32)


_A12, _B12 = _pe_factors()

_mesh = plsc.VectorSubcoreMesh(core_axis_name="c", subcore_axis_name="s")


@pl.kernel(
    mesh=_mesh,
    out_type=jax.ShapeDtypeStruct((_BATCH, _SEQ, _DMODEL), jnp.float32),
    scratch_types=[
        pltpu.VMEM((_BATCH * _SPW,), jnp.int32),
        pltpu.VMEM((2 * _DMODEL,), jnp.float32),
        pltpu.VMEM((2 * _BWORDS,), jnp.int32),
        pltpu.VMEM((_CH, _DMODEL), jnp.float32),
        pltpu.VMEM((_CH, _DMODEL), jnp.float32),
        pltpu.SemaphoreType.DMA,
        pltpu.SemaphoreType.DMA,
        pltpu.SemaphoreType.DMA,
        pltpu.SemaphoreType.DMA,
    ],
)
def _bi_embed(x_hbm, table_hbm, a_hbm, b_hbm, out_hbm,
              idx_v, a_v, b_v, rows_a, rows_b, sg_a, sg_b, sw_a, sw_b):
    wid = lax.axis_index("s") * _NC + lax.axis_index("c")
    s0 = wid * _SPW
    u0 = wid * 2

    for b in range(_BATCH):
        pltpu.sync_copy(x_hbm.at[b, pl.ds(s0, _SPW)],
                        idx_v.at[pl.ds(b * _SPW, _SPW)])

    bufs = (rows_a, rows_b)
    gsems = (sg_a, sg_b)
    wsems = (sw_a, sw_b)

    def start_gather(k):
        idx_off = (k % _BATCH) * _SPW + (k // _BATCH) * _CH
        return pltpu.async_copy(
            table_hbm.at[idx_v.at[pl.ds(idx_off, _CH)]],
            bufs[k % 2], gsems[k % 2])

    pltpu.sync_copy(b_hbm, b_v)
    pltpu.sync_copy(a_hbm.at[pl.ds(u0 * (2 * _DMODEL), 2 * _DMODEL)], a_v)
    g = start_gather(0)
    pending_w = [None, None]

    for k in range(_NSTEP):
        nxt = None
        if k + 1 < _NSTEP:
            if pending_w[(k + 1) % 2] is not None:
                pending_w[(k + 1) % 2].wait()
                pending_w[(k + 1) % 2] = None
            nxt = start_gather(k + 1)
        g.wait()
        buf = bufs[k % 2]

        def group(gi, carry):
            base = gi * 2 * _L
            a1lo = a_v[pl.ds(base, _L)]
            a1hi = a_v[pl.ds(base + _L, _L)]
            a2lo = a_v[pl.ds(_DMODEL + base, _L)]
            a2hi = a_v[pl.ds(_DMODEL + base + _L, _L)]

            @plsc.parallel_loop(0, _CH, unroll=4)
            def _row(t):
                w1 = b_v[pl.ds(t * (_DMODEL // 2) + gi * _L, _L)]
                w2 = b_v[pl.ds(_BWORDS + t * (_DMODEL // 2) + gi * _L, _L)]
                b1lo = lax.bitcast_convert_type(w1 << 16, jnp.float32)
                b1hi = lax.bitcast_convert_type(w1 & jnp.int32(-65536),
                                                jnp.float32)
                b2lo = lax.bitcast_convert_type(w2 << 16, jnp.float32)
                b2hi = lax.bitcast_convert_type(w2 & jnp.int32(-65536),
                                                jnp.float32)
                plsc.addupdate(buf.at[t, pl.ds(base, _L)],
                               a1lo * b1lo + a2lo * b2lo)
                plsc.addupdate(buf.at[t, pl.ds(base + _L, _L)],
                               a1hi * b1hi + a2hi * b2hi)

            return carry

        lax.fori_loop(0, _NGRP, group, 0)

        out_s = s0 + (k // _BATCH) * _CH
        pending_w[k % 2] = pltpu.async_copy(
            buf, out_hbm.at[k % _BATCH, pl.ds(out_s, _CH)], wsems[k % 2])

        if k == _BATCH - 1:
            pltpu.sync_copy(
                a_hbm.at[pl.ds((u0 + 1) * (2 * _DMODEL), 2 * _DMODEL)], a_v)
        g = nxt

    for w in pending_w:
        if w is not None:
            w.wait()


def kernel(x, table):
    return _bi_embed(x, table, jnp.asarray(_A12), jnp.asarray(_B12))

# --- scband reference (transcript-rebuilt; emitter-appended) ---
"""Pipeline reference for scband-bi-embedding-72576357367939 (READ-ONLY COPY).

The authoritative reference and input builder live on the scoring server;
editing this copy changes nothing except your own understanding.
"""

import jax, jax.numpy as jnp
import numpy as np

VOCAB = 100000
DMODEL = 1024
BATCH = 4
SEQ = 2048


def _positional_encoding(seq_len, d):
    pos = np.arange(seq_len, dtype=np.float32)[:, None]
    i = np.arange(0, d, 2, dtype=np.float32)[None, :]
    angle = pos / np.power(10000.0, i / float(d))
    pe = np.zeros((seq_len, d), dtype=np.float32)
    pe[:, 0::2] = np.sin(angle)
    pe[:, 1::2] = np.cos(angle)
    return jnp.asarray(pe)


def setup_inputs(seed: int = 0) -> dict:
    key = jax.random.key(seed)
    k1, k2 = jax.random.split(key)
    x = jax.random.randint(k1, (BATCH, SEQ), 0, VOCAB, dtype=jnp.int32)
    table = jax.random.normal(k2, (VOCAB, DMODEL), dtype=jnp.float32) * 0.02
    return {"x": x, "table": table}


def reference(x, table):
    # emb = self.emb(x)
    emb = jnp.take(table, x, axis=0)
    # emb = self.pe(emb, emb.shape[1])  -- standard sinusoidal additive PE
    pe = _positional_encoding(emb.shape[1], emb.shape[2])
    return emb + pe[None, :, :]

if __name__ == "__main__":
    import jax
    _d = setup_inputs()
    print(jax.jit(kernel)(*tuple(_d.values())))

</pallas_src>

<mosaic_0001>
#map = affine_map<(d0, d1) -> (0, 0)>
#map1 = affine_map<(d0, d1) -> (0)>
#map2 = affine_map<(d0, d1) -> (0, 0, 0)>
module attributes {stable_mosaic.version = 14 : i64} {
  func.func @_bi_embed(%arg0: i32, %arg1: i32, %arg2: memref<4x2048xi32, #tpu.memory_space<hbm>>, %arg3: memref<100000x1024xf32, #tpu.memory_space<hbm>>, %arg4: memref<131072xf32, #tpu.memory_space<hbm>>, %arg5: memref<32768xi32, #tpu.memory_space<hbm>>, %arg6: memref<4x2048x1024xf32, #tpu.memory_space<hbm>>, %arg7: memref<256xi32, #tpu.memory_space<vmem>>, %arg8: memref<2048xf32, #tpu.memory_space<vmem>>, %arg9: memref<32768xi32, #tpu.memory_space<vmem>>, %arg10: memref<32x1024xf32, #tpu.memory_space<vmem>>, %arg11: memref<32x1024xf32, #tpu.memory_space<vmem>>, %arg12: memref<!tpu.dma_semaphore, #tpu.memory_space<semaphore_mem>>, %arg13: memref<!tpu.dma_semaphore, #tpu.memory_space<semaphore_mem>>, %arg14: memref<!tpu.dma_semaphore, #tpu.memory_space<semaphore_mem>>, %arg15: memref<!tpu.dma_semaphore, #tpu.memory_space<semaphore_mem>>) attributes {dimension_semantics = [#tpu.dimension_semantics<core_parallel>, #tpu.dimension_semantics<subcore_parallel>], iteration_bounds = array<i64: 2, 16>, scalar_prefetch = 0 : i64, scratch_operands = 9 : i64, tpu.core_type = #tpu.core_type<sc_vector_subcore>, window_params = [{transform_indices = #map}, {transform_indices = #map}, {transform_indices = #map1}, {transform_indices = #map1}, {transform_indices = #map2}]} {
    %mul3A = arith.constant 2 : i32
    %mul3A_0 = arith.muli %arg1, %mul3A : i32
    %add3A = arith.addi %mul3A_0, %arg0 : i32
    %mul3A_1 = arith.constant 64 : i32
    %mul3A_2 = arith.muli %add3A, %mul3A_1 : i32
    %mul3A_3 = arith.constant 2 : i32
    %mul3A_4 = arith.muli %add3A, %mul3A_3 : i32
    %run_scoped3A = arith.constant 0 : i32
    "tpu.region"() ({
      %run_scoped3A_267 = tpu.sem_alloc : memref<!tpu.dma_semaphore, #tpu.memory_space<semaphore_mem>>
      %dma_start3A_268 = arith.constant 0 : i32
      %dma_start3A_269 = tpu.memref_slice %arg7[%dma_start3A_268] : memref<256xi32, #tpu.memory_space<vmem>> -> memref<64xi32, #tpu.memory_space<vmem>>
      %dma_start3A_270 = tpu.memref_slice %arg2[%run_scoped3A, %mul3A_2] : memref<4x2048xi32, #tpu.memory_space<hbm>> -> memref<1x64xi32, #tpu.memory_space<hbm>>
      %dma_start3A_271 = tpu.memref_squeeze %dma_start3A_270 : memref<1x64xi32, #tpu.memory_space<hbm>> -> memref<64xi32, #tpu.memory_space<hbm>>
      %dma_start3A_272 = arith.constant 0 : i32
      %dma_start3A_273 = tpu.memref_slice %arg7[%dma_start3A_272] : memref<256xi32, #tpu.memory_space<vmem>> -> memref<64xi32, #tpu.memory_space<vmem>>
      %dma_start3A_274 = tpu.memref_slice %arg2[%run_scoped3A, %mul3A_2] : memref<4x2048xi32, #tpu.memory_space<hbm>> -> memref<1x64xi32, #tpu.memory_space<hbm>>
      %dma_start3A_275 = tpu.memref_squeeze %dma_start3A_274 : memref<1x64xi32, #tpu.memory_space<hbm>> -> memref<64xi32, #tpu.memory_space<hbm>>
      tpu.enqueue_dma source(%dma_start3A_275 : memref<64xi32, #tpu.memory_space<hbm>>) target(%dma_start3A_273 : memref<64xi32, #tpu.memory_space<vmem>>) target_semaphore(%run_scoped3A_267 : memref<!tpu.dma_semaphore, #tpu.memory_space<semaphore_mem>>)
      %dma_wait3A_276 = arith.constant 0 : i32
      %dma_wait3A_277 = tpu.memref_slice %arg7[%dma_wait3A_276] : memref<256xi32, #tpu.memory_space<vmem>> -> memref<64xi32, #tpu.memory_space<vmem>>
      %dma_wait3A_278 = tpu.memref_slice %arg2[%run_scoped3A, %mul3A_2] : memref<4x2048xi32, #tpu.memory_space<hbm>> -> memref<1x64xi32, #tpu.memory_space<hbm>>
      %dma_wait3A_279 = tpu.memref_squeeze %dma_wait3A_278 : memref<1x64xi32, #tpu.memory_space<hbm>> -> memref<64xi32, #tpu.memory_space<hbm>>
      %dma_wait3A_280 = arith.constant 0 : i32
      %dma_wait3A_281 = tpu.memref_slice %arg7[%dma_wait3A_280] : memref<256xi32, #tpu.memory_space<vmem>> -> memref<64xi32, #tpu.memory_space<vmem>>
      %dma_wait3A_282 = tpu.memref_slice %arg2[%run_scoped3A, %mul3A_2] : memref<4x2048xi32, #tpu.memory_space<hbm>> -> memref<1x64xi32, #tpu.memory_space<hbm>>
      %dma_wait3A_283 = tpu.memref_squeeze %dma_wait3A_282 : memref<1x64xi32, #tpu.memory_space<hbm>> -> memref<64xi32, #tpu.memory_space<hbm>>
      tpu.wait_dma2 semaphore(%run_scoped3A_267 : memref<!tpu.dma_semaphore, #tpu.memory_space<semaphore_mem>>) src(%dma_wait3A_283 : memref<64xi32, #tpu.memory_space<hbm>>) dst(%dma_wait3A_281 : memref<64xi32, #tpu.memory_space<vmem>>)
      tpu.yield
    }) : () -> ()
    %run_scoped3A_5 = arith.constant 1 : i32
    "tpu.region"() ({
      %run_scoped3A_267 = tpu.sem_alloc : memref<!tpu.dma_semaphore, #tpu.memory_space<semaphore_mem>>
      %dma_start3A_268 = arith.constant 64 : i32
      %dma_start3A_269 = tpu.memref_slice %arg7[%dma_start3A_268] : memref<256xi32, #tpu.memory_space<vmem>> -> memref<64xi32, #tpu.memory_space<vmem>>
      %dma_start3A_270 = tpu.memref_slice %arg2[%run_scoped3A_5, %mul3A_2] : memref<4x2048xi32, #tpu.memory_space<hbm>> -> memref<1x64xi32, #tpu.memory_space<hbm>>
      %dma_start3A_271 = tpu.memref_squeeze %dma_start3A_270 : memref<1x64xi32, #tpu.memory_space<hbm>> -> memref<64xi32, #tpu.memory_space<hbm>>
      %dma_start3A_272 = arith.constant 64 : i32
      %dma_start3A_273 = tpu.memref_slice %arg7[%dma_start3A_272] : memref<256xi32, #tpu.memory_space<vmem>> -> memref<64xi32, #tpu.memory_space<vmem>>
      %dma_start3A_274 = tpu.memref_slice %arg2[%run_scoped3A_5, %mul3A_2] : memref<4x2048xi32, #tpu.memory_space<hbm>> -> memref<1x64xi32, #tpu.memory_space<hbm>>
      %dma_start3A_275 = tpu.memref_squeeze %dma_start3A_274 : memref<1x64xi32, #tpu.memory_space<hbm>> -> memref<64xi32, #tpu.memory_space<hbm>>
      tpu.enqueue_dma source(%dma_start3A_275 : memref<64xi32, #tpu.memory_space<hbm>>) target(%dma_start3A_273 : memref<64xi32, #tpu.memory_space<vmem>>) target_semaphore(%run_scoped3A_267 : memref<!tpu.dma_semaphore, #tpu.memory_space<semaphore_mem>>)
      %dma_wait3A_276 = arith.constant 64 : i32
      %dma_wait3A_277 = tpu.memref_slice %arg7[%dma_wait3A_276] : memref<256xi32, #tpu.memory_space<vmem>> -> memref<64xi32, #tpu.memory_space<vmem>>
      %dma_wait3A_278 = tpu.memref_slice %arg2[%run_scoped3A_5, %mul3A_2] : memref<4x2048xi32, #tpu.memory_space<hbm>> -> memref<1x64xi32, #tpu.memory_space<hbm>>
      %dma_wait3A_279 = tpu.memref_squeeze %dma_wait3A_278 : memref<1x64xi32, #tpu.memory_space<hbm>> -> memref<64xi32, #tpu.memory_space<hbm>>
      %dma_wait3A_280 = arith.constant 64 : i32
      %dma_wait3A_281 = tpu.memref_slice %arg7[%dma_wait3A_280] : memref<256xi32, #tpu.memory_space<vmem>> -> memref<64xi32, #tpu.memory_space<vmem>>
      %dma_wait3A_282 = tpu.memref_slice %arg2[%run_scoped3A_5, %mul3A_2] : memref<4x2048xi32, #tpu.memory_space<hbm>> -> memref<1x64xi32, #tpu.memory_space<hbm>>
      %dma_wait3A_283 = tpu.memref_squeeze %dma_wait3A_282 : memref<1x64xi32, #tpu.memory_space<hbm>> -> memref<64xi32, #tpu.memory_space<hbm>>
      tpu.wait_dma2 semaphore(%run_scoped3A_267 : memref<!tpu.dma_semaphore, #tpu.memory_space<semaphore_mem>>) src(%dma_wait3A_283 : memref<64xi32, #tpu.memory_space<hbm>>) dst(%dma_wait3A_281 : memref<64xi32, #tpu.memory_space<vmem>>)
      tpu.yield
    }) : () -> ()
    %run_scoped3A_6 = arith.constant 2 : i32
    "tpu.region"() ({
      %run_scoped3A_267 = tpu.sem_alloc : memref<!tpu.dma_semaphore, #tpu.memory_space<semaphore_mem>>
      %dma_start3A_268 = arith.constant 128 : i32
      %dma_start3A_269 = tpu.memref_slice %arg7[%dma_start3A_268] : memref<256xi32, #tpu.memory_space<vmem>> -> memref<64xi32, #tpu.memory_space<vmem>>
      %dma_start3A_270 = tpu.memref_slice %arg2[%run_scoped3A_6, %mul3A_2] : memref<4x2048xi32, #tpu.memory_space<hbm>> -> memref<1x64xi32, #tpu.memory_space<hbm>>
      %dma_start3A_271 = tpu.memref_squeeze %dma_start3A_270 : memref<1x64xi32, #tpu.memory_space<hbm>> -> memref<64xi32, #tpu.memory_space<hbm>>
      %dma_start3A_272 = arith.constant 128 : i32
      %dma_start3A_273 = tpu.memref_slice %arg7[%dma_start3A_272] : memref<256xi32, #tpu.memory_space<vmem>> -> memref<64xi32, #tpu.memory_space<vmem>>
      %dma_start3A_274 = tpu.memref_slice %arg2[%run_scoped3A_6, %mul3A_2] : memref<4x2048xi32, #tpu.memory_space<hbm>> -> memref<1x64xi32, #tpu.memory_space<hbm>>
      %dma_start3A_275 = tpu.memref_squeeze %dma_start3A_274 : memref<1x64xi32, #tpu.memory_space<hbm>> -> memref<64xi32, #tpu.memory_space<hbm>>
      tpu.enqueue_dma source(%dma_start3A_275 : memref<64xi32, #tpu.memory_space<hbm>>) target(%dma_start3A_273 : memref<64xi32, #tpu.memory_space<vmem>>) target_semaphore(%run_scoped3A_267 : memref<!tpu.dma_semaphore, #tpu.memory_space<semaphore_mem>>)
      %dma_wait3A_276 = arith.constant 128 : i32
      %dma_wait3A_277 = tpu.memref_slice %arg7[%dma_wait3A_276] : memref<256xi32, #tpu.memory_space<vmem>> -> memref<64xi32, #tpu.memory_space<vmem>>
      %dma_wait3A_278 = tpu.memref_slice %arg2[%run_scoped3A_6, %mul3A_2] : memref<4x2048xi32, #tpu.memory_space<hbm>> -> memref<1x64xi32, #tpu.memory_space<hbm>>
      %dma_wait3A_279 = tpu.memref_squeeze %dma_wait3A_278 : memref<1x64xi32, #tpu.memory_space<hbm>> -> memref<64xi32, #tpu.memory_space<hbm>>
      %dma_wait3A_280 = arith.constant 128 : i32
      %dma_wait3A_281 = tpu.memref_slice %arg7[%dma_wait3A_280] : memref<256xi32, #tpu.memory_space<vmem>> -> memref<64xi32, #tpu.memory_space<vmem>>
      %dma_wait3A_282 = tpu.memref_slice %arg2[%run_scoped3A_6, %mul3A_2] : memref<4x2048xi32, #tpu.memory_space<hbm>> -> memref<1x64xi32, #tpu.memory_space<hbm>>
      %dma_wait3A_283 = tpu.memref_squeeze %dma_wait3A_282 : memref<1x64xi32, #tpu.memory_space<hbm>> -> memref<64xi32, #tpu.memory_space<hbm>>
      tpu.wait_dma2 semaphore(%run_scoped3A_267 : memref<!tpu.dma_semaphore, #tpu.memory_space<semaphore_mem>>) src(%dma_wait3A_283 : memref<64xi32, #tpu.memory_space<hbm>>) dst(%dma_wait3A_281 : memref<64xi32, #tpu.memory_space<vmem>>)
      tpu.yield
    }) : () -> ()
    %run_scoped3A_7 = arith.constant 3 : i32
    "tpu.region"() ({
      %run_scoped3A_267 = tpu.sem_alloc : memref<!tpu.dma_semaphore, #tpu.memory_space<semaphore_mem>>
      %dma_start3A_268 = arith.constant 192 : i32
      %dma_start3A_269 = tpu.memref_slice %arg7[%dma_start3A_268] : memref<256xi32, #tpu.memory_space<vmem>> -> memref<64xi32, #tpu.memory_space<vmem>>
      %dma_start3A_270 = tpu.memref_slice %arg2[%run_scoped3A_7, %mul3A_2] : memref<4x2048xi32, #tpu.memory_space<hbm>> -> memref<1x64xi32, #tpu.memory_space<hbm>>
      %dma_start3A_271 = tpu.memref_squeeze %dma_start3A_270 : memref<1x64xi32, #tpu.memory_space<hbm>> -> memref<64xi32, #tpu.memory_space<hbm>>
      %dma_start3A_272 = arith.constant 192 : i32
      %dma_start3A_273 = tpu.memref_slice %arg7[%dma_start3A_272] : memref<256xi32, #tpu.memory_space<vmem>> -> memref<64xi32, #tpu.memory_space<vmem>>
      %dma_start3A_274 = tpu.memref_slice %arg2[%run_scoped3A_7, %mul3A_2] : memref<4x2048xi32, #tpu.memory_space<hbm>> -> memref<1x64xi32, #tpu.memory_space<hbm>>
      %dma_start3A_275 = tpu.memref_squeeze %dma_start3A_274 : memref<1x64xi32, #tpu.memory_space<hbm>> -> memref<64xi32, #tpu.memory_space<hbm>>
      tpu.enqueue_dma source(%dma_start3A_275 : memref<64xi32, #tpu.memory_space<hbm>>) target(%dma_start3A_273 : memref<64xi32, #tpu.memory_space<vmem>>) target_semaphore(%run_scoped3A_267 : memref<!tpu.dma_semaphore, #tpu.memory_space<semaphore_mem>>)
      %dma_wait3A_276 = arith.constant 192 : i32
      %dma_wait3A_277 = tpu.memref_slice %arg7[%dma_wait3A_276] : memref<256xi32, #tpu.memory_space<vmem>> -> memref<64xi32, #tpu.memory_space<vmem>>
      %dma_wait3A_278 = tpu.memref_slice %arg2[%run_scoped3A_7, %mul3A_2] : memref<4x2048xi32, #tpu.memory_space<hbm>> -> memref<1x64xi32, #tpu.memory_space<hbm>>
      %dma_wait3A_279 = tpu.memref_squeeze %dma_wait3A_278 : memref<1x64xi32, #tpu.memory_space<hbm>> -> memref<64xi32, #tpu.memory_space<hbm>>
      %dma_wait3A_280 = arith.constant 192 : i32
      %dma_wait3A_281 = tpu.memref_slice %arg7[%dma_wait3A_280] : memref<256xi32, #tpu.memory_space<vmem>> -> memref<64xi32, #tpu.memory_space<vmem>>
      %dma_wait3A_282 = tpu.memref_slice %arg2[%run_scoped3A_7, %mul3A_2] : memref<4x2048xi32, #tpu.memory_space<hbm>> -> memref<1x64xi32, #tpu.memory_space<hbm>>
      %dma_wait3A_283 = tpu.memref_squeeze %dma_wait3A_282 : memref<1x64xi32, #tpu.memory_space<hbm>> -> memref<64xi32, #tpu.memory_space<hbm>>
      tpu.wait_dma2 semaphore(%run_scoped3A_267 : memref<!tpu.dma_semaphore, #tpu.memory_space<semaphore_mem>>) src(%dma_wait3A_283 : memref<64xi32, #tpu.memory_space<hbm>>) dst(%dma_wait3A_281 : memref<64xi32, #tpu.memory_space<vmem>>)
      tpu.yield
    }) : () -> ()
    "tpu.region"() ({
      %run_scoped3A_267 = tpu.sem_alloc : memref<!tpu.dma_semaphore, #tpu.memory_space<semaphore_mem>>
      tpu.enqueue_dma source(%arg5 : memref<32768xi32, #tpu.memory_space<hbm>>) target(%arg9 : memref<32768xi32, #tpu.memory_space<vmem>>) target_semaphore(%run_scoped3A_267 : memref<!tpu.dma_semaphore, #tpu.memory_space<semaphore_mem>>)
      tpu.wait_dma2 semaphore(%run_scoped3A_267 : memref<!tpu.dma_semaphore, #tpu.memory_space<semaphore_mem>>) src(%arg5 : memref<32768xi32, #tpu.memory_space<hbm>>) dst(%arg9 : memref<32768xi32, #tpu.memory_space<vmem>>)
      tpu.yield
    }) : () -> ()
    %mul3A_8 = arith.constant 2048 : i32
    %mul3A_9 = arith.muli %mul3A_4, %mul3A_8 : i32
    "tpu.region"() ({
      %run_scoped3A_267 = tpu.sem_alloc : memref<!tpu.dma_semaphore, #tpu.memory_space<semaphore_mem>>
      %dma_start3A_268 = tpu.memref_slice %arg4[%mul3A_9] : memref<131072xf32, #tpu.memory_space<hbm>> -> memref<2048xf32, #tpu.memory_space<hbm>>
      %dma_start3A_269 = tpu.memref_slice %arg4[%mul3A_9] : memref<131072xf32, #tpu.memory_space<hbm>> -> memref<2048xf32, #tpu.memory_space<hbm>>
      tpu.enqueue_dma source(%dma_start3A_269 : memref<2048xf32, #tpu.memory_space<hbm>>) target(%arg8 : memref<2048xf32, #tpu.memory_space<vmem>>) target_semaphore(%run_scoped3A_267 : memref<!tpu.dma_semaphore, #tpu.memory_space<semaphore_mem>>)
      %dma_wait3A_270 = tpu.memref_slice %arg4[%mul3A_9] : memref<131072xf32, #tpu.memory_space<hbm>> -> memref<2048xf32, #tpu.memory_space<hbm>>
      %dma_wait3A_271 = tpu.memref_slice %arg4[%mul3A_9] : memref<131072xf32, #tpu.memory_space<hbm>> -> memref<2048xf32, #tpu.memory_space<hbm>>
      tpu.wait_dma2 semaphore(%run_scoped3A_267 : memref<!tpu.dma_semaphore, #tpu.memory_space<semaphore_mem>>) src(%dma_wait3A_271 : memref<2048xf32, #tpu.memory_space<hbm>>) dst(%arg8 : memref<2048xf32, #tpu.memory_space<vmem>>)
      tpu.yield
    }) : () -> ()
    %dma_start3A = arith.constant 0 : i32
    %dma_start3A_10 = tpu.memref_slice %arg7[%dma_start3A] : memref<256xi32, #tpu.memory_space<vmem>> -> memref<32xi32, #tpu.memory_space<vmem>>
    %dma_start3A_11 = arith.constant 0 : i32
    %dma_start3A_12 = arith.constant 0 : i32
    %dma_start3A_13 = tpu.memref_slice %arg3[%dma_start3A_11, %dma_start3A_12] : memref<100000x1024xf32, #tpu.memory_space<hbm>> -> memref<100000x1024xf32, #tpu.memory_space<hbm>>
    tpu.enqueue_indirect_dma source(%dma_start3A_13 : memref<100000x1024xf32, #tpu.memory_space<hbm>>) target(%arg10 : memref<32x1024xf32, #tpu.memory_space<vmem>>) offsets(%dma_start3A_10 : memref<32xi32, #tpu.memory_space<vmem>>) semaphore(%arg12 : memref<!tpu.dma_semaphore, #tpu.memory_space<semaphore_mem>>)
    %dma_start3A_14 = arith.constant 64 : i32
    %dma_start3A_15 = tpu.memref_slice %arg7[%dma_start3A_14] : memref<256xi32, #tpu.memory_space<vmem>> -> memref<32xi32, #tpu.memory_space<vmem>>
    %dma_start3A_16 = arith.constant 0 : i32
    %dma_start3A_17 = arith.constant 0 : i32
    %dma_start3A_18 = tpu.memref_slice %arg3[%dma_start3A_16, %dma_start3A_17] : memref<100000x1024xf32, #tpu.memory_space<hbm>> -> memref<100000x1024xf32, #tpu.memory_space<hbm>>
    tpu.enqueue_indirect_dma source(%dma_start3A_18 : memref<100000x1024xf32, #tpu.memory_space<hbm>>) target(%arg11 : memref<32x1024xf32, #tpu.memory_space<vmem>>) offsets(%dma_start3A_15 : memref<32xi32, #tpu.memory_space<vmem>>) semaphore(%arg13 : memref<!tpu.dma_semaphore, #tpu.memory_space<semaphore_mem>>)
    %dma_wait3A = arith.constant 0 : i32
    %dma_wait3A_19 = tpu.memref_slice %arg7[%dma_wait3A] : memref<256xi32, #tpu.memory_space<vmem>> -> memref<32xi32, #tpu.memory_space<vmem>>
    %dma_wait3A_20 = arith.constant 0 : i32
    %dma_wait3A_21 = arith.constant 0 : i32
    %dma_wait3A_22 = tpu.memref_slice %arg3[%dma_wait3A_20, %dma_wait3A_21] : memref<100000x1024xf32, #tpu.memory_space<hbm>> -> memref<100000x1024xf32, #tpu.memory_space<hbm>>
    tpu.wait_indirect_dma semaphore(%arg12 : memref<!tpu.dma_semaphore, #tpu.memory_space<semaphore_mem>>) src(%dma_wait3A_22 : memref<100000x1024xf32, #tpu.memory_space<hbm>>) dst(%arg10 : memref<32x1024xf32, #tpu.memory_space<vmem>>)
    %scan3A = arith.constant 0 : i32
    %scan3A_23 = arith.constant 0 : i32
    %scan3A_24 = arith.constant 32 : i32
    %scan3A_25 = arith.addi %scan3A_23, %scan3A_24 : i32
    %scan3A_26 = arith.constant 1 : i32
    scf.for %scan3A_267 = %scan3A_23 to %scan3A_25 step %scan3A_26  : i32 {
      %mul3A_268 = arith.constant 2 : i32
      %mul3A_269 = arith.muli %scan3A_267, %mul3A_268 : i32
      %mul3A_270 = arith.constant 16 : i32
      %mul3A_271 = arith.muli %mul3A_269, %mul3A_270 : i32
      %get3A = arith.index_cast %mul3A_271 : i32 to index
      %get3A_272 = tpu.vector_load %arg8[%get3A] {strides = array<i32>} : memref<2048xf32, #tpu.memory_space<vmem>>, vector<16xf32>,
      %get3A_273 = vector.shape_cast %get3A_272 : vector<16xf32> to vector<16xf32>
      %add3A_274 = arith.constant 16 : i32
      %add3A_275 = arith.addi %mul3A_271, %add3A_274 : i32
      %get3A_276 = arith.index_cast %add3A_275 : i32 to index
      %get3A_277 = tpu.vector_load %arg8[%get3A_276] {strides = array<i32>} : memref<2048xf32, #tpu.memory_space<vmem>>, vector<16xf32>,
      %get3A_278 = vector.shape_cast %get3A_277 : vector<16xf32> to vector<16xf32>
      %add3A_279 = arith.constant 1024 : i32
      %add3A_280 = arith.addi %add3A_279, %mul3A_271 : i32
      %get3A_281 = arith.index_cast %add3A_280 : i32 to index
      %get3A_282 = tpu.vector_load %arg8[%get3A_281] {strides = array<i32>} : memref<2048xf32, #tpu.memory_space<vmem>>, vector<16xf32>,
      %get3A_283 = vector.shape_cast %get3A_282 : vector<16xf32> to vector<16xf32>
      %add3A_284 = arith.constant 1024 : i32
      %add3A_285 = arith.addi %add3A_284, %mul3A_271 : i32
      %add3A_286 = arith.constant 16 : i32
      %add3A_287 = arith.addi %add3A_285, %add3A_286 : i32
      %get3A_288 = arith.index_cast %add3A_287 : i32 to index
      %get3A_289 = tpu.vector_load %arg8[%get3A_288] {strides = array<i32>} : memref<2048xf32, #tpu.memory_space<vmem>>, vector<16xf32>,
      %get3A_290 = vector.shape_cast %get3A_289 : vector<16xf32> to vector<16xf32>
      %parallel_loop3A = arith.constant 0 : i32
      %parallel_loop3A_291 = arith.constant 32 : i32
      %parallel_loop3A_292 = arith.constant 1 : i32
      scf.for %parallel_loop3A_293 = %parallel_loop3A to %parallel_loop3A_291 step %parallel_loop3A_292  : i32 {
        %parallel_loop3A_294 = arith.constant 512 : i32
        %parallel_loop3A_295 = arith.muli %parallel_loop3A_293, %parallel_loop3A_294 : i32
        %parallel_loop3A_296 = arith.constant 16 : i32
        %parallel_loop3A_297 = arith.muli %scan3A_267, %parallel_loop3A_296 : i32
        %parallel_loop3A_298 = arith.addi %parallel_loop3A_295, %parallel_loop3A_297 : i32
        %parallel_loop3A_299 = arith.index_cast %parallel_loop3A_298 : i32 to index
        %parallel_loop3A_300 = tpu.vector_load %arg9[%parallel_loop3A_299] {strides = array<i32>} : memref<32768xi32, #tpu.memory_space<vmem>>, vector<16xi32>,
        %parallel_loop3A_301 = vector.shape_cast %parallel_loop3A_300 : vector<16xi32> to vector<16xi32>
        %parallel_loop3A_302 = arith.constant 512 : i32
        %parallel_loop3A_303 = arith.muli %parallel_loop3A_293, %parallel_loop3A_302 : i32
        %parallel_loop3A_304 = arith.constant 16384 : i32
        %parallel_loop3A_305 = arith.addi %parallel_loop3A_304, %parallel_loop3A_303 : i32
        %parallel_loop3A_306 = arith.constant 16 : i32
        %parallel_loop3A_307 = arith.muli %scan3A_267, %parallel_loop3A_306 : i32
        %parallel_loop3A_308 = arith.addi %parallel_loop3A_305, %parallel_loop3A_307 : i32
        %parallel_loop3A_309 = arith.index_cast %parallel_loop3A_308 : i32 to index
        %parallel_loop3A_310 = tpu.vector_load %arg9[%parallel_loop3A_309] {strides = array<i32>} : memref<32768xi32, #tpu.memory_space<vmem>>, vector<16xi32>,
        %parallel_loop3A_311 = vector.shape_cast %parallel_loop3A_310 : vector<16xi32> to vector<16xi32>
        %parallel_loop3A_312 = arith.constant 16 : i32
        %parallel_loop3A_313 = vector.broadcast %parallel_loop3A_312 : i32 to vector<16xi32>
        %parallel_loop3A_314 = arith.shli %parallel_loop3A_301, %parallel_loop3A_313 : vector<16xi32>
        %parallel_loop3A_315 = tpu.bitcast %parallel_loop3A_314 : vector<16xi32> -> vector<16xf32>
        %parallel_loop3A_316 = arith.constant -65536 : i32
        %parallel_loop3A_317 = vector.broadcast %parallel_loop3A_316 : i32 to vector<16xi32>
        %parallel_loop3A_318 = arith.andi %parallel_loop3A_301, %parallel_loop3A_317 : vector<16xi32>
        %parallel_loop3A_319 = tpu.bitcast %parallel_loop3A_318 : vector<16xi32> -> vector<16xf32>
        %parallel_loop3A_320 = arith.constant 16 : i32
        %parallel_loop3A_321 = vector.broadcast %parallel_loop3A_320 : i32 to vector<16xi32>
        %parallel_loop3A_322 = arith.shli %parallel_loop3A_311, %parallel_loop3A_321 : vector<16xi32>
        %parallel_loop3A_323 = tpu.bitcast %parallel_loop3A_322 : vector<16xi32> -> vector<16xf32>
        %parallel_loop3A_324 = arith.constant -65536 : i32
        %parallel_loop3A_325 = vector.broadcast %parallel_loop3A_324 : i32 to vector<16xi32>
        %parallel_loop3A_326 = arith.andi %parallel_loop3A_311, %parallel_loop3A_325 : vector<16xi32>
        %parallel_loop3A_327 = tpu.bitcast %parallel_loop3A_326 : vector<16xi32> -> vector<16xf32>
        %parallel_loop3A_328 = arith.mulf %get3A_273, %parallel_loop3A_315 : vector<16xf32>
        %parallel_loop3A_329 = arith.mulf %get3A_283, %parallel_loop3A_323 : vector<16xf32>
        %parallel_loop3A_330 = arith.addf %parallel_loop3A_328, %parallel_loop3A_329 : vector<16xf32>
        %parallel_loop3A_331 = arith.index_cast %parallel_loop3A_293 : i32 to index
        %parallel_loop3A_332 = arith.index_cast %mul3A_271 : i32 to index
        %parallel_loop3A_333 = tpu.vector_load %arg10[%parallel_loop3A_331, %parallel_loop3A_332] {strides = array<i32>} : memref<32x1024xf32, #tpu.memory_space<vmem>>, vector<1x16xf32>,
        %parallel_loop3A_334 = vector.shape_cast %parallel_loop3A_333 : vector<1x16xf32> to vector<16xf32>
        %parallel_loop3A_335 = vector.shape_cast %parallel_loop3A_330 : vector<16xf32> to vector<1x16xf32>
        tpu.vector_store %arg10[%parallel_loop3A_331, %parallel_loop3A_332], %parallel_loop3A_335 {add = true, strides = array<i32>} : memref<32x1024xf32, #tpu.memory_space<vmem>>, vector<1x16xf32>,
        %parallel_loop3A_336 = arith.constant 16 : i32
        %parallel_loop3A_337 = arith.addi %mul3A_271, %parallel_loop3A_336 : i32
        %parallel_loop3A_338 = arith.mulf %get3A_278, %parallel_loop3A_319 : vector<16xf32>
        %parallel_loop3A_339 = arith.mulf %get3A_290, %parallel_loop3A_327 : vector<16xf32>
        %parallel_loop3A_340 = arith.addf %parallel_loop3A_338, %parallel_loop3A_339 : vector<16xf32>
        %parallel_loop3A_341 = arith.index_cast %parallel_loop3A_293 : i32 to index
        %parallel_loop3A_342 = arith.index_cast %parallel_loop3A_337 : i32 to index
        %parallel_loop3A_343 = tpu.vector_load %arg10[%parallel_loop3A_341, %parallel_loop3A_342] {strides = array<i32>} : memref<32x1024xf32, #tpu.memory_space<vmem>>, vector<1x16xf32>,
        %parallel_loop3A_344 = vector.shape_cast %parallel_loop3A_343 : vector<1x16xf32> to vector<16xf32>
        %parallel_loop3A_345 = vector.shape_cast %parallel_loop3A_340 : vector<16xf32> to vector<1x16xf32>
        tpu.vector_store %arg10[%parallel_loop3A_341, %parallel_loop3A_342], %parallel_loop3A_345 {add = true, strides = array<i32>} : memref<32x1024xf32, #tpu.memory_space<vmem>>, vector<1x16xf32>,
      } {sc.loop_unroll_factor = 4 : i64, sc.parallel_access}
    }
    %scan3A_27 = arith.constant 32 : i32
    %add3A_28 = arith.constant 0 : i32
    %add3A_29 = arith.addi %mul3A_2, %add3A_28 : i32
    %dma_start3A_30 = arith.constant 0 : i32
    %dma_start3A_31 = arith.constant 0 : i32
    %dma_start3A_32 = tpu.memref_slice %arg6[%dma_start3A_30, %add3A_29, %dma_start3A_31] : memref<4x2048x1024xf32, #tpu.memory_space<hbm>> -> memref<1x32x1024xf32, #tpu.memory_space<hbm>>
    %dma_start3A_33 = tpu.memref_squeeze %dma_start3A_32 : memref<1x32x1024xf32, #tpu.memory_space<hbm>> -> memref<32x1024xf32, #tpu.memory_space<hbm>>
    %dma_start3A_34 = arith.constant 0 : i32
    %dma_start3A_35 = tpu.memref_slice %arg6[%dma_start3A_30, %add3A_29, %dma_start3A_34] : memref<4x2048x1024xf32, #tpu.memory_space<hbm>> -> memref<1x32x1024xf32, #tpu.memory_space<hbm>>
    %dma_start3A_36 = tpu.memref_squeeze %dma_start3A_35 : memref<1x32x1024xf32, #tpu.memory_space<hbm>> -> memref<32x1024xf32, #tpu.memory_space<hbm>>
    tpu.enqueue_dma source(%arg10 : memref<32x1024xf32, #tpu.memory_space<vmem>>) target(%dma_start3A_36 : memref<32x1024xf32, #tpu.memory_space<hbm>>) target_semaphore(%arg14 : memref<!tpu.dma_semaphore, #tpu.memory_space<semaphore_mem>>)
    %dma_wait3A_37 = arith.constant 0 : i32
    %dma_wait3A_38 = arith.constant 0 : i32
    %dma_wait3A_39 = tpu.memref_slice %arg6[%dma_wait3A_37, %add3A_29, %dma_wait3A_38] : memref<4x2048x1024xf32, #tpu.memory_space<hbm>> -> memref<1x32x1024xf32, #tpu.memory_space<hbm>>
    %dma_wait3A_40 = tpu.memref_squeeze %dma_wait3A_39 : memref<1x32x1024xf32, #tpu.memory_space<hbm>> -> memref<32x1024xf32, #tpu.memory_space<hbm>>
    %dma_wait3A_41 = arith.constant 0 : i32
    %dma_wait3A_42 = tpu.memref_slice %arg6[%dma_wait3A_37, %add3A_29, %dma_wait3A_41] : memref<4x2048x1024xf32, #tpu.memory_space<hbm>> -> memref<1x32x1024xf32, #tpu.memory_space<hbm>>
    %dma_wait3A_43 = tpu.memref_squeeze %dma_wait3A_42 : memref<1x32x1024xf32, #tpu.memory_space<hbm>> -> memref<32x1024xf32, #tpu.memory_space<hbm>>
    tpu.wait_dma2 semaphore(%arg14 : memref<!tpu.dma_semaphore, #tpu.memory_space<semaphore_mem>>) src(%arg10 : memref<32x1024xf32, #tpu.memory_space<vmem>>) dst(%dma_wait3A_43 : memref<32x1024xf32, #tpu.memory_space<hbm>>)
    %dma_start3A_44 = arith.constant 128 : i32
    %dma_start3A_45 = tpu.memref_slice %arg7[%dma_start3A_44] : memref<256xi32, #tpu.memory_space<vmem>> -> memref<32xi32, #tpu.memory_space<vmem>>
    %dma_start3A_46 = arith.constant 0 : i32
    %dma_start3A_47 = arith.constant 0 : i32
    %dma_start3A_48 = tpu.memref_slice %arg3[%dma_start3A_46, %dma_start3A_47] : memref<100000x1024xf32, #tpu.memory_space<hbm>> -> memref<100000x1024xf32, #tpu.memory_space<hbm>>
    tpu.enqueue_indirect_dma source(%dma_start3A_48 : memref<100000x1024xf32, #tpu.memory_space<hbm>>) target(%arg10 : memref<32x1024xf32, #tpu.memory_space<vmem>>) offsets(%dma_start3A_45 : memref<32xi32, #tpu.memory_space<vmem>>) semaphore(%arg12 : memref<!tpu.dma_semaphore, #tpu.memory_space<semaphore_mem>>)
    %dma_wait3A_49 = arith.constant 64 : i32
    %dma_wait3A_50 = tpu.memref_slice %arg7[%dma_wait3A_49] : memref<256xi32, #tpu.memory_space<vmem>> -> memref<32xi32, #tpu.memory_space<vmem>>
    %dma_wait3A_51 = arith.constant 0 : i32
    %dma_wait3A_52 = arith.constant 0 : i32
    %dma_wait3A_53 = tpu.memref_slice %arg3[%dma_wait3A_51, %dma_wait3A_52] : memref<100000x1024xf32, #tpu.memory_space<hbm>> -> memref<100000x1024xf32, #tpu.memory_space<hbm>>
    tpu.wait_indirect_dma semaphore(%arg13 : memref<!tpu.dma_semaphore, #tpu.memory_space<semaphore_mem>>) src(%dma_wait3A_53 : memref<100000x1024xf32, #tpu.memory_space<hbm>>) dst(%arg11 : memref<32x1024xf32, #tpu.memory_space<vmem>>)
    %scan3A_54 = arith.constant 0 : i32
    %scan3A_55 = arith.constant 0 : i32
    %scan3A_56 = arith.constant 32 : i32
    %scan3A_57 = arith.addi %scan3A_55, %scan3A_56 : i32
    %scan3A_58 = arith.constant 1 : i32
    scf.for %scan3A_267 = %scan3A_55 to %scan3A_57 step %scan3A_58  : i32 {
      %mul3A_268 = arith.constant 2 : i32
      %mul3A_269 = arith.muli %scan3A_267, %mul3A_268 : i32
      %mul3A_270 = arith.constant 16 : i32
      %mul3A_271 = arith.muli %mul3A_269, %mul3A_270 : i32
      %get3A = arith.index_cast %mul3A_271 : i32 to index
      %get3A_272 = tpu.vector_load %arg8[%get3A] {strides = array<i32>} : memref<2048xf32, #tpu.memory_space<vmem>>, vector<16xf32>,
      %get3A_273 = vector.shape_cast %get3A_272 : vector<16xf32> to vector<16xf32>
      %add3A_274 = arith.constant 16 : i32
      %add3A_275 = arith.addi %mul3A_271, %add3A_274 : i32
      %get3A_276 = arith.index_cast %add3A_275 : i32 to index
      %get3A_277 = tpu.vector_load %arg8[%get3A_276] {strides = array<i32>} : memref<2048xf32, #tpu.memory_space<vmem>>, vector<16xf32>,
      %get3A_278 = vector.shape_cast %get3A_277 : vector<16xf32> to vector<16xf32>
      %add3A_279 = arith.constant 1024 : i32
      %add3A_280 = arith.addi %add3A_279, %mul3A_271 : i32
      %get3A_281 = arith.index_cast %add3A_280 : i32 to index
      %get3A_282 = tpu.vector_load %arg8[%get3A_281] {strides = array<i32>} : memref<2048xf32, #tpu.memory_space<vmem>>, vector<16xf32>,
      %get3A_283 = vector.shape_cast %get3A_282 : vector<16xf32> to vector<16xf32>
      %add3A_284 = arith.constant 1024 : i32
      %add3A_285 = arith.addi %add3A_284, %mul3A_271 : i32
      %add3A_286 = arith.constant 16 : i32
      %add3A_287 = arith.addi %add3A_285, %add3A_286 : i32
      %get3A_288 = arith.index_cast %add3A_287 : i32 to index
      %get3A_289 = tpu.vector_load %arg8[%get3A_288] {strides = array<i32>} : memref<2048xf32, #tpu.memory_space<vmem>>, vector<16xf32>,
      %get3A_290 = vector.shape_cast %get3A_289 : vector<16xf32> to vector<16xf32>
      %parallel_loop3A = arith.constant 0 : i32
      %parallel_loop3A_291 = arith.constant 32 : i32
      %parallel_loop3A_292 = arith.constant 1 : i32
      scf.for %parallel_loop3A_293 = %parallel_loop3A to %parallel_loop3A_291 step %parallel_loop3A_292  : i32 {
        %parallel_loop3A_294 = arith.constant 512 : i32
        %parallel_loop3A_295 = arith.muli %parallel_loop3A_293, %parallel_loop3A_294 : i32
        %parallel_loop3A_296 = arith.constant 16 : i32
        %parallel_loop3A_297 = arith.muli %scan3A_267, %parallel_loop3A_296 : i32
        %parallel_loop3A_298 = arith.addi %parallel_loop3A_295, %parallel_loop3A_297 : i32
        %parallel_loop3A_299 = arith.index_cast %parallel_loop3A_298 : i32 to index
        %parallel_loop3A_300 = tpu.vector_load %arg9[%parallel_loop3A_299] {strides = array<i32>} : memref<32768xi32, #tpu.memory_space<vmem>>, vector<16xi32>,
        %parallel_loop3A_301 = vector.shape_cast %parallel_loop3A_300 : vector<16xi32> to vector<16xi32>
        %parallel_loop3A_302 = arith.constant 512 : i32
        %parallel_loop3A_303 = arith.muli %parallel_loop3A_293, %parallel_loop3A_302 : i32
        %parallel_loop3A_304 = arith.constant 16384 : i32
        %parallel_loop3A_305 = arith.addi %parallel_loop3A_304, %parallel_loop3A_303 : i32
        %parallel_loop3A_306 = arith.constant 16 : i32
        %parallel_loop3A_307 = arith.muli %scan3A_267, %parallel_loop3A_306 : i32
        %parallel_loop3A_308 = arith.addi %parallel_loop3A_305, %parallel_loop3A_307 : i32
        %parallel_loop3A_309 = arith.index_cast %parallel_loop3A_308 : i32 to index
        %parallel_loop3A_310 = tpu.vector_load %arg9[%parallel_loop3A_309] {strides = array<i32>} : memref<32768xi32, #tpu.memory_space<vmem>>, vector<16xi32>,
        %parallel_loop3A_311 = vector.shape_cast %parallel_loop3A_310 : vector<16xi32> to vector<16xi32>
        %parallel_loop3A_312 = arith.constant 16 : i32
        %parallel_loop3A_313 = vector.broadcast %parallel_loop3A_312 : i32 to vector<16xi32>
        %parallel_loop3A_314 = arith.shli %parallel_loop3A_301, %parallel_loop3A_313 : vector<16xi32>
        %parallel_loop3A_315 = tpu.bitcast %parallel_loop3A_314 : vector<16xi32> -> vector<16xf32>
        %parallel_loop3A_316 = arith.constant -65536 : i32
        %parallel_loop3A_317 = vector.broadcast %parallel_loop3A_316 : i32 to vector<16xi32>
        %parallel_loop3A_318 = arith.andi %parallel_loop3A_301, %parallel_loop3A_317 : vector<16xi32>
        %parallel_loop3A_319 = tpu.bitcast %parallel_loop3A_318 : vector<16xi32> -> vector<16xf32>
        %parallel_loop3A_320 = arith.constant 16 : i32
        %parallel_loop3A_321 = vector.broadcast %parallel_loop3A_320 : i32 to vector<16xi32>
        %parallel_loop3A_322 = arith.shli %parallel_loop3A_311, %parallel_loop3A_321 : vector<16xi32>
        %parallel_loop3A_323 = tpu.bitcast %parallel_loop3A_322 : vector<16xi32> -> vector<16xf32>
        %parallel_loop3A_324 = arith.constant -65536 : i32
        %parallel_loop3A_325 = vector.broadcast %parallel_loop3A_324 : i32 to vector<16xi32>
        %parallel_loop3A_326 = arith.andi %parallel_loop3A_311, %parallel_loop3A_325 : vector<16xi32>
        %parallel_loop3A_327 = tpu.bitcast %parallel_loop3A_326 : vector<16xi32> -> vector<16xf32>
        %parallel_loop3A_328 = arith.mulf %get3A_273, %parallel_loop3A_315 : vector<16xf32>
        %parallel_loop3A_329 = arith.mulf %get3A_283, %parallel_loop3A_323 : vector<16xf32>
        %parallel_loop3A_330 = arith.addf %parallel_loop3A_328, %parallel_loop3A_329 : vector<16xf32>
        %parallel_loop3A_331 = arith.index_cast %parallel_loop3A_293 : i32 to index
        %parallel_loop3A_332 = arith.index_cast %mul3A_271 : i32 to index
        %parallel_loop3A_333 = tpu.vector_load %arg11[%parallel_loop3A_331, %parallel_loop3A_332] {strides = array<i32>} : memref<32x1024xf32, #tpu.memory_space<vmem>>, vector<1x16xf32>,
        %parallel_loop3A_334 = vector.shape_cast %parallel_loop3A_333 : vector<1x16xf32> to vector<16xf32>
        %parallel_loop3A_335 = vector.shape_cast %parallel_loop3A_330 : vector<16xf32> to vector<1x16xf32>
        tpu.vector_store %arg11[%parallel_loop3A_331, %parallel_loop3A_332], %parallel_loop3A_335 {add = true, strides = array<i32>} : memref<32x1024xf32, #tpu.memory_space<vmem>>, vector<1x16xf32>,
        %parallel_loop3A_336 = arith.constant 16 : i32
        %parallel_loop3A_337 = arith.addi %mul3A_271, %parallel_loop3A_336 : i32
        %parallel_loop3A_338 = arith.mulf %get3A_278, %parallel_loop3A_319 : vector<16xf32>
        %parallel_loop3A_339 = arith.mulf %get3A_290, %parallel_loop3A_327 : vector<16xf32>
        %parallel_loop3A_340 = arith.addf %parallel_loop3A_338, %parallel_loop3A_339 : vector<16xf32>
        %parallel_loop3A_341 = arith.index_cast %parallel_loop3A_293 : i32 to index
        %parallel_loop3A_342 = arith.index_cast %parallel_loop3A_337 : i32 to index
        %parallel_loop3A_343 = tpu.vector_load %arg11[%parallel_loop3A_341, %parallel_loop3A_342] {strides = array<i32>} : memref<32x1024xf32, #tpu.memory_space<vmem>>, vector<1x16xf32>,
        %parallel_loop3A_344 = vector.shape_cast %parallel_loop3A_343 : vector<1x16xf32> to vector<16xf32>
        %parallel_loop3A_345 = vector.shape_cast %parallel_loop3A_340 : vector<16xf32> to vector<1x16xf32>
        tpu.vector_store %arg11[%parallel_loop3A_341, %parallel_loop3A_342], %parallel_loop3A_345 {add = true, strides = array<i32>} : memref<32x1024xf32, #tpu.memory_space<vmem>>, vector<1x16xf32>,
      } {sc.loop_unroll_factor = 4 : i64, sc.parallel_access}
    }
    %scan3A_59 = arith.constant 32 : i32
    %add3A_60 = arith.constant 0 : i32
    %add3A_61 = arith.addi %mul3A_2, %add3A_60 : i32
    %dma_start3A_62 = arith.constant 1 : i32
    %dma_start3A_63 = arith.constant 0 : i32
    %dma_start3A_64 = tpu.memref_slice %arg6[%dma_start3A_62, %add3A_61, %dma_start3A_63] : memref<4x2048x1024xf32, #tpu.memory_space<hbm>> -> memref<1x32x1024xf32, #tpu.memory_space<hbm>>
    %dma_start3A_65 = tpu.memref_squeeze %dma_start3A_64 : memref<1x32x1024xf32, #tpu.memory_space<hbm>> -> memref<32x1024xf32, #tpu.memory_space<hbm>>
    %dma_start3A_66 = arith.constant 0 : i32
    %dma_start3A_67 = tpu.memref_slice %arg6[%dma_start3A_62, %add3A_61, %dma_start3A_66] : memref<4x2048x1024xf32, #tpu.memory_space<hbm>> -> memref<1x32x1024xf32, #tpu.memory_space<hbm>>
    %dma_start3A_68 = tpu.memref_squeeze %dma_start3A_67 : memref<1x32x1024xf32, #tpu.memory_space<hbm>> -> memref<32x1024xf32, #tpu.memory_space<hbm>>
    tpu.enqueue_dma source(%arg11 : memref<32x1024xf32, #tpu.memory_space<vmem>>) target(%dma_start3A_68 : memref<32x1024xf32, #tpu.memory_space<hbm>>) target_semaphore(%arg15 : memref<!tpu.dma_semaphore, #tpu.memory_space<semaphore_mem>>)
    %dma_wait3A_69 = arith.constant 1 : i32
    %dma_wait3A_70 = arith.constant 0 : i32
    %dma_wait3A_71 = tpu.memref_slice %arg6[%dma_wait3A_69, %add3A_61, %dma_wait3A_70] : memref<4x2048x1024xf32, #tpu.memory_space<hbm>> -> memref<1x32x1024xf32, #tpu.memory_space<hbm>>
    %dma_wait3A_72 = tpu.memref_squeeze %dma_wait3A_71 : memref<1x32x1024xf32, #tpu.memory_space<hbm>> -> memref<32x1024xf32, #tpu.memory_space<hbm>>
    %dma_wait3A_73 = arith.constant 0 : i32
    %dma_wait3A_74 = tpu.memref_slice %arg6[%dma_wait3A_69, %add3A_61, %dma_wait3A_73] : memref<4x2048x1024xf32, #tpu.memory_space<hbm>> -> memref<1x32x1024xf32, #tpu.memory_space<hbm>>
    %dma_wait3A_75 = tpu.memref_squeeze %dma_wait3A_74 : memref<1x32x1024xf32, #tpu.memory_space<hbm>> -> memref<32x1024xf32, #tpu.memory_space<hbm>>
    tpu.wait_dma2 semaphore(%arg15 : memref<!tpu.dma_semaphore, #tpu.memory_space<semaphore_mem>>) src(%arg11 : memref<32x1024xf32, #tpu.memory_space<vmem>>) dst(%dma_wait3A_75 : memref<32x1024xf32, #tpu.memory_space<hbm>>)
    %dma_start3A_76 = arith.constant 192 : i32
    %dma_start3A_77 = tpu.memref_slice %arg7[%dma_start3A_76] : memref<256xi32, #tpu.memory_space<vmem>> -> memref<32xi32, #tpu.memory_space<vmem>>
    %dma_start3A_78 = arith.constant 0 : i32
    %dma_start3A_79 = arith.constant 0 : i32
    %dma_start3A_80 = tpu.memref_slice %arg3[%dma_start3A_78, %dma_start3A_79] : memref<100000x1024xf32, #tpu.memory_space<hbm>> -> memref<100000x1024xf32, #tpu.memory_space<hbm>>
    tpu.enqueue_indirect_dma source(%dma_start3A_80 : memref<100000x1024xf32, #tpu.memory_space<hbm>>) target(%arg11 : memref<32x1024xf32, #tpu.memory_space<vmem>>) offsets(%dma_start3A_77 : memref<32xi32, #tpu.memory_space<vmem>>) semaphore(%arg13 : memref<!tpu.dma_semaphore, #tpu.memory_space<semaphore_mem>>)
    %dma_wait3A_81 = arith.constant 128 : i32
    %dma_wait3A_82 = tpu.memref_slice %arg7[%dma_wait3A_81] : memref<256xi32, #tpu.memory_space<vmem>> -> memref<32xi32, #tpu.memory_space<vmem>>
    %dma_wait3A_83 = arith.constant 0 : i32
    %dma_wait3A_84 = arith.constant 0 : i32
    %dma_wait3A_85 = tpu.memref_slice %arg3[%dma_wait3A_83, %dma_wait3A_84] : memref<100000x1024xf32, #tpu.memory_space<hbm>> -> memref<100000x1024xf32, #tpu.memory_space<hbm>>
    tpu.wait_indirect_dma semaphore(%arg12 : memref<!tpu.dma_semaphore, #tpu.memory_space<semaphore_mem>>) src(%dma_wait3A_85 : memref<100000x1024xf32, #tpu.memory_space<hbm>>) dst(%arg10 : memref<32x1024xf32, #tpu.memory_space<vmem>>)
    %scan3A_86 = arith.constant 0 : i32
    %scan3A_87 = arith.constant 0 : i32
    %scan3A_88 = arith.constant 32 : i32
    %scan3A_89 = arith.addi %scan3A_87, %scan3A_88 : i32
    %scan3A_90 = arith.constant 1 : i32
    scf.for %scan3A_267 = %scan3A_87 to %scan3A_89 step %scan3A_90  : i32 {
      %mul3A_268 = arith.constant 2 : i32
      %mul3A_269 = arith.muli %scan3A_267, %mul3A_268 : i32
      %mul3A_270 = arith.constant 16 : i32
      %mul3A_271 = arith.muli %mul3A_269, %mul3A_270 : i32
      %get3A = arith.index_cast %mul3A_271 : i32 to index
      %get3A_272 = tpu.vector_load %arg8[%get3A] {strides = array<i32>} : memref<2048xf32, #tpu.memory_space<vmem>>, vector<16xf32>,
      %get3A_273 = vector.shape_cast %get3A_272 : vector<16xf32> to vector<16xf32>
      %add3A_274 = arith.constant 16 : i32
      %add3A_275 = arith.addi %mul3A_271, %add3A_274 : i32
      %get3A_276 = arith.index_cast %add3A_275 : i32 to index
      %get3A_277 = tpu.vector_load %arg8[%get3A_276] {strides = array<i32>} : memref<2048xf32, #tpu.memory_space<vmem>>, vector<16xf32>,
      %get3A_278 = vector.shape_cast %get3A_277 : vector<16xf32> to vector<16xf32>
      %add3A_279 = arith.constant 1024 : i32
      %add3A_280 = arith.addi %add3A_279, %mul3A_271 : i32
      %get3A_281 = arith.index_cast %add3A_280 : i32 to index
      %get3A_282 = tpu.vector_load %arg8[%get3A_281] {strides = array<i32>} : memref<2048xf32, #tpu.memory_space<vmem>>, vector<16xf32>,
      %get3A_283 = vector.shape_cast %get3A_282 : vector<16xf32> to vector<16xf32>
      %add3A_284 = arith.constant 1024 : i32
      %add3A_285 = arith.addi %add3A_284, %mul3A_271 : i32
      %add3A_286 = arith.constant 16 : i32
      %add3A_287 = arith.addi %add3A_285, %add3A_286 : i32
      %get3A_288 = arith.index_cast %add3A_287 : i32 to index
      %get3A_289 = tpu.vector_load %arg8[%get3A_288] {strides = array<i32>} : memref<2048xf32, #tpu.memory_space<vmem>>, vector<16xf32>,
      %get3A_290 = vector.shape_cast %get3A_289 : vector<16xf32> to vector<16xf32>
      %parallel_loop3A = arith.constant 0 : i32
      %parallel_loop3A_291 = arith.constant 32 : i32
      %parallel_loop3A_292 = arith.constant 1 : i32
      scf.for %parallel_loop3A_293 = %parallel_loop3A to %parallel_loop3A_291 step %parallel_loop3A_292  : i32 {
        %parallel_loop3A_294 = arith.constant 512 : i32
        %parallel_loop3A_295 = arith.muli %parallel_loop3A_293, %parallel_loop3A_294 : i32
        %parallel_loop3A_296 = arith.constant 16 : i32
        %parallel_loop3A_297 = arith.muli %scan3A_267, %parallel_loop3A_296 : i32
        %parallel_loop3A_298 = arith.addi %parallel_loop3A_295, %parallel_loop3A_297 : i32
        %parallel_loop3A_299 = arith.index_cast %parallel_loop3A_298 : i32 to index
        %parallel_loop3A_300 = tpu.vector_load %arg9[%parallel_loop3A_299] {strides = array<i32>} : memref<32768xi32, #tpu.memory_space<vmem>>, vector<16xi32>,
        %parallel_loop3A_301 = vector.shape_cast %parallel_loop3A_300 : vector<16xi32> to vector<16xi32>
        %parallel_loop3A_302 = arith.constant 512 : i32
        %parallel_loop3A_303 = arith.muli %parallel_loop3A_293, %parallel_loop3A_302 : i32
        %parallel_loop3A_304 = arith.constant 16384 : i32
        %parallel_loop3A_305 = arith.addi %parallel_loop3A_304, %parallel_loop3A_303 : i32
        %parallel_loop3A_306 = arith.constant 16 : i32
        %parallel_loop3A_307 = arith.muli %scan3A_267, %parallel_loop3A_306 : i32
        %parallel_loop3A_308 = arith.addi %parallel_loop3A_305, %parallel_loop3A_307 : i32
        %parallel_loop3A_309 = arith.index_cast %parallel_loop3A_308 : i32 to index
        %parallel_loop3A_310 = tpu.vector_load %arg9[%parallel_loop3A_309] {strides = array<i32>} : memref<32768xi32, #tpu.memory_space<vmem>>, vector<16xi32>,
        %parallel_loop3A_311 = vector.shape_cast %parallel_loop3A_310 : vector<16xi32> to vector<16xi32>
        %parallel_loop3A_312 = arith.constant 16 : i32
        %parallel_loop3A_313 = vector.broadcast %parallel_loop3A_312 : i32 to vector<16xi32>
        %parallel_loop3A_314 = arith.shli %parallel_loop3A_301, %parallel_loop3A_313 : vector<16xi32>
        %parallel_loop3A_315 = tpu.bitcast %parallel_loop3A_314 : vector<16xi32> -> vector<16xf32>
        %parallel_loop3A_316 = arith.constant -65536 : i32
        %parallel_loop3A_317 = vector.broadcast %parallel_loop3A_316 : i32 to vector<16xi32>
        %parallel_loop3A_318 = arith.andi %parallel_loop3A_301, %parallel_loop3A_317 : vector<16xi32>
        %parallel_loop3A_319 = tpu.bitcast %parallel_loop3A_318 : vector<16xi32> -> vector<16xf32>
        %parallel_loop3A_320 = arith.constant 16 : i32
        %parallel_loop3A_321 = vector.broadcast %parallel_loop3A_320 : i32 to vector<16xi32>
        %parallel_loop3A_322 = arith.shli %parallel_loop3A_311, %parallel_loop3A_321 : vector<16xi32>
        %parallel_loop3A_323 = tpu.bitcast %parallel_loop3A_322 : vector<16xi32> -> vector<16xf32>
        %parallel_loop3A_324 = arith.constant -65536 : i32
        %parallel_loop3A_325 = vector.broadcast %parallel_loop3A_324 : i32 to vector<16xi32>
        %parallel_loop3A_326 = arith.andi %parallel_loop3A_311, %parallel_loop3A_325 : vector<16xi32>
        %parallel_loop3A_327 = tpu.bitcast %parallel_loop3A_326 : vector<16xi32> -> vector<16xf32>
        %parallel_loop3A_328 = arith.mulf %get3A_273, %parallel_loop3A_315 : vector<16xf32>
        %parallel_loop3A_329 = arith.mulf %get3A_283, %parallel_loop3A_323 : vector<16xf32>
        %parallel_loop3A_330 = arith.addf %parallel_loop3A_328, %parallel_loop3A_329 : vector<16xf32>
        %parallel_loop3A_331 = arith.index_cast %parallel_loop3A_293 : i32 to index
        %parallel_loop3A_332 = arith.index_cast %mul3A_271 : i32 to index
        %parallel_loop3A_333 = tpu.vector_load %arg10[%parallel_loop3A_331, %parallel_loop3A_332] {strides = array<i32>} : memref<32x1024xf32, #tpu.memory_space<vmem>>, vector<1x16xf32>,
        %parallel_loop3A_334 = vector.shape_cast %parallel_loop3A_333 : vector<1x16xf32> to vector<16xf32>
        %parallel_loop3A_335 = vector.shape_cast %parallel_loop3A_330 : vector<16xf32> to vector<1x16xf32>
        tpu.vector_store %arg10[%parallel_loop3A_331, %parallel_loop3A_332], %parallel_loop3A_335 {add = true, strides = array<i32>} : memref<32x1024xf32, #tpu.memory_space<vmem>>, vector<1x16xf32>,
        %parallel_loop3A_336 = arith.constant 16 : i32
        %parallel_loop3A_337 = arith.addi %mul3A_271, %parallel_loop3A_336 : i32
        %parallel_loop3A_338 = arith.mulf %get3A_278, %parallel_loop3A_319 : vector<16xf32>
        %parallel_loop3A_339 = arith.mulf %get3A_290, %parallel_loop3A_327 : vector<16xf32>
        %parallel_loop3A_340 = arith.addf %parallel_loop3A_338, %parallel_loop3A_339 : vector<16xf32>
        %parallel_loop3A_341 = arith.index_cast %parallel_loop3A_293 : i32 to index
        %parallel_loop3A_342 = arith.index_cast %parallel_loop3A_337 : i32 to index
        %parallel_loop3A_343 = tpu.vector_load %arg10[%parallel_loop3A_341, %parallel_loop3A_342] {strides = array<i32>} : memref<32x1024xf32, #tpu.memory_space<vmem>>, vector<1x16xf32>,
        %parallel_loop3A_344 = vector.shape_cast %parallel_loop3A_343 : vector<1x16xf32> to vector<16xf32>
        %parallel_loop3A_345 = vector.shape_cast %parallel_loop3A_340 : vector<16xf32> to vector<1x16xf32>
        tpu.vector_store %arg10[%parallel_loop3A_341, %parallel_loop3A_342], %parallel_loop3A_345 {add = true, strides = array<i32>} : memref<32x1024xf32, #tpu.memory_space<vmem>>, vector<1x16xf32>,
      } {sc.loop_unroll_factor = 4 : i64, sc.parallel_access}
    }
    %scan3A_91 = arith.constant 32 : i32
    %add3A_92 = arith.constant 0 : i32
    %add3A_93 = arith.addi %mul3A_2, %add3A_92 : i32
    %dma_start3A_94 = arith.constant 2 : i32
    %dma_start3A_95 = arith.constant 0 : i32
    %dma_start3A_96 = tpu.memref_slice %arg6[%dma_start3A_94, %add3A_93, %dma_start3A_95] : memref<4x2048x1024xf32, #tpu.memory_space<hbm>> -> memref<1x32x1024xf32, #tpu.memory_space<hbm>>
    %dma_start3A_97 = tpu.memref_squeeze %dma_start3A_96 : memref<1x32x1024xf32, #tpu.memory_space<hbm>> -> memref<32x1024xf32, #tpu.memory_space<hbm>>
    %dma_start3A_98 = arith.constant 0 : i32
    %dma_start3A_99 = tpu.memref_slice %arg6[%dma_start3A_94, %add3A_93, %dma_start3A_98] : memref<4x2048x1024xf32, #tpu.memory_space<hbm>> -> memref<1x32x1024xf32, #tpu.memory_space<hbm>>
    %dma_start3A_100 = tpu.memref_squeeze %dma_start3A_99 : memref<1x32x1024xf32, #tpu.memory_space<hbm>> -> memref<32x1024xf32, #tpu.memory_space<hbm>>
    tpu.enqueue_dma source(%arg10 : memref<32x1024xf32, #tpu.memory_space<vmem>>) target(%dma_start3A_100 : memref<32x1024xf32, #tpu.memory_space<hbm>>) target_semaphore(%arg14 : memref<!tpu.dma_semaphore, #tpu.memory_space<semaphore_mem>>)
    %dma_wait3A_101 = arith.constant 2 : i32
    %dma_wait3A_102 = arith.constant 0 : i32
    %dma_wait3A_103 = tpu.memref_slice %arg6[%dma_wait3A_101, %add3A_93, %dma_wait3A_102] : memref<4x2048x1024xf32, #tpu.memory_space<hbm>> -> memref<1x32x1024xf32, #tpu.memory_space<hbm>>
    %dma_wait3A_104 = tpu.memref_squeeze %dma_wait3A_103 : memref<1x32x1024xf32, #tpu.memory_space<hbm>> -> memref<32x1024xf32, #tpu.memory_space<hbm>>
    %dma_wait3A_105 = arith.constant 0 : i32
    %dma_wait3A_106 = tpu.memref_slice %arg6[%dma_wait3A_101, %add3A_93, %dma_wait3A_105] : memref<4x2048x1024xf32, #tpu.memory_space<hbm>> -> memref<1x32x1024xf32, #tpu.memory_space<hbm>>
    %dma_wait3A_107 = tpu.memref_squeeze %dma_wait3A_106 : memref<1x32x1024xf32, #tpu.memory_space<hbm>> -> memref<32x1024xf32, #tpu.memory_space<hbm>>
    tpu.wait_dma2 semaphore(%arg14 : memref<!tpu.dma_semaphore, #tpu.memory_space<semaphore_mem>>) src(%arg10 : memref<32x1024xf32, #tpu.memory_space<vmem>>) dst(%dma_wait3A_107 : memref<32x1024xf32, #tpu.memory_space<hbm>>)
    %dma_start3A_108 = arith.constant 32 : i32
    %dma_start3A_109 = tpu.memref_slice %arg7[%dma_start3A_108] : memref<256xi32, #tpu.memory_space<vmem>> -> memref<32xi32, #tpu.memory_space<vmem>>
    %dma_start3A_110 = arith.constant 0 : i32
    %dma_start3A_111 = arith.constant 0 : i32
    %dma_start3A_112 = tpu.memref_slice %arg3[%dma_start3A_110, %dma_start3A_111] : memref<100000x1024xf32, #tpu.memory_space<hbm>> -> memref<100000x1024xf32, #tpu.memory_space<hbm>>
    tpu.enqueue_indirect_dma source(%dma_start3A_112 : memref<100000x1024xf32, #tpu.memory_space<hbm>>) target(%arg10 : memref<32x1024xf32, #tpu.memory_space<vmem>>) offsets(%dma_start3A_109 : memref<32xi32, #tpu.memory_space<vmem>>) semaphore(%arg12 : memref<!tpu.dma_semaphore, #tpu.memory_space<semaphore_mem>>)
    %dma_wait3A_113 = arith.constant 192 : i32
    %dma_wait3A_114 = tpu.memref_slice %arg7[%dma_wait3A_113] : memref<256xi32, #tpu.memory_space<vmem>> -> memref<32xi32, #tpu.memory_space<vmem>>
    %dma_wait3A_115 = arith.constant 0 : i32
    %dma_wait3A_116 = arith.constant 0 : i32
    %dma_wait3A_117 = tpu.memref_slice %arg3[%dma_wait3A_115, %dma_wait3A_116] : memref<100000x1024xf32, #tpu.memory_space<hbm>> -> memref<100000x1024xf32, #tpu.memory_space<hbm>>
    tpu.wait_indirect_dma semaphore(%arg13 : memref<!tpu.dma_semaphore, #tpu.memory_space<semaphore_mem>>) src(%dma_wait3A_117 : memref<100000x1024xf32, #tpu.memory_space<hbm>>) dst(%arg11 : memref<32x1024xf32, #tpu.memory_space<vmem>>)
    %scan3A_118 = arith.constant 0 : i32
    %scan3A_119 = arith.constant 0 : i32
    %scan3A_120 = arith.constant 32 : i32
    %scan3A_121 = arith.addi %scan3A_119, %scan3A_120 : i32
    %scan3A_122 = arith.constant 1 : i32
    scf.for %scan3A_267 = %scan3A_119 to %scan3A_121 step %scan3A_122  : i32 {
      %mul3A_268 = arith.constant 2 : i32
      %mul3A_269 = arith.muli %scan3A_267, %mul3A_268 : i32
      %mul3A_270 = arith.constant 16 : i32
      %mul3A_271 = arith.muli %mul3A_269, %mul3A_270 : i32
      %get3A = arith.index_cast %mul3A_271 : i32 to index
      %get3A_272 = tpu.vector_load %arg8[%get3A] {strides = array<i32>} : memref<2048xf32, #tpu.memory_space<vmem>>, vector<16xf32>,
      %get3A_273 = vector.shape_cast %get3A_272 : vector<16xf32> to vector<16xf32>
      %add3A_274 = arith.constant 16 : i32
      %add3A_275 = arith.addi %mul3A_271, %add3A_274 : i32
      %get3A_276 = arith.index_cast %add3A_275 : i32 to index
      %get3A_277 = tpu.vector_load %arg8[%get3A_276] {strides = array<i32>} : memref<2048xf32, #tpu.memory_space<vmem>>, vector<16xf32>,
      %get3A_278 = vector.shape_cast %get3A_277 : vector<16xf32> to vector<16xf32>
      %add3A_279 = arith.constant 1024 : i32
      %add3A_280 = arith.addi %add3A_279, %mul3A_271 : i32
      %get3A_281 = arith.index_cast %add3A_280 : i32 to index
      %get3A_282 = tpu.vector_load %arg8[%get3A_281] {strides = array<i32>} : memref<2048xf32, #tpu.memory_space<vmem>>, vector<16xf32>,
      %get3A_283 = vector.shape_cast %get3A_282 : vector<16xf32> to vector<16xf32>
      %add3A_284 = arith.constant 1024 : i32
      %add3A_285 = arith.addi %add3A_284, %mul3A_271 : i32
      %add3A_286 = arith.constant 16 : i32
      %add3A_287 = arith.addi %add3A_285, %add3A_286 : i32
      %get3A_288 = arith.index_cast %add3A_287 : i32 to index
      %get3A_289 = tpu.vector_load %arg8[%get3A_288] {strides = array<i32>} : memref<2048xf32, #tpu.memory_space<vmem>>, vector<16xf32>,
      %get3A_290 = vector.shape_cast %get3A_289 : vector<16xf32> to vector<16xf32>
      %parallel_loop3A = arith.constant 0 : i32
      %parallel_loop3A_291 = arith.constant 32 : i32
      %parallel_loop3A_292 = arith.constant 1 : i32
      scf.for %parallel_loop3A_293 = %parallel_loop3A to %parallel_loop3A_291 step %parallel_loop3A_292  : i32 {
        %parallel_loop3A_294 = arith.constant 512 : i32
        %parallel_loop3A_295 = arith.muli %parallel_loop3A_293, %parallel_loop3A_294 : i32
        %parallel_loop3A_296 = arith.constant 16 : i32
        %parallel_loop3A_297 = arith.muli %scan3A_267, %parallel_loop3A_296 : i32
        %parallel_loop3A_298 = arith.addi %parallel_loop3A_295, %parallel_loop3A_297 : i32
        %parallel_loop3A_299 = arith.index_cast %parallel_loop3A_298 : i32 to index
        %parallel_loop3A_300 = tpu.vector_load %arg9[%parallel_loop3A_299] {strides = array<i32>} : memref<32768xi32, #tpu.memory_space<vmem>>, vector<16xi32>,
        %parallel_loop3A_301 = vector.shape_cast %parallel_loop3A_300 : vector<16xi32> to vector<16xi32>
        %parallel_loop3A_302 = arith.constant 512 : i32
        %parallel_loop3A_303 = arith.muli %parallel_loop3A_293, %parallel_loop3A_302 : i32
        %parallel_loop3A_304 = arith.constant 16384 : i32
        %parallel_loop3A_305 = arith.addi %parallel_loop3A_304, %parallel_loop3A_303 : i32
        %parallel_loop3A_306 = arith.constant 16 : i32
        %parallel_loop3A_307 = arith.muli %scan3A_267, %parallel_loop3A_306 : i32
        %parallel_loop3A_308 = arith.addi %parallel_loop3A_305, %parallel_loop3A_307 : i32
        %parallel_loop3A_309 = arith.index_cast %parallel_loop3A_308 : i32 to index
        %parallel_loop3A_310 = tpu.vector_load %arg9[%parallel_loop3A_309] {strides = array<i32>} : memref<32768xi32, #tpu.memory_space<vmem>>, vector<16xi32>,
        %parallel_loop3A_311 = vector.shape_cast %parallel_loop3A_310 : vector<16xi32> to vector<16xi32>
        %parallel_loop3A_312 = arith.constant 16 : i32
        %parallel_loop3A_313 = vector.broadcast %parallel_loop3A_312 : i32 to vector<16xi32>
        %parallel_loop3A_314 = arith.shli %parallel_loop3A_301, %parallel_loop3A_313 : vector<16xi32>
        %parallel_loop3A_315 = tpu.bitcast %parallel_loop3A_314 : vector<16xi32> -> vector<16xf32>
        %parallel_loop3A_316 = arith.constant -65536 : i32
        %parallel_loop3A_317 = vector.broadcast %parallel_loop3A_316 : i32 to vector<16xi32>
        %parallel_loop3A_318 = arith.andi %parallel_loop3A_301, %parallel_loop3A_317 : vector<16xi32>
        %parallel_loop3A_319 = tpu.bitcast %parallel_loop3A_318 : vector<16xi32> -> vector<16xf32>
        %parallel_loop3A_320 = arith.constant 16 : i32
        %parallel_loop3A_321 = vector.broadcast %parallel_loop3A_320 : i32 to vector<16xi32>
        %parallel_loop3A_322 = arith.shli %parallel_loop3A_311, %parallel_loop3A_321 : vector<16xi32>
        %parallel_loop3A_323 = tpu.bitcast %parallel_loop3A_322 : vector<16xi32> -> vector<16xf32>
        %parallel_loop3A_324 = arith.constant -65536 : i32
        %parallel_loop3A_325 = vector.broadcast %parallel_loop3A_324 : i32 to vector<16xi32>
        %parallel_loop3A_326 = arith.andi %parallel_loop3A_311, %parallel_loop3A_325 : vector<16xi32>
        %parallel_loop3A_327 = tpu.bitcast %parallel_loop3A_326 : vector<16xi32> -> vector<16xf32>
        %parallel_loop3A_328 = arith.mulf %get3A_273, %parallel_loop3A_315 : vector<16xf32>
        %parallel_loop3A_329 = arith.mulf %get3A_283, %parallel_loop3A_323 : vector<16xf32>
        %parallel_loop3A_330 = arith.addf %parallel_loop3A_328, %parallel_loop3A_329 : vector<16xf32>
        %parallel_loop3A_331 = arith.index_cast %parallel_loop3A_293 : i32 to index
        %parallel_loop3A_332 = arith.index_cast %mul3A_271 : i32 to index
        %parallel_loop3A_333 = tpu.vector_load %arg11[%parallel_loop3A_331, %parallel_loop3A_332] {strides = array<i32>} : memref<32x1024xf32, #tpu.memory_space<vmem>>, vector<1x16xf32>,
        %parallel_loop3A_334 = vector.shape_cast %parallel_loop3A_333 : vector<1x16xf32> to vector<16xf32>
        %parallel_loop3A_335 = vector.shape_cast %parallel_loop3A_330 : vector<16xf32> to vector<1x16xf32>
        tpu.vector_store %arg11[%parallel_loop3A_331, %parallel_loop3A_332], %parallel_loop3A_335 {add = true, strides = array<i32>} : memref<32x1024xf32, #tpu.memory_space<vmem>>, vector<1x16xf32>,
        %parallel_loop3A_336 = arith.constant 16 : i32
        %parallel_loop3A_337 = arith.addi %mul3A_271, %parallel_loop3A_336 : i32
        %parallel_loop3A_338 = arith.mulf %get3A_278, %parallel_loop3A_319 : vector<16xf32>
        %parallel_loop3A_339 = arith.mulf %get3A_290, %parallel_loop3A_327 : vector<16xf32>
        %parallel_loop3A_340 = arith.addf %parallel_loop3A_338, %parallel_loop3A_339 : vector<16xf32>
        %parallel_loop3A_341 = arith.index_cast %parallel_loop3A_293 : i32 to index
        %parallel_loop3A_342 = arith.index_cast %parallel_loop3A_337 : i32 to index
        %parallel_loop3A_343 = tpu.vector_load %arg11[%parallel_loop3A_341, %parallel_loop3A_342] {strides = array<i32>} : memref<32x1024xf32, #tpu.memory_space<vmem>>, vector<1x16xf32>,
        %parallel_loop3A_344 = vector.shape_cast %parallel_loop3A_343 : vector<1x16xf32> to vector<16xf32>
        %parallel_loop3A_345 = vector.shape_cast %parallel_loop3A_340 : vector<16xf32> to vector<1x16xf32>
        tpu.vector_store %arg11[%parallel_loop3A_341, %parallel_loop3A_342], %parallel_loop3A_345 {add = true, strides = array<i32>} : memref<32x1024xf32, #tpu.memory_space<vmem>>, vector<1x16xf32>,
      } {sc.loop_unroll_factor = 4 : i64, sc.parallel_access}
    }
    %scan3A_123 = arith.constant 32 : i32
    %add3A_124 = arith.constant 0 : i32
    %add3A_125 = arith.addi %mul3A_2, %add3A_124 : i32
    %dma_start3A_126 = arith.constant 3 : i32
    %dma_start3A_127 = arith.constant 0 : i32
    %dma_start3A_128 = tpu.memref_slice %arg6[%dma_start3A_126, %add3A_125, %dma_start3A_127] : memref<4x2048x1024xf32, #tpu.memory_space<hbm>> -> memref<1x32x1024xf32, #tpu.memory_space<hbm>>
    %dma_start3A_129 = tpu.memref_squeeze %dma_start3A_128 : memref<1x32x1024xf32, #tpu.memory_space<hbm>> -> memref<32x1024xf32, #tpu.memory_space<hbm>>
    %dma_start3A_130 = arith.constant 0 : i32
    %dma_start3A_131 = tpu.memref_slice %arg6[%dma_start3A_126, %add3A_125, %dma_start3A_130] : memref<4x2048x1024xf32, #tpu.memory_space<hbm>> -> memref<1x32x1024xf32, #tpu.memory_space<hbm>>
    %dma_start3A_132 = tpu.memref_squeeze %dma_start3A_131 : memref<1x32x1024xf32, #tpu.memory_space<hbm>> -> memref<32x1024xf32, #tpu.memory_space<hbm>>
    tpu.enqueue_dma source(%arg11 : memref<32x1024xf32, #tpu.memory_space<vmem>>) target(%dma_start3A_132 : memref<32x1024xf32, #tpu.memory_space<hbm>>) target_semaphore(%arg15 : memref<!tpu.dma_semaphore, #tpu.memory_space<semaphore_mem>>)
    %add3A_133 = arith.constant 1 : i32
    %add3A_134 = arith.addi %mul3A_4, %add3A_133 : i32
    %mul3A_135 = arith.constant 2048 : i32
    %mul3A_136 = arith.muli %add3A_134, %mul3A_135 : i32
    "tpu.region"() ({
      %run_scoped3A_267 = tpu.sem_alloc : memref<!tpu.dma_semaphore, #tpu.memory_space<semaphore_mem>>
      %dma_start3A_268 = tpu.memref_slice %arg4[%mul3A_136] : memref<131072xf32, #tpu.memory_space<hbm>> -> memref<2048xf32, #tpu.memory_space<hbm>>
      %dma_start3A_269 = tpu.memref_slice %arg4[%mul3A_136] : memref<131072xf32, #tpu.memory_space<hbm>> -> memref<2048xf32, #tpu.memory_space<hbm>>
      tpu.enqueue_dma source(%dma_start3A_269 : memref<2048xf32, #tpu.memory_space<hbm>>) target(%arg8 : memref<2048xf32, #tpu.memory_space<vmem>>) target_semaphore(%run_scoped3A_267 : memref<!tpu.dma_semaphore, #tpu.memory_space<semaphore_mem>>)
      %dma_wait3A_270 = tpu.memref_slice %arg4[%mul3A_136] : memref<131072xf32, #tpu.memory_space<hbm>> -> memref<2048xf32, #tpu.memory_space<hbm>>
      %dma_wait3A_271 = tpu.memref_slice %arg4[%mul3A_136] : memref<131072xf32, #tpu.memory_space<hbm>> -> memref<2048xf32, #tpu.memory_space<hbm>>
      tpu.wait_dma2 semaphore(%run_scoped3A_267 : memref<!tpu.dma_semaphore, #tpu.memory_space<semaphore_mem>>) src(%dma_wait3A_271 : memref<2048xf32, #tpu.memory_space<hbm>>) dst(%arg8 : memref<2048xf32, #tpu.memory_space<vmem>>)
      tpu.yield
    }) : () -> ()
    %dma_wait3A_137 = arith.constant 3 : i32
    %dma_wait3A_138 = arith.constant 0 : i32
    %dma_wait3A_139 = tpu.memref_slice %arg6[%dma_wait3A_137, %add3A_125, %dma_wait3A_138] : memref<4x2048x1024xf32, #tpu.memory_space<hbm>> -> memref<1x32x1024xf32, #tpu.memory_space<hbm>>
    %dma_wait3A_140 = tpu.memref_squeeze %dma_wait3A_139 : memref<1x32x1024xf32, #tpu.memory_space<hbm>> -> memref<32x1024xf32, #tpu.memory_space<hbm>>
    %dma_wait3A_141 = arith.constant 0 : i32
    %dma_wait3A_142 = tpu.memref_slice %arg6[%dma_wait3A_137, %add3A_125, %dma_wait3A_141] : memref<4x2048x1024xf32, #tpu.memory_space<hbm>> -> memref<1x32x1024xf32, #tpu.memory_space<hbm>>
    %dma_wait3A_143 = tpu.memref_squeeze %dma_wait3A_142 : memref<1x32x1024xf32, #tpu.memory_space<hbm>> -> memref<32x1024xf32, #tpu.memory_space<hbm>>
    tpu.wait_dma2 semaphore(%arg15 : memref<!tpu.dma_semaphore, #tpu.memory_space<semaphore_mem>>) src(%arg11 : memref<32x1024xf32, #tpu.memory_space<vmem>>) dst(%dma_wait3A_143 : memref<32x1024xf32, #tpu.memory_space<hbm>>)
    %dma_start3A_144 = arith.constant 96 : i32
    %dma_start3A_145 = tpu.memref_slice %arg7[%dma_start3A_144] : memref<256xi32, #tpu.memory_space<vmem>> -> memref<32xi32, #tpu.memory_space<vmem>>
    %dma_start3A_146 = arith.constant 0 : i32
    %dma_start3A_147 = arith.constant 0 : i32
    %dma_start3A_148 = tpu.memref_slice %arg3[%dma_start3A_146, %dma_start3A_147] : memref<100000x1024xf32, #tpu.memory_space<hbm>> -> memref<100000x1024xf32, #tpu.memory_space<hbm>>
    tpu.enqueue_indirect_dma source(%dma_start3A_148 : memref<100000x1024xf32, #tpu.memory_space<hbm>>) target(%arg11 : memref<32x1024xf32, #tpu.memory_space<vmem>>) offsets(%dma_start3A_145 : memref<32xi32, #tpu.memory_space<vmem>>) semaphore(%arg13 : memref<!tpu.dma_semaphore, #tpu.memory_space<semaphore_mem>>)
    %dma_wait3A_149 = arith.constant 32 : i32
    %dma_wait3A_150 = tpu.memref_slice %arg7[%dma_wait3A_149] : memref<256xi32, #tpu.memory_space<vmem>> -> memref<32xi32, #tpu.memory_space<vmem>>
    %dma_wait3A_151 = arith.constant 0 : i32
    %dma_wait3A_152 = arith.constant 0 : i32
    %dma_wait3A_153 = tpu.memref_slice %arg3[%dma_wait3A_151, %dma_wait3A_152] : memref<100000x1024xf32, #tpu.memory_space<hbm>> -> memref<100000x1024xf32, #tpu.memory_space<hbm>>
    tpu.wait_indirect_dma semaphore(%arg12 : memref<!tpu.dma_semaphore, #tpu.memory_space<semaphore_mem>>) src(%dma_wait3A_153 : memref<100000x1024xf32, #tpu.memory_space<hbm>>) dst(%arg10 : memref<32x1024xf32, #tpu.memory_space<vmem>>)
    %scan3A_154 = arith.constant 0 : i32
    %scan3A_155 = arith.constant 0 : i32
    %scan3A_156 = arith.constant 32 : i32
    %scan3A_157 = arith.addi %scan3A_155, %scan3A_156 : i32
    %scan3A_158 = arith.constant 1 : i32
    scf.for %scan3A_267 = %scan3A_155 to %scan3A_157 step %scan3A_158  : i32 {
      %mul3A_268 = arith.constant 2 : i32
      %mul3A_269 = arith.muli %scan3A_267, %mul3A_268 : i32
      %mul3A_270 = arith.constant 16 : i32
      %mul3A_271 = arith.muli %mul3A_269, %mul3A_270 : i32
      %get3A = arith.index_cast %mul3A_271 : i32 to index
      %get3A_272 = tpu.vector_load %arg8[%get3A] {strides = array<i32>} : memref<2048xf32, #tpu.memory_space<vmem>>, vector<16xf32>,
      %get3A_273 = vector.shape_cast %get3A_272 : vector<16xf32> to vector<16xf32>
      %add3A_274 = arith.constant 16 : i32
      %add3A_275 = arith.addi %mul3A_271, %add3A_274 : i32
      %get3A_276 = arith.index_cast %add3A_275 : i32 to index
      %get3A_277 = tpu.vector_load %arg8[%get3A_276] {strides = array<i32>} : memref<2048xf32, #tpu.memory_space<vmem>>, vector<16xf32>,
      %get3A_278 = vector.shape_cast %get3A_277 : vector<16xf32> to vector<16xf32>
      %add3A_279 = arith.constant 1024 : i32
      %add3A_280 = arith.addi %add3A_279, %mul3A_271 : i32
      %get3A_281 = arith.index_cast %add3A_280 : i32 to index
      %get3A_282 = tpu.vector_load %arg8[%get3A_281] {strides = array<i32>} : memref<2048xf32, #tpu.memory_space<vmem>>, vector<16xf32>,
      %get3A_283 = vector.shape_cast %get3A_282 : vector<16xf32> to vector<16xf32>
      %add3A_284 = arith.constant 1024 : i32
      %add3A_285 = arith.addi %add3A_284, %mul3A_271 : i32
      %add3A_286 = arith.constant 16 : i32
      %add3A_287 = arith.addi %add3A_285, %add3A_286 : i32
      %get3A_288 = arith.index_cast %add3A_287 : i32 to index
      %get3A_289 = tpu.vector_load %arg8[%get3A_288] {strides = array<i32>} : memref<2048xf32, #tpu.memory_space<vmem>>, vector<16xf32>,
      %get3A_290 = vector.shape_cast %get3A_289 : vector<16xf32> to vector<16xf32>
      %parallel_loop3A = arith.constant 0 : i32
      %parallel_loop3A_291 = arith.constant 32 : i32
      %parallel_loop3A_292 = arith.constant 1 : i32
      scf.for %parallel_loop3A_293 = %parallel_loop3A to %parallel_loop3A_291 step %parallel_loop3A_292  : i32 {
        %parallel_loop3A_294 = arith.constant 512 : i32
        %parallel_loop3A_295 = arith.muli %parallel_loop3A_293, %parallel_loop3A_294 : i32
        %parallel_loop3A_296 = arith.constant 16 : i32
        %parallel_loop3A_297 = arith.muli %scan3A_267, %parallel_loop3A_296 : i32
        %parallel_loop3A_298 = arith.addi %parallel_loop3A_295, %parallel_loop3A_297 : i32
        %parallel_loop3A_299 = arith.index_cast %parallel_loop3A_298 : i32 to index
        %parallel_loop3A_300 = tpu.vector_load %arg9[%parallel_loop3A_299] {strides = array<i32>} : memref<32768xi32, #tpu.memory_space<vmem>>, vector<16xi32>,
        %parallel_loop3A_301 = vector.shape_cast %parallel_loop3A_300 : vector<16xi32> to vector<16xi32>
        %parallel_loop3A_302 = arith.constant 512 : i32
        %parallel_loop3A_303 = arith.muli %parallel_loop3A_293, %parallel_loop3A_302 : i32
        %parallel_loop3A_304 = arith.constant 16384 : i32
        %parallel_loop3A_305 = arith.addi %parallel_loop3A_304, %parallel_loop3A_303 : i32
        %parallel_loop3A_306 = arith.constant 16 : i32
        %parallel_loop3A_307 = arith.muli %scan3A_267, %parallel_loop3A_306 : i32
        %parallel_loop3A_308 = arith.addi %parallel_loop3A_305, %parallel_loop3A_307 : i32
        %parallel_loop3A_309 = arith.index_cast %parallel_loop3A_308 : i32 to index
        %parallel_loop3A_310 = tpu.vector_load %arg9[%parallel_loop3A_309] {strides = array<i32>} : memref<32768xi32, #tpu.memory_space<vmem>>, vector<16xi32>,
        %parallel_loop3A_311 = vector.shape_cast %parallel_loop3A_310 : vector<16xi32> to vector<16xi32>
        %parallel_loop3A_312 = arith.constant 16 : i32
        %parallel_loop3A_313 = vector.broadcast %parallel_loop3A_312 : i32 to vector<16xi32>
        %parallel_loop3A_314 = arith.shli %parallel_loop3A_301, %parallel_loop3A_313 : vector<16xi32>
        %parallel_loop3A_315 = tpu.bitcast %parallel_loop3A_314 : vector<16xi32> -> vector<16xf32>
        %parallel_loop3A_316 = arith.constant -65536 : i32
        %parallel_loop3A_317 = vector.broadcast %parallel_loop3A_316 : i32 to vector<16xi32>
        %parallel_loop3A_318 = arith.andi %parallel_loop3A_301, %parallel_loop3A_317 : vector<16xi32>
        %parallel_loop3A_319 = tpu.bitcast %parallel_loop3A_318 : vector<16xi32> -> vector<16xf32>
        %parallel_loop3A_320 = arith.constant 16 : i32
        %parallel_loop3A_321 = vector.broadcast %parallel_loop3A_320 : i32 to vector<16xi32>
        %parallel_loop3A_322 = arith.shli %parallel_loop3A_311, %parallel_loop3A_321 : vector<16xi32>
        %parallel_loop3A_323 = tpu.bitcast %parallel_loop3A_322 : vector<16xi32> -> vector<16xf32>
        %parallel_loop3A_324 = arith.constant -65536 : i32
        %parallel_loop3A_325 = vector.broadcast %parallel_loop3A_324 : i32 to vector<16xi32>
        %parallel_loop3A_326 = arith.andi %parallel_loop3A_311, %parallel_loop3A_325 : vector<16xi32>
        %parallel_loop3A_327 = tpu.bitcast %parallel_loop3A_326 : vector<16xi32> -> vector<16xf32>
        %parallel_loop3A_328 = arith.mulf %get3A_273, %parallel_loop3A_315 : vector<16xf32>
        %parallel_loop3A_329 = arith.mulf %get3A_283, %parallel_loop3A_323 : vector<16xf32>
        %parallel_loop3A_330 = arith.addf %parallel_loop3A_328, %parallel_loop3A_329 : vector<16xf32>
        %parallel_loop3A_331 = arith.index_cast %parallel_loop3A_293 : i32 to index
        %parallel_loop3A_332 = arith.index_cast %mul3A_271 : i32 to index
        %parallel_loop3A_333 = tpu.vector_load %arg10[%parallel_loop3A_331, %parallel_loop3A_332] {strides = array<i32>} : memref<32x1024xf32, #tpu.memory_space<vmem>>, vector<1x16xf32>,
        %parallel_loop3A_334 = vector.shape_cast %parallel_loop3A_333 : vector<1x16xf32> to vector<16xf32>
        %parallel_loop3A_335 = vector.shape_cast %parallel_loop3A_330 : vector<16xf32> to vector<1x16xf32>
        tpu.vector_store %arg10[%parallel_loop3A_331, %parallel_loop3A_332], %parallel_loop3A_335 {add = true, strides = array<i32>} : memref<32x1024xf32, #tpu.memory_space<vmem>>, vector<1x16xf32>,
        %parallel_loop3A_336 = arith.constant 16 : i32
        %parallel_loop3A_337 = arith.addi %mul3A_271, %parallel_loop3A_336 : i32
        %parallel_loop3A_338 = arith.mulf %get3A_278, %parallel_loop3A_319 : vector<16xf32>
        %parallel_loop3A_339 = arith.mulf %get3A_290, %parallel_loop3A_327 : vector<16xf32>
        %parallel_loop3A_340 = arith.addf %parallel_loop3A_338, %parallel_loop3A_339 : vector<16xf32>
        %parallel_loop3A_341 = arith.index_cast %parallel_loop3A_293 : i32 to index
        %parallel_loop3A_342 = arith.index_cast %parallel_loop3A_337 : i32 to index
        %parallel_loop3A_343 = tpu.vector_load %arg10[%parallel_loop3A_341, %parallel_loop3A_342] {strides = array<i32>} : memref<32x1024xf32, #tpu.memory_space<vmem>>, vector<1x16xf32>,
        %parallel_loop3A_344 = vector.shape_cast %parallel_loop3A_343 : vector<1x16xf32> to vector<16xf32>
        %parallel_loop3A_345 = vector.shape_cast %parallel_loop3A_340 : vector<16xf32> to vector<1x16xf32>
        tpu.vector_store %arg10[%parallel_loop3A_341, %parallel_loop3A_342], %parallel_loop3A_345 {add = true, strides = array<i32>} : memref<32x1024xf32, #tpu.memory_space<vmem>>, vector<1x16xf32>,
      } {sc.loop_unroll_factor = 4 : i64, sc.parallel_access}
    }
    %scan3A_159 = arith.constant 32 : i32
    %add3A_160 = arith.constant 32 : i32
    %add3A_161 = arith.addi %mul3A_2, %add3A_160 : i32
    %dma_start3A_162 = arith.constant 0 : i32
    %dma_start3A_163 = arith.constant 0 : i32
    %dma_start3A_164 = tpu.memref_slice %arg6[%dma_start3A_162, %add3A_161, %dma_start3A_163] : memref<4x2048x1024xf32, #tpu.memory_space<hbm>> -> memref<1x32x1024xf32, #tpu.memory_space<hbm>>
    %dma_start3A_165 = tpu.memref_squeeze %dma_start3A_164 : memref<1x32x1024xf32, #tpu.memory_space<hbm>> -> memref<32x1024xf32, #tpu.memory_space<hbm>>
    %dma_start3A_166 = arith.constant 0 : i32
    %dma_start3A_167 = tpu.memref_slice %arg6[%dma_start3A_162, %add3A_161, %dma_start3A_166] : memref<4x2048x1024xf32, #tpu.memory_space<hbm>> -> memref<1x32x1024xf32, #tpu.memory_space<hbm>>
    %dma_start3A_168 = tpu.memref_squeeze %dma_start3A_167 : memref<1x32x1024xf32, #tpu.memory_space<hbm>> -> memref<32x1024xf32, #tpu.memory_space<hbm>>
    tpu.enqueue_dma source(%arg10 : memref<32x1024xf32, #tpu.memory_space<vmem>>) target(%dma_start3A_168 : memref<32x1024xf32, #tpu.memory_space<hbm>>) target_semaphore(%arg14 : memref<!tpu.dma_semaphore, #tpu.memory_space<semaphore_mem>>)
    %dma_wait3A_169 = arith.constant 0 : i32
    %dma_wait3A_170 = arith.constant 0 : i32
    %dma_wait3A_171 = tpu.memref_slice %arg6[%dma_wait3A_169, %add3A_161, %dma_wait3A_170] : memref<4x2048x1024xf32, #tpu.memory_space<hbm>> -> memref<1x32x1024xf32, #tpu.memory_space<hbm>>
    %dma_wait3A_172 = tpu.memref_squeeze %dma_wait3A_171 : memref<1x32x1024xf32, #tpu.memory_space<hbm>> -> memref<32x1024xf32, #tpu.memory_space<hbm>>
    %dma_wait3A_173 = arith.constant 0 : i32
    %dma_wait3A_174 = tpu.memref_slice %arg6[%dma_wait3A_169, %add3A_161, %dma_wait3A_173] : memref<4x2048x1024xf32, #tpu.memory_space<hbm>> -> memref<1x32x1024xf32, #tpu.memory_space<hbm>>
    %dma_wait3A_175 = tpu.memref_squeeze %dma_wait3A_174 : memref<1x32x1024xf32, #tpu.memory_space<hbm>> -> memref<32x1024xf32, #tpu.memory_space<hbm>>
    tpu.wait_dma2 semaphore(%arg14 : memref<!tpu.dma_semaphore, #tpu.memory_space<semaphore_mem>>) src(%arg10 : memref<32x1024xf32, #tpu.memory_space<vmem>>) dst(%dma_wait3A_175 : memref<32x1024xf32, #tpu.memory_space<hbm>>)
    %dma_start3A_176 = arith.constant 160 : i32
    %dma_start3A_177 = tpu.memref_slice %arg7[%dma_start3A_176] : memref<256xi32, #tpu.memory_space<vmem>> -> memref<32xi32, #tpu.memory_space<vmem>>
    %dma_start3A_178 = arith.constant 0 : i32
    %dma_start3A_179 = arith.constant 0 : i32
    %dma_start3A_180 = tpu.memref_slice %arg3[%dma_start3A_178, %dma_start3A_179] : memref<100000x1024xf32, #tpu.memory_space<hbm>> -> memref<100000x1024xf32, #tpu.memory_space<hbm>>
    tpu.enqueue_indirect_dma source(%dma_start3A_180 : memref<100000x1024xf32, #tpu.memory_space<hbm>>) target(%arg10 : memref<32x1024xf32, #tpu.memory_space<vmem>>) offsets(%dma_start3A_177 : memref<32xi32, #tpu.memory_space<vmem>>) semaphore(%arg12 : memref<!tpu.dma_semaphore, #tpu.memory_space<semaphore_mem>>)
    %dma_wait3A_181 = arith.constant 96 : i32
    %dma_wait3A_182 = tpu.memref_slice %arg7[%dma_wait3A_181] : memref<256xi32, #tpu.memory_space<vmem>> -> memref<32xi32, #tpu.memory_space<vmem>>
    %dma_wait3A_183 = arith.constant 0 : i32
    %dma_wait3A_184 = arith.constant 0 : i32
    %dma_wait3A_185 = tpu.memref_slice %arg3[%dma_wait3A_183, %dma_wait3A_184] : memref<100000x1024xf32, #tpu.memory_space<hbm>> -> memref<100000x1024xf32, #tpu.memory_space<hbm>>
    tpu.wait_indirect_dma semaphore(%arg13 : memref<!tpu.dma_semaphore, #tpu.memory_space<semaphore_mem>>) src(%dma_wait3A_185 : memref<100000x1024xf32, #tpu.memory_space<hbm>>) dst(%arg11 : memref<32x1024xf32, #tpu.memory_space<vmem>>)
    %scan3A_186 = arith.constant 0 : i32
    %scan3A_187 = arith.constant 0 : i32
    %scan3A_188 = arith.constant 32 : i32
    %scan3A_189 = arith.addi %scan3A_187, %scan3A_188 : i32
    %scan3A_190 = arith.constant 1 : i32
    scf.for %scan3A_267 = %scan3A_187 to %scan3A_189 step %scan3A_190  : i32 {
      %mul3A_268 = arith.constant 2 : i32
      %mul3A_269 = arith.muli %scan3A_267, %mul3A_268 : i32
      %mul3A_270 = arith.constant 16 : i32
      %mul3A_271 = arith.muli %mul3A_269, %mul3A_270 : i32
      %get3A = arith.index_cast %mul3A_271 : i32 to index
      %get3A_272 = tpu.vector_load %arg8[%get3A] {strides = array<i32>} : memref<2048xf32, #tpu.memory_space<vmem>>, vector<16xf32>,
      %get3A_273 = vector.shape_cast %get3A_272 : vector<16xf32> to vector<16xf32>
      %add3A_274 = arith.constant 16 : i32
      %add3A_275 = arith.addi %mul3A_271, %add3A_274 : i32
      %get3A_276 = arith.index_cast %add3A_275 : i32 to index
      %get3A_277 = tpu.vector_load %arg8[%get3A_276] {strides = array<i32>} : memref<2048xf32, #tpu.memory_space<vmem>>, vector<16xf32>,
      %get3A_278 = vector.shape_cast %get3A_277 : vector<16xf32> to vector<16xf32>
      %add3A_279 = arith.constant 1024 : i32
      %add3A_280 = arith.addi %add3A_279, %mul3A_271 : i32
      %get3A_281 = arith.index_cast %add3A_280 : i32 to index
      %get3A_282 = tpu.vector_load %arg8[%get3A_281] {strides = array<i32>} : memref<2048xf32, #tpu.memory_space<vmem>>, vector<16xf32>,
      %get3A_283 = vector.shape_cast %get3A_282 : vector<16xf32> to vector<16xf32>
      %add3A_284 = arith.constant 1024 : i32
      %add3A_285 = arith.addi %add3A_284, %mul3A_271 : i32
      %add3A_286 = arith.constant 16 : i32
      %add3A_287 = arith.addi %add3A_285, %add3A_286 : i32
      %get3A_288 = arith.index_cast %add3A_287 : i32 to index
      %get3A_289 = tpu.vector_load %arg8[%get3A_288] {strides = array<i32>} : memref<2048xf32, #tpu.memory_space<vmem>>, vector<16xf32>,
      %get3A_290 = vector.shape_cast %get3A_289 : vector<16xf32> to vector<16xf32>
      %parallel_loop3A = arith.constant 0 : i32
      %parallel_loop3A_291 = arith.constant 32 : i32
      %parallel_loop3A_292 = arith.constant 1 : i32
      scf.for %parallel_loop3A_293 = %parallel_loop3A to %parallel_loop3A_291 step %parallel_loop3A_292  : i32 {
        %parallel_loop3A_294 = arith.constant 512 : i32
        %parallel_loop3A_295 = arith.muli %parallel_loop3A_293, %parallel_loop3A_294 : i32
        %parallel_loop3A_296 = arith.constant 16 : i32
        %parallel_loop3A_297 = arith.muli %scan3A_267, %parallel_loop3A_296 : i32
        %parallel_loop3A_298 = arith.addi %parallel_loop3A_295, %parallel_loop3A_297 : i32
        %parallel_loop3A_299 = arith.index_cast %parallel_loop3A_298 : i32 to index
        %parallel_loop3A_300 = tpu.vector_load %arg9[%parallel_loop3A_299] {strides = array<i32>} : memref<32768xi32, #tpu.memory_space<vmem>>, vector<16xi32>,
        %parallel_loop3A_301 = vector.shape_cast %parallel_loop3A_300 : vector<16xi32> to vector<16xi32>
        %parallel_loop3A_302 = arith.constant 512 : i32
        %parallel_loop3A_303 = arith.muli %parallel_loop3A_293, %parallel_loop3A_302 : i32
        %parallel_loop3A_304 = arith.constant 16384 : i32
        %parallel_loop3A_305 = arith.addi %parallel_loop3A_304, %parallel_loop3A_303 : i32
        %parallel_loop3A_306 = arith.constant 16 : i32
        %parallel_loop3A_307 = arith.muli %scan3A_267, %parallel_loop3A_306 : i32
        %parallel_loop3A_308 = arith.addi %parallel_loop3A_305, %parallel_loop3A_307 : i32
        %parallel_loop3A_309 = arith.index_cast %parallel_loop3A_308 : i32 to index
        %parallel_loop3A_310 = tpu.vector_load %arg9[%parallel_loop3A_309] {strides = array<i32>} : memref<32768xi32, #tpu.memory_space<vmem>>, vector<16xi32>,
        %parallel_loop3A_311 = vector.shape_cast %parallel_loop3A_310 : vector<16xi32> to vector<16xi32>
        %parallel_loop3A_312 = arith.constant 16 : i32
        %parallel_loop3A_313 = vector.broadcast %parallel_loop3A_312 : i32 to vector<16xi32>
        %parallel_loop3A_314 = arith.shli %parallel_loop3A_301, %parallel_loop3A_313 : vector<16xi32>
        %parallel_loop3A_315 = tpu.bitcast %parallel_loop3A_314 : vector<16xi32> -> vector<16xf32>
        %parallel_loop3A_316 = arith.constant -65536 : i32
        %parallel_loop3A_317 = vector.broadcast %parallel_loop3A_316 : i32 to vector<16xi32>
        %parallel_loop3A_318 = arith.andi %parallel_loop3A_301, %parallel_loop3A_317 : vector<16xi32>
        %parallel_loop3A_319 = tpu.bitcast %parallel_loop3A_318 : vector<16xi32> -> vector<16xf32>
        %parallel_loop3A_320 = arith.constant 16 : i32
        %parallel_loop3A_321 = vector.broadcast %parallel_loop3A_320 : i32 to vector<16xi32>
        %parallel_loop3A_322 = arith.shli %parallel_loop3A_311, %parallel_loop3A_321 : vector<16xi32>
        %parallel_loop3A_323 = tpu.bitcast %parallel_loop3A_322 : vector<16xi32> -> vector<16xf32>
        %parallel_loop3A_324 = arith.constant -65536 : i32
        %parallel_loop3A_325 = vector.broadcast %parallel_loop3A_324 : i32 to vector<16xi32>
        %parallel_loop3A_326 = arith.andi %parallel_loop3A_311, %parallel_loop3A_325 : vector<16xi32>
        %parallel_loop3A_327 = tpu.bitcast %parallel_loop3A_326 : vector<16xi32> -> vector<16xf32>
        %parallel_loop3A_328 = arith.mulf %get3A_273, %parallel_loop3A_315 : vector<16xf32>
        %parallel_loop3A_329 = arith.mulf %get3A_283, %parallel_loop3A_323 : vector<16xf32>
        %parallel_loop3A_330 = arith.addf %parallel_loop3A_328, %parallel_loop3A_329 : vector<16xf32>
        %parallel_loop3A_331 = arith.index_cast %parallel_loop3A_293 : i32 to index
        %parallel_loop3A_332 = arith.index_cast %mul3A_271 : i32 to index
        %parallel_loop3A_333 = tpu.vector_load %arg11[%parallel_loop3A_331, %parallel_loop3A_332] {strides = array<i32>} : memref<32x1024xf32, #tpu.memory_space<vmem>>, vector<1x16xf32>,
        %parallel_loop3A_334 = vector.shape_cast %parallel_loop3A_333 : vector<1x16xf32> to vector<16xf32>
        %parallel_loop3A_335 = vector.shape_cast %parallel_loop3A_330 : vector<16xf32> to vector<1x16xf32>
        tpu.vector_store %arg11[%parallel_loop3A_331, %parallel_loop3A_332], %parallel_loop3A_335 {add = true, strides = array<i32>} : memref<32x1024xf32, #tpu.memory_space<vmem>>, vector<1x16xf32>,
        %parallel_loop3A_336 = arith.constant 16 : i32
        %parallel_loop3A_337 = arith.addi %mul3A_271, %parallel_loop3A_336 : i32
        %parallel_loop3A_338 = arith.mulf %get3A_278, %parallel_loop3A_319 : vector<16xf32>
        %parallel_loop3A_339 = arith.mulf %get3A_290, %parallel_loop3A_327 : vector<16xf32>
        %parallel_loop3A_340 = arith.addf %parallel_loop3A_338, %parallel_loop3A_339 : vector<16xf32>
        %parallel_loop3A_341 = arith.index_cast %parallel_loop3A_293 : i32 to index
        %parallel_loop3A_342 = arith.index_cast %parallel_loop3A_337 : i32 to index
        %parallel_loop3A_343 = tpu.vector_load %arg11[%parallel_loop3A_341, %parallel_loop3A_342] {strides = array<i32>} : memref<32x1024xf32, #tpu.memory_space<vmem>>, vector<1x16xf32>,
        %parallel_loop3A_344 = vector.shape_cast %parallel_loop3A_343 : vector<1x16xf32> to vector<16xf32>
        %parallel_loop3A_345 = vector.shape_cast %parallel_loop3A_340 : vector<16xf32> to vector<1x16xf32>
        tpu.vector_store %arg11[%parallel_loop3A_341, %parallel_loop3A_342], %parallel_loop3A_345 {add = true, strides = array<i32>} : memref<32x1024xf32, #tpu.memory_space<vmem>>, vector<1x16xf32>,
      } {sc.loop_unroll_factor = 4 : i64, sc.parallel_access}
    }
    %scan3A_191 = arith.constant 32 : i32
    %add3A_192 = arith.constant 32 : i32
    %add3A_193 = arith.addi %mul3A_2, %add3A_192 : i32
    %dma_start3A_194 = arith.constant 1 : i32
    %dma_start3A_195 = arith.constant 0 : i32
    %dma_start3A_196 = tpu.memref_slice %arg6[%dma_start3A_194, %add3A_193, %dma_start3A_195] : memref<4x2048x1024xf32, #tpu.memory_space<hbm>> -> memref<1x32x1024xf32, #tpu.memory_space<hbm>>
    %dma_start3A_197 = tpu.memref_squeeze %dma_start3A_196 : memref<1x32x1024xf32, #tpu.memory_space<hbm>> -> memref<32x1024xf32, #tpu.memory_space<hbm>>
    %dma_start3A_198 = arith.constant 0 : i32
    %dma_start3A_199 = tpu.memref_slice %arg6[%dma_start3A_194, %add3A_193, %dma_start3A_198] : memref<4x2048x1024xf32, #tpu.memory_space<hbm>> -> memref<1x32x1024xf32, #tpu.memory_space<hbm>>
    %dma_start3A_200 = tpu.memref_squeeze %dma_start3A_199 : memref<1x32x1024xf32, #tpu.memory_space<hbm>> -> memref<32x1024xf32, #tpu.memory_space<hbm>>
    tpu.enqueue_dma source(%arg11 : memref<32x1024xf32, #tpu.memory_space<vmem>>) target(%dma_start3A_200 : memref<32x1024xf32, #tpu.memory_space<hbm>>) target_semaphore(%arg15 : memref<!tpu.dma_semaphore, #tpu.memory_space<semaphore_mem>>)
    %dma_wait3A_201 = arith.constant 1 : i32
    %dma_wait3A_202 = arith.constant 0 : i32
    %dma_wait3A_203 = tpu.memref_slice %arg6[%dma_wait3A_201, %add3A_193, %dma_wait3A_202] : memref<4x2048x1024xf32, #tpu.memory_space<hbm>> -> memref<1x32x1024xf32, #tpu.memory_space<hbm>>
    %dma_wait3A_204 = tpu.memref_squeeze %dma_wait3A_203 : memref<1x32x1024xf32, #tpu.memory_space<hbm>> -> memref<32x1024xf32, #tpu.memory_space<hbm>>
    %dma_wait3A_205 = arith.constant 0 : i32
    %dma_wait3A_206 = tpu.memref_slice %arg6[%dma_wait3A_201, %add3A_193, %dma_wait3A_205] : memref<4x2048x1024xf32, #tpu.memory_space<hbm>> -> memref<1x32x1024xf32, #tpu.memory_space<hbm>>
    %dma_wait3A_207 = tpu.memref_squeeze %dma_wait3A_206 : memref<1x32x1024xf32, #tpu.memory_space<hbm>> -> memref<32x1024xf32, #tpu.memory_space<hbm>>
    tpu.wait_dma2 semaphore(%arg15 : memref<!tpu.dma_semaphore, #tpu.memory_space<semaphore_mem>>) src(%arg11 : memref<32x1024xf32, #tpu.memory_space<vmem>>) dst(%dma_wait3A_207 : memref<32x1024xf32, #tpu.memory_space<hbm>>)
    %dma_start3A_208 = arith.constant 224 : i32
    %dma_start3A_209 = tpu.memref_slice %arg7[%dma_start3A_208] : memref<256xi32, #tpu.memory_space<vmem>> -> memref<32xi32, #tpu.memory_space<vmem>>
    %dma_start3A_210 = arith.constant 0 : i32
    %dma_start3A_211 = arith.constant 0 : i32
    %dma_start3A_212 = tpu.memref_slice %arg3[%dma_start3A_210, %dma_start3A_211] : memref<100000x1024xf32, #tpu.memory_space<hbm>> -> memref<100000x1024xf32, #tpu.memory_space<hbm>>
    tpu.enqueue_indirect_dma source(%dma_start3A_212 : memref<100000x1024xf32, #tpu.memory_space<hbm>>) target(%arg11 : memref<32x1024xf32, #tpu.memory_space<vmem>>) offsets(%dma_start3A_209 : memref<32xi32, #tpu.memory_space<vmem>>) semaphore(%arg13 : memref<!tpu.dma_semaphore, #tpu.memory_space<semaphore_mem>>)
    %dma_wait3A_213 = arith.constant 160 : i32
    %dma_wait3A_214 = tpu.memref_slice %arg7[%dma_wait3A_213] : memref<256xi32, #tpu.memory_space<vmem>> -> memref<32xi32, #tpu.memory_space<vmem>>
    %dma_wait3A_215 = arith.constant 0 : i32
    %dma_wait3A_216 = arith.constant 0 : i32
    %dma_wait3A_217 = tpu.memref_slice %arg3[%dma_wait3A_215, %dma_wait3A_216] : memref<100000x1024xf32, #tpu.memory_space<hbm>> -> memref<100000x1024xf32, #tpu.memory_space<hbm>>
    tpu.wait_indirect_dma semaphore(%arg12 : memref<!tpu.dma_semaphore, #tpu.memory_space<semaphore_mem>>) src(%dma_wait3A_217 : memref<100000x1024xf32, #tpu.memory_space<hbm>>) dst(%arg10 : memref<32x1024xf32, #tpu.memory_space<vmem>>)
    %scan3A_218 = arith.constant 0 : i32
    %scan3A_219 = arith.constant 0 : i32
    %scan3A_220 = arith.constant 32 : i32
    %scan3A_221 = arith.addi %scan3A_219, %scan3A_220 : i32
    %scan3A_222 = arith.constant 1 : i32
    scf.for %scan3A_267 = %scan3A_219 to %scan3A_221 step %scan3A_222  : i32 {
      %mul3A_268 = arith.constant 2 : i32
      %mul3A_269 = arith.muli %scan3A_267, %mul3A_268 : i32
      %mul3A_270 = arith.constant 16 : i32
      %mul3A_271 = arith.muli %mul3A_269, %mul3A_270 : i32
      %get3A = arith.index_cast %mul3A_271 : i32 to index
      %get3A_272 = tpu.vector_load %arg8[%get3A] {strides = array<i32>} : memref<2048xf32, #tpu.memory_space<vmem>>, vector<16xf32>,
      %get3A_273 = vector.shape_cast %get3A_272 : vector<16xf32> to vector<16xf32>
      %add3A_274 = arith.constant 16 : i32
      %add3A_275 = arith.addi %mul3A_271, %add3A_274 : i32
      %get3A_276 = arith.index_cast %add3A_275 : i32 to index
      %get3A_277 = tpu.vector_load %arg8[%get3A_276] {strides = array<i32>} : memref<2048xf32, #tpu.memory_space<vmem>>, vector<16xf32>,
      %get3A_278 = vector.shape_cast %get3A_277 : vector<16xf32> to vector<16xf32>
      %add3A_279 = arith.constant 1024 : i32
      %add3A_280 = arith.addi %add3A_279, %mul3A_271 : i32
      %get3A_281 = arith.index_cast %add3A_280 : i32 to index
      %get3A_282 = tpu.vector_load %arg8[%get3A_281] {strides = array<i32>} : memref<2048xf32, #tpu.memory_space<vmem>>, vector<16xf32>,
      %get3A_283 = vector.shape_cast %get3A_282 : vector<16xf32> to vector<16xf32>
      %add3A_284 = arith.constant 1024 : i32
      %add3A_285 = arith.addi %add3A_284, %mul3A_271 : i32
      %add3A_286 = arith.constant 16 : i32
      %add3A_287 = arith.addi %add3A_285, %add3A_286 : i32
      %get3A_288 = arith.index_cast %add3A_287 : i32 to index
      %get3A_289 = tpu.vector_load %arg8[%get3A_288] {strides = array<i32>} : memref<2048xf32, #tpu.memory_space<vmem>>, vector<16xf32>,
      %get3A_290 = vector.shape_cast %get3A_289 : vector<16xf32> to vector<16xf32>
      %parallel_loop3A = arith.constant 0 : i32
      %parallel_loop3A_291 = arith.constant 32 : i32
      %parallel_loop3A_292 = arith.constant 1 : i32
      scf.for %parallel_loop3A_293 = %parallel_loop3A to %parallel_loop3A_291 step %parallel_loop3A_292  : i32 {
        %parallel_loop3A_294 = arith.constant 512 : i32
        %parallel_loop3A_295 = arith.muli %parallel_loop3A_293, %parallel_loop3A_294 : i32
        %parallel_loop3A_296 = arith.constant 16 : i32
        %parallel_loop3A_297 = arith.muli %scan3A_267, %parallel_loop3A_296 : i32
        %parallel_loop3A_298 = arith.addi %parallel_loop3A_295, %parallel_loop3A_297 : i32
        %parallel_loop3A_299 = arith.index_cast %parallel_loop3A_298 : i32 to index
        %parallel_loop3A_300 = tpu.vector_load %arg9[%parallel_loop3A_299] {strides = array<i32>} : memref<32768xi32, #tpu.memory_space<vmem>>, vector<16xi32>,
        %parallel_loop3A_301 = vector.shape_cast %parallel_loop3A_300 : vector<16xi32> to vector<16xi32>
        %parallel_loop3A_302 = arith.constant 512 : i32
        %parallel_loop3A_303 = arith.muli %parallel_loop3A_293, %parallel_loop3A_302 : i32
        %parallel_loop3A_304 = arith.constant 16384 : i32
        %parallel_loop3A_305 = arith.addi %parallel_loop3A_304, %parallel_loop3A_303 : i32
        %parallel_loop3A_306 = arith.constant 16 : i32
        %parallel_loop3A_307 = arith.muli %scan3A_267, %parallel_loop3A_306 : i32
        %parallel_loop3A_308 = arith.addi %parallel_loop3A_305, %parallel_loop3A_307 : i32
        %parallel_loop3A_309 = arith.index_cast %parallel_loop3A_308 : i32 to index
        %parallel_loop3A_310 = tpu.vector_load %arg9[%parallel_loop3A_309] {strides = array<i32>} : memref<32768xi32, #tpu.memory_space<vmem>>, vector<16xi32>,
        %parallel_loop3A_311 = vector.shape_cast %parallel_loop3A_310 : vector<16xi32> to vector<16xi32>
        %parallel_loop3A_312 = arith.constant 16 : i32
        %parallel_loop3A_313 = vector.broadcast %parallel_loop3A_312 : i32 to vector<16xi32>
        %parallel_loop3A_314 = arith.shli %parallel_loop3A_301, %parallel_loop3A_313 : vector<16xi32>
        %parallel_loop3A_315 = tpu.bitcast %parallel_loop3A_314 : vector<16xi32> -> vector<16xf32>
        %parallel_loop3A_316 = arith.constant -65536 : i32
        %parallel_loop3A_317 = vector.broadcast %parallel_loop3A_316 : i32 to vector<16xi32>
        %parallel_loop3A_318 = arith.andi %parallel_loop3A_301, %parallel_loop3A_317 : vector<16xi32>
        %parallel_loop3A_319 = tpu.bitcast %parallel_loop3A_318 : vector<16xi32> -> vector<16xf32>
        %parallel_loop3A_320 = arith.constant 16 : i32
        %parallel_loop3A_321 = vector.broadcast %parallel_loop3A_320 : i32 to vector<16xi32>
        %parallel_loop3A_322 = arith.shli %parallel_loop3A_311, %parallel_loop3A_321 : vector<16xi32>
        %parallel_loop3A_323 = tpu.bitcast %parallel_loop3A_322 : vector<16xi32> -> vector<16xf32>
        %parallel_loop3A_324 = arith.constant -65536 : i32
        %parallel_loop3A_325 = vector.broadcast %parallel_loop3A_324 : i32 to vector<16xi32>
        %parallel_loop3A_326 = arith.andi %parallel_loop3A_311, %parallel_loop3A_325 : vector<16xi32>
        %parallel_loop3A_327 = tpu.bitcast %parallel_loop3A_326 : vector<16xi32> -> vector<16xf32>
        %parallel_loop3A_328 = arith.mulf %get3A_273, %parallel_loop3A_315 : vector<16xf32>
        %parallel_loop3A_329 = arith.mulf %get3A_283, %parallel_loop3A_323 : vector<16xf32>
        %parallel_loop3A_330 = arith.addf %parallel_loop3A_328, %parallel_loop3A_329 : vector<16xf32>
        %parallel_loop3A_331 = arith.index_cast %parallel_loop3A_293 : i32 to index
        %parallel_loop3A_332 = arith.index_cast %mul3A_271 : i32 to index
        %parallel_loop3A_333 = tpu.vector_load %arg10[%parallel_loop3A_331, %parallel_loop3A_332] {strides = array<i32>} : memref<32x1024xf32, #tpu.memory_space<vmem>>, vector<1x16xf32>,
        %parallel_loop3A_334 = vector.shape_cast %parallel_loop3A_333 : vector<1x16xf32> to vector<16xf32>
        %parallel_loop3A_335 = vector.shape_cast %parallel_loop3A_330 : vector<16xf32> to vector<1x16xf32>
        tpu.vector_store %arg10[%parallel_loop3A_331, %parallel_loop3A_332], %parallel_loop3A_335 {add = true, strides = array<i32>} : memref<32x1024xf32, #tpu.memory_space<vmem>>, vector<1x16xf32>,
        %parallel_loop3A_336 = arith.constant 16 : i32
        %parallel_loop3A_337 = arith.addi %mul3A_271, %parallel_loop3A_336 : i32
        %parallel_loop3A_338 = arith.mulf %get3A_278, %parallel_loop3A_319 : vector<16xf32>
        %parallel_loop3A_339 = arith.mulf %get3A_290, %parallel_loop3A_327 : vector<16xf32>
        %parallel_loop3A_340 = arith.addf %parallel_loop3A_338, %parallel_loop3A_339 : vector<16xf32>
        %parallel_loop3A_341 = arith.index_cast %parallel_loop3A_293 : i32 to index
        %parallel_loop3A_342 = arith.index_cast %parallel_loop3A_337 : i32 to index
        %parallel_loop3A_343 = tpu.vector_load %arg10[%parallel_loop3A_341, %parallel_loop3A_342] {strides = array<i32>} : memref<32x1024xf32, #tpu.memory_space<vmem>>, vector<1x16xf32>,
        %parallel_loop3A_344 = vector.shape_cast %parallel_loop3A_343 : vector<1x16xf32> to vector<16xf32>
        %parallel_loop3A_345 = vector.shape_cast %parallel_loop3A_340 : vector<16xf32> to vector<1x16xf32>
        tpu.vector_store %arg10[%parallel_loop3A_341, %parallel_loop3A_342], %parallel_loop3A_345 {add = true, strides = array<i32>} : memref<32x1024xf32, #tpu.memory_space<vmem>>, vector<1x16xf32>,
      } {sc.loop_unroll_factor = 4 : i64, sc.parallel_access}
    }
    %scan3A_223 = arith.constant 32 : i32
    %add3A_224 = arith.constant 32 : i32
    %add3A_225 = arith.addi %mul3A_2, %add3A_224 : i32
    %dma_start3A_226 = arith.constant 2 : i32
    %dma_start3A_227 = arith.constant 0 : i32
    %dma_start3A_228 = tpu.memref_slice %arg6[%dma_start3A_226, %add3A_225, %dma_start3A_227] : memref<4x2048x1024xf32, #tpu.memory_space<hbm>> -> memref<1x32x1024xf32, #tpu.memory_space<hbm>>
    %dma_start3A_229 = tpu.memref_squeeze %dma_start3A_228 : memref<1x32x1024xf32, #tpu.memory_space<hbm>> -> memref<32x1024xf32, #tpu.memory_space<hbm>>
    %dma_start3A_230 = arith.constant 0 : i32
    %dma_start3A_231 = tpu.memref_slice %arg6[%dma_start3A_226, %add3A_225, %dma_start3A_230] : memref<4x2048x1024xf32, #tpu.memory_space<hbm>> -> memref<1x32x1024xf32, #tpu.memory_space<hbm>>
    %dma_start3A_232 = tpu.memref_squeeze %dma_start3A_231 : memref<1x32x1024xf32, #tpu.memory_space<hbm>> -> memref<32x1024xf32, #tpu.memory_space<hbm>>
    tpu.enqueue_dma source(%arg10 : memref<32x1024xf32, #tpu.memory_space<vmem>>) target(%dma_start3A_232 : memref<32x1024xf32, #tpu.memory_space<hbm>>) target_semaphore(%arg14 : memref<!tpu.dma_semaphore, #tpu.memory_space<semaphore_mem>>)
    %dma_wait3A_233 = arith.constant 224 : i32
    %dma_wait3A_234 = tpu.memref_slice %arg7[%dma_wait3A_233] : memref<256xi32, #tpu.memory_space<vmem>> -> memref<32xi32, #tpu.memory_space<vmem>>
    %dma_wait3A_235 = arith.constant 0 : i32
    %dma_wait3A_236 = arith.constant 0 : i32
    %dma_wait3A_237 = tpu.memref_slice %arg3[%dma_wait3A_235, %dma_wait3A_236] : memref<100000x1024xf32, #tpu.memory_space<hbm>> -> memref<100000x1024xf32, #tpu.memory_space<hbm>>
    tpu.wait_indirect_dma semaphore(%arg13 : memref<!tpu.dma_semaphore, #tpu.memory_space<semaphore_mem>>) src(%dma_wait3A_237 : memref<100000x1024xf32, #tpu.memory_space<hbm>>) dst(%arg11 : memref<32x1024xf32, #tpu.memory_space<vmem>>)
    %scan3A_238 = arith.constant 0 : i32
    %scan3A_239 = arith.constant 0 : i32
    %scan3A_240 = arith.constant 32 : i32
    %scan3A_241 = arith.addi %scan3A_239, %scan3A_240 : i32
    %scan3A_242 = arith.constant 1 : i32
    scf.for %scan3A_267 = %scan3A_239 to %scan3A_241 step %scan3A_242  : i32 {
      %mul3A_268 = arith.constant 2 : i32
      %mul3A_269 = arith.muli %scan3A_267, %mul3A_268 : i32
      %mul3A_270 = arith.constant 16 : i32
      %mul3A_271 = arith.muli %mul3A_269, %mul3A_270 : i32
      %get3A = arith.index_cast %mul3A_271 : i32 to index
      %get3A_272 = tpu.vector_load %arg8[%get3A] {strides = array<i32>} : memref<2048xf32, #tpu.memory_space<vmem>>, vector<16xf32>,
      %get3A_273 = vector.shape_cast %get3A_272 : vector<16xf32> to vector<16xf32>
      %add3A_274 = arith.constant 16 : i32
      %add3A_275 = arith.addi %mul3A_271, %add3A_274 : i32
      %get3A_276 = arith.index_cast %add3A_275 : i32 to index
      %get3A_277 = tpu.vector_load %arg8[%get3A_276] {strides = array<i32>} : memref<2048xf32, #tpu.memory_space<vmem>>, vector<16xf32>,
      %get3A_278 = vector.shape_cast %get3A_277 : vector<16xf32> to vector<16xf32>
      %add3A_279 = arith.constant 1024 : i32
      %add3A_280 = arith.addi %add3A_279, %mul3A_271 : i32
      %get3A_281 = arith.index_cast %add3A_280 : i32 to index
      %get3A_282 = tpu.vector_load %arg8[%get3A_281] {strides = array<i32>} : memref<2048xf32, #tpu.memory_space<vmem>>, vector<16xf32>,
      %get3A_283 = vector.shape_cast %get3A_282 : vector<16xf32> to vector<16xf32>
      %add3A_284 = arith.constant 1024 : i32
      %add3A_285 = arith.addi %add3A_284, %mul3A_271 : i32
      %add3A_286 = arith.constant 16 : i32
      %add3A_287 = arith.addi %add3A_285, %add3A_286 : i32
      %get3A_288 = arith.index_cast %add3A_287 : i32 to index
      %get3A_289 = tpu.vector_load %arg8[%get3A_288] {strides = array<i32>} : memref<2048xf32, #tpu.memory_space<vmem>>, vector<16xf32>,
      %get3A_290 = vector.shape_cast %get3A_289 : vector<16xf32> to vector<16xf32>
      %parallel_loop3A = arith.constant 0 : i32
      %parallel_loop3A_291 = arith.constant 32 : i32
      %parallel_loop3A_292 = arith.constant 1 : i32
      scf.for %parallel_loop3A_293 = %parallel_loop3A to %parallel_loop3A_291 step %parallel_loop3A_292  : i32 {
        %parallel_loop3A_294 = arith.constant 512 : i32
        %parallel_loop3A_295 = arith.muli %parallel_loop3A_293, %parallel_loop3A_294 : i32
        %parallel_loop3A_296 = arith.constant 16 : i32
        %parallel_loop3A_297 = arith.muli %scan3A_267, %parallel_loop3A_296 : i32
        %parallel_loop3A_298 = arith.addi %parallel_loop3A_295, %parallel_loop3A_297 : i32
        %parallel_loop3A_299 = arith.index_cast %parallel_loop3A_298 : i32 to index
        %parallel_loop3A_300 = tpu.vector_load %arg9[%parallel_loop3A_299] {strides = array<i32>} : memref<32768xi32, #tpu.memory_space<vmem>>, vector<16xi32>,
        %parallel_loop3A_301 = vector.shape_cast %parallel_loop3A_300 : vector<16xi32> to vector<16xi32>
        %parallel_loop3A_302 = arith.constant 512 : i32
        %parallel_loop3A_303 = arith.muli %parallel_loop3A_293, %parallel_loop3A_302 : i32
        %parallel_loop3A_304 = arith.constant 16384 : i32
        %parallel_loop3A_305 = arith.addi %parallel_loop3A_304, %parallel_loop3A_303 : i32
        %parallel_loop3A_306 = arith.constant 16 : i32
        %parallel_loop3A_307 = arith.muli %scan3A_267, %parallel_loop3A_306 : i32
        %parallel_loop3A_308 = arith.addi %parallel_loop3A_305, %parallel_loop3A_307 : i32
        %parallel_loop3A_309 = arith.index_cast %parallel_loop3A_308 : i32 to index
        %parallel_loop3A_310 = tpu.vector_load %arg9[%parallel_loop3A_309] {strides = array<i32>} : memref<32768xi32, #tpu.memory_space<vmem>>, vector<16xi32>,
        %parallel_loop3A_311 = vector.shape_cast %parallel_loop3A_310 : vector<16xi32> to vector<16xi32>
        %parallel_loop3A_312 = arith.constant 16 : i32
        %parallel_loop3A_313 = vector.broadcast %parallel_loop3A_312 : i32 to vector<16xi32>
        %parallel_loop3A_314 = arith.shli %parallel_loop3A_301, %parallel_loop3A_313 : vector<16xi32>
        %parallel_loop3A_315 = tpu.bitcast %parallel_loop3A_314 : vector<16xi32> -> vector<16xf32>
        %parallel_loop3A_316 = arith.constant -65536 : i32
        %parallel_loop3A_317 = vector.broadcast %parallel_loop3A_316 : i32 to vector<16xi32>
        %parallel_loop3A_318 = arith.andi %parallel_loop3A_301, %parallel_loop3A_317 : vector<16xi32>
        %parallel_loop3A_319 = tpu.bitcast %parallel_loop3A_318 : vector<16xi32> -> vector<16xf32>
        %parallel_loop3A_320 = arith.constant 16 : i32
        %parallel_loop3A_321 = vector.broadcast %parallel_loop3A_320 : i32 to vector<16xi32>
        %parallel_loop3A_322 = arith.shli %parallel_loop3A_311, %parallel_loop3A_321 : vector<16xi32>
        %parallel_loop3A_323 = tpu.bitcast %parallel_loop3A_322 : vector<16xi32> -> vector<16xf32>
        %parallel_loop3A_324 = arith.constant -65536 : i32
        %parallel_loop3A_325 = vector.broadcast %parallel_loop3A_324 : i32 to vector<16xi32>
        %parallel_loop3A_326 = arith.andi %parallel_loop3A_311, %parallel_loop3A_325 : vector<16xi32>
        %parallel_loop3A_327 = tpu.bitcast %parallel_loop3A_326 : vector<16xi32> -> vector<16xf32>
        %parallel_loop3A_328 = arith.mulf %get3A_273, %parallel_loop3A_315 : vector<16xf32>
        %parallel_loop3A_329 = arith.mulf %get3A_283, %parallel_loop3A_323 : vector<16xf32>
        %parallel_loop3A_330 = arith.addf %parallel_loop3A_328, %parallel_loop3A_329 : vector<16xf32>
        %parallel_loop3A_331 = arith.index_cast %parallel_loop3A_293 : i32 to index
        %parallel_loop3A_332 = arith.index_cast %mul3A_271 : i32 to index
        %parallel_loop3A_333 = tpu.vector_load %arg11[%parallel_loop3A_331, %parallel_loop3A_332] {strides = array<i32>} : memref<32x1024xf32, #tpu.memory_space<vmem>>, vector<1x16xf32>,
        %parallel_loop3A_334 = vector.shape_cast %parallel_loop3A_333 : vector<1x16xf32> to vector<16xf32>
        %parallel_loop3A_335 = vector.shape_cast %parallel_loop3A_330 : vector<16xf32> to vector<1x16xf32>
        tpu.vector_store %arg11[%parallel_loop3A_331, %parallel_loop3A_332], %parallel_loop3A_335 {add = true, strides = array<i32>} : memref<32x1024xf32, #tpu.memory_space<vmem>>, vector<1x16xf32>,
        %parallel_loop3A_336 = arith.constant 16 : i32
        %parallel_loop3A_337 = arith.addi %mul3A_271, %parallel_loop3A_336 : i32
        %parallel_loop3A_338 = arith.mulf %get3A_278, %parallel_loop3A_319 : vector<16xf32>
        %parallel_loop3A_339 = arith.mulf %get3A_290, %parallel_loop3A_327 : vector<16xf32>
        %parallel_loop3A_340 = arith.addf %parallel_loop3A_338, %parallel_loop3A_339 : vector<16xf32>
        %parallel_loop3A_341 = arith.index_cast %parallel_loop3A_293 : i32 to index
        %parallel_loop3A_342 = arith.index_cast %parallel_loop3A_337 : i32 to index
        %parallel_loop3A_343 = tpu.vector_load %arg11[%parallel_loop3A_341, %parallel_loop3A_342] {strides = array<i32>} : memref<32x1024xf32, #tpu.memory_space<vmem>>, vector<1x16xf32>,
        %parallel_loop3A_344 = vector.shape_cast %parallel_loop3A_343 : vector<1x16xf32> to vector<16xf32>
        %parallel_loop3A_345 = vector.shape_cast %parallel_loop3A_340 : vector<16xf32> to vector<1x16xf32>
        tpu.vector_store %arg11[%parallel_loop3A_341, %parallel_loop3A_342], %parallel_loop3A_345 {add = true, strides = array<i32>} : memref<32x1024xf32, #tpu.memory_space<vmem>>, vector<1x16xf32>,
      } {sc.loop_unroll_factor = 4 : i64, sc.parallel_access}
    }
    %scan3A_243 = arith.constant 32 : i32
    %add3A_244 = arith.constant 32 : i32
    %add3A_245 = arith.addi %mul3A_2, %add3A_244 : i32
    %dma_start3A_246 = arith.constant 3 : i32
    %dma_start3A_247 = arith.constant 0 : i32
    %dma_start3A_248 = tpu.memref_slice %arg6[%dma_start3A_246, %add3A_245, %dma_start3A_247] : memref<4x2048x1024xf32, #tpu.memory_space<hbm>> -> memref<1x32x1024xf32, #tpu.memory_space<hbm>>
    %dma_start3A_249 = tpu.memref_squeeze %dma_start3A_248 : memref<1x32x1024xf32, #tpu.memory_space<hbm>> -> memref<32x1024xf32, #tpu.memory_space<hbm>>
    %dma_start3A_250 = arith.constant 0 : i32
    %dma_start3A_251 = tpu.memref_slice %arg6[%dma_start3A_246, %add3A_245, %dma_start3A_250] : memref<4x2048x1024xf32, #tpu.memory_space<hbm>> -> memref<1x32x1024xf32, #tpu.memory_space<hbm>>
    %dma_start3A_252 = tpu.memref_squeeze %dma_start3A_251 : memref<1x32x1024xf32, #tpu.memory_space<hbm>> -> memref<32x1024xf32, #tpu.memory_space<hbm>>
    tpu.enqueue_dma source(%arg11 : memref<32x1024xf32, #tpu.memory_space<vmem>>) target(%dma_start3A_252 : memref<32x1024xf32, #tpu.memory_space<hbm>>) target_semaphore(%arg15 : memref<!tpu.dma_semaphore, #tpu.memory_space<semaphore_mem>>)
    %dma_wait3A_253 = arith.constant 2 : i32
    %dma_wait3A_254 = arith.constant 0 : i32
    %dma_wait3A_255 = tpu.memref_slice %arg6[%dma_wait3A_253, %add3A_225, %dma_wait3A_254] : memref<4x2048x1024xf32, #tpu.memory_space<hbm>> -> memref<1x32x1024xf32, #tpu.memory_space<hbm>>
    %dma_wait3A_256 = tpu.memref_squeeze %dma_wait3A_255 : memref<1x32x1024xf32, #tpu.memory_space<hbm>> -> memref<32x1024xf32, #tpu.memory_space<hbm>>
    %dma_wait3A_257 = arith.constant 0 : i32
    %dma_wait3A_258 = tpu.memref_slice %arg6[%dma_wait3A_253, %add3A_225, %dma_wait3A_257] : memref<4x2048x1024xf32, #tpu.memory_space<hbm>> -> memref<1x32x1024xf32, #tpu.memory_space<hbm>>
    %dma_wait3A_259 = tpu.memref_squeeze %dma_wait3A_258 : memref<1x32x1024xf32, #tpu.memory_space<hbm>> -> memref<32x1024xf32, #tpu.memory_space<hbm>>
    tpu.wait_dma2 semaphore(%arg14 : memref<!tpu.dma_semaphore, #tpu.memory_space<semaphore_mem>>) src(%arg10 : memref<32x1024xf32, #tpu.memory_space<vmem>>) dst(%dma_wait3A_259 : memref<32x1024xf32, #tpu.memory_space<hbm>>)
    %dma_wait3A_260 = arith.constant 3 : i32
    %dma_wait3A_261 = arith.constant 0 : i32
    %dma_wait3A_262 = tpu.memref_slice %arg6[%dma_wait3A_260, %add3A_245, %dma_wait3A_261] : memref<4x2048x1024xf32, #tpu.memory_space<hbm>> -> memref<1x32x1024xf32, #tpu.memory_space<hbm>>
    %dma_wait3A_263 = tpu.memref_squeeze %dma_wait3A_262 : memref<1x32x1024xf32, #tpu.memory_space<hbm>> -> memref<32x1024xf32, #tpu.memory_space<hbm>>
    %dma_wait3A_264 = arith.constant 0 : i32
    %dma_wait3A_265 = tpu.memref_slice %arg6[%dma_wait3A_260, %add3A_245, %dma_wait3A_264] : memref<4x2048x1024xf32, #tpu.memory_space<hbm>> -> memref<1x32x1024xf32, #tpu.memory_space<hbm>>
    %dma_wait3A_266 = tpu.memref_squeeze %dma_wait3A_265 : memref<1x32x1024xf32, #tpu.memory_space<hbm>> -> memref<32x1024xf32, #tpu.memory_space<hbm>>
    tpu.wait_dma2 semaphore(%arg15 : memref<!tpu.dma_semaphore, #tpu.memory_space<semaphore_mem>>) src(%arg11 : memref<32x1024xf32, #tpu.memory_space<vmem>>) dst(%dma_wait3A_266 : memref<32x1024xf32, #tpu.memory_space<hbm>>)
    return
  }
}

</mosaic_0001>

<sc_bundles>
// kernel: kernel.3.cloned.1.call-start
scs
__scs_entry_jumppad:
0x0: {  	(pc) =	sbr.rel $0x88, $3  }
0x1: {  	(tag) =	ssettag $0x0;
	lr =	simm.s32 $0x1  }
0x2: {  	[smem:$0x3F9F] =	sst lr;
	_ =	strace $0xD0000000  }
0x3: {  	_ = 	snop  }
0x4: {  	_ = 	snop  }
0x5: {  	_ = 	snop  }
0x6: {  	_ = 	snop  }
0x7: {  	_ = 	snop  }
__scs_overlays_trampoline_lowered:
0x8: {  	[smem:$0x3FAE] =	sst s0  }
0x9: {  	[smem:$0x3FAF] =	sst s1  }
0xa: {  	[smem:$0x3FB0] =	sst s2  }
0xb: {  	[smem:$0x3FB1] =	sst s3  }
0xc: {  	[smem:$0x3FB2] =	sst s4  }
0xd: {  	[smem:$0x3FB3] =	sst s5  }
0xe: {  	[smem:$0x3FB4] =	sst s6  }
0xf: {  	[smem:$0x3FB5] =	sst s7  }
0x10: {  	[smem:$0x3FB6] =	sst s8  }
0x11: {  	[smem:$0x3FB7] =	sst s9;
	s0 =	simm.s32 @!p0 $0x0  }
0x12: {  	s1 =	sld [smem:$0x3F9D];
	s0 =	simm.s32 @p0 $0x1  }
0x13: {  	[smem:$0x3FB8] =	sst s0;
	s0 =	simm.s32 @!p1 $0x0  }
0x14: {  	s2 =	sld [smem:$0x3F9C];
	s0 =	simm.s32 @p1 $0x1  }
0x15: {  	[smem:$0x3FB9] =	sst s0;
	s0 =	simm.s32 @!p2 $0x0  }
0x16: {  	s3 =	sld [smem:$0x3FDB];
	s0 =	simm.s32 @p2 $0x1  }
0x17: {  	s4 =	simm.s32 $0x1BF5;
	[smem:$0x3FBB] =	sst s0  }
0x18: {  	s0 =	sld [smem:$0x3F9E];
	_ =	swait.ge [sflag:s4], $0x0  }
0x19: {  	s7 =	sld [smem:$0x3F9F]  }
0x1a: {  	s8 =	sadd.s32 $0xFFFFE003, lr  }
0x1b: {  	s9 =	sadd.s32 $0xFFFFFEF7, lr;
	s5 =	simm.s32 $0xFFFFFFFF;
	p2 =	slt.u32 s8, $0xFFFFF086  }
0x1c: {  	p1 =	slt.u32 s9, $0xF7A;
	s5 =	simm.s32 @!p2 $0x0  }
0x1d: {  	s5 =	simm.s32 @p1 $0x1;
	p0 =	seq.s32 s7, s2  }
0x1e: {  	s7 =	smul.u32 @!p0 $0xF7A, s2;
	p2 =	seq.s32 @!p0 s5, $0x0  }
0x1f: {  	s9 =	smul.u32 $0xF7A, s1;
	s8 =	simm.s32 @!p0 $0x1BF5;
	p2 =	por !p2, p0  }
0x20: {  	[sflag:s8] =	ssyncset.s32 @!p0 $0xFFFFF086;
	s6 =	sadd.s32 @!p0 s3, s7;
	s7 =	simm.s32 @!p0 $0x108  }
0x21: {  	s3 =	sadd.s32 s3, s9;
	s6 =	sadd.s32 @!p0 $0x88, s6;
	s7 =	simm.s32 @p2 $0x1082  }
0x22: {  	[simem:s7], [sflag:s8] =	dma.local @!p0 [hbm:s6], $0xF7A  }
0x23: {  	s9 =	sor.u32 $0xD0000000, s2;
	s6 =	simm.s32 $0x108;
	_ =	swait.ge @!p0 [sflag:s8], $0x0  }
0x24: {  	s3 =	sadd.s32 $0x88, s3;
	s6 =	simm.s32 @!p1 $0x1082;
	[sflag:s4] =	ssyncset.s32 $0xFFFFF086  }
0x25: {  	[simem:s6], [sflag:s4] =	dma.local [hbm:s3], $0xF7A  }
0x26: {  	[smem:$0x3F9F] =	sst s1;
	(tag) =	ssettag s2;
	_ =	strace s9  }
0x27: {  	s1 =	sld [smem:$0x3FAF]  }
0x28: {  	s2 =	sld [smem:$0x3FB0]  }
0x29: {  	s4 =	sld [smem:$0x3FB2]  }
0x2a: {  	p0 =	seq.s32 s5, $0x0;
	s5 =	sld [smem:$0x3FB3]  }
0x2b: {  	s6 =	sld [smem:$0x3FB4]  }
0x2c: {  	s7 =	sld [smem:$0x3FB5]  }
0x2d: {  	s3 =	simm.s32 $0x108;
	s8 =	sld [smem:$0x3FB6]  }
0x2e: {  	s3 =	simm.s32 @!p0 $0x1082;
	s9 =	sld [smem:$0x3FB7]  }
0x2f: {  	lr =	sadd.s32 s0, s3;
	s0 =	sld [smem:$0x3FAE]  }
0x30: {  	s3 =	sld [smem:$0x3FB1]  }
0x31: {  	[smem:$0x3FBA] =	sst s10  }
0x32: {  	s10 =	sld [smem:$0x3FB8];
	_ =	sdelay $0x3  }
0x33: {  	p0 =	seq.s32 s10, $0x1;
	s10 =	sld [smem:$0x3FBA];
	_ =	sdelay $0x3  }
0x34: {  	[smem:$0x3FBA] =	sst s10  }
0x35: {  	s10 =	sld [smem:$0x3FB9];
	_ =	sdelay $0x3  }
0x36: {  	p1 =	seq.s32 s10, $0x1;
	s10 =	sld [smem:$0x3FBA];
	_ =	sdelay $0x3  }
0x37: {  	[smem:$0x3FBA] =	sst s10  }
0x38: {  	s10 =	sld [smem:$0x3FBB]  }
0x39: {  	_ = 	snop;
	(pc) =	sbr.ind lr, $3  }
0x3a: {  	_ = 	snop  }
0x3b: {  	_ = 	snop  }
0x3c: {  	p2 =	seq.s32 s10, $0x1;
	s10 =	sld [smem:$0x3FBA]  }
0x3d: {  	_ =	shalt  }
0x3e: {  	_ =	shalt  }
0x3f: {  	_ =	shalt  }
0x40: {  	_ =	shalt  }
0x41: {  	_ =	shalt  }
0x42: {  	_ =	shalt  }
0x43: {  	_ =	shalt  }
0x44: {  	_ =	shalt  }
0x45: {  	_ =	shalt  }
0x46: {  	_ =	shalt  }
0x47: {  	_ =	shalt  }
0x48: {  	_ =	shalt  }
0x49: {  	_ =	shalt  }
0x4a: {  	_ =	shalt  }
0x4b: {  	_ =	shalt  }
0x4c: {  	_ =	shalt  }
0x4d: {  	_ =	shalt  }
0x4e: {  	_ =	shalt  }
0x4f: {  	_ =	shalt  }
0x50: {  	_ =	shalt  }
0x51: {  	_ =	shalt  }
0x52: {  	_ =	shalt  }
0x53: {  	_ =	shalt  }
0x54: {  	_ =	shalt  }
0x55: {  	_ =	shalt  }
0x56: {  	_ =	shalt  }
0x57: {  	_ =	shalt  }
0x58: {  	_ =	shalt  }
0x59: {  	_ =	shalt  }
0x5a: {  	_ =	shalt  }
0x5b: {  	_ =	shalt  }
0x5c: {  	_ =	shalt  }
0x5d: {  	_ =	shalt  }
0x5e: {  	_ =	shalt  }
0x5f: {  	_ =	shalt  }
0x60: {  	_ =	shalt  }
0x61: {  	_ =	shalt  }
0x62: {  	_ =	shalt  }
0x63: {  	_ =	shalt  }
0x64: {  	_ =	shalt  }
0x65: {  	_ =	shalt  }
0x66: {  	_ =	shalt  }
0x67: {  	_ =	shalt  }
0x68: {  	_ =	shalt  }
0x69: {  	_ =	shalt  }
0x6a: {  	_ =	shalt  }
0x6b: {  	_ =	shalt  }
0x6c: {  	_ =	shalt  }
0x6d: {  	_ =	shalt  }
0x6e: {  	_ =	shalt  }
0x6f: {  	_ =	shalt  }
0x70: {  	_ =	shalt  }
0x71: {  	_ =	shalt  }
0x72: {  	_ =	shalt  }
0x73: {  	_ =	shalt  }
0x74: {  	_ =	shalt  }
0x75: {  	_ =	shalt  }
0x76: {  	_ =	shalt  }
0x77: {  	_ =	shalt  }
0x78: {  	_ =	shalt  }
0x79: {  	_ =	shalt  }
0x7a: {  	_ =	shalt  }
0x7b: {  	_ =	shalt  }
0x7c: {  	_ =	shalt  }
0x7d: {  	_ =	shalt  }
0x7e: {  	_ =	shalt  }
0x7f: {  	_ =	shalt  }
0x80: {  	_ =	shalt  }
0x81: {  	_ =	shalt  }
0x82: {  	_ =	shalt  }
0x83: {  	_ =	shalt  }
0x84: {  	_ =	shalt  }
0x85: {  	_ =	shalt  }
0x86: {  	_ =	shalt  }
0x87: {  	_ =	shalt  }
.Lfunc_end0:
.L_simem_size_0:
called_computation_lowered:
.L_overlay_start_0:
0x88: {  	s2 =	sld [smem:$0x3FD9]  }
0x89: {  	s3 =	sld [smem:$0x3FFE];
	_ =	sdelay $0x1  }
0x8a: {  	s1 =	srdreg.scid  }
0x8b: {  	s0 =	sand.u32 $0x1, s1  }
0x8c: {  	s17 =	sshll.u32 s0, $0xA;
	s2 =	sadd.s32 s3, s2  }
0x8d: {  	s2 =	sadd.s32 s2, s17  }
0x8e: {  	[smem:$0x3FC6] =	sst s2  }
0x8f: {  	_ = 	snop  }
0x90: {  	s2 =	sld [smem:$0x3FC9]  }
0x91: {  	s18 =	sld [smem:$0x3FC8]  }
0x92: {  	s4 =	sld [smem:$0x3FD0];
	(tm) =	ssettm $0x1  }
0x93: {  	s5 =	sld [smem:$0x3FFB];
	_ =	sdelay $0x3  }
0x94: {  	_ =	strace s5  }
0x95: {  	s5 =	sld [smem:$0x3FFC];
	_ =	sdelay $0x3  }
0x96: {  	_ =	strace s5  }
0x97: {  	s5 =	sld [smem:$0x3FFD];
	_ =	sdelay $0x3  }
0x98: {  	_ =	strace s5  }
0x99: {  	_ =	strace $0x8FFFFFFF  }
0x9a: {  	s19 =	sld [smem:$0x3FDB];
	_ =	sdelay $0x1  }
0x9b: {  	s6 =	simm.s32 $_scs_section_size  }
0x9c: {  	s7 =	simm.s32 $_size__tile_overlayer_lowered;
	s8 =	simm.s32 $_tile_overlayer_lowered  }
0x9d: {  	s22 =	simm.s32 $0x1BFF;
	s21 =	sshll.u32 s8, $0x1;
	s5 =	sadd.s32 s6, s19  }
0x9e: {  	s9 =	simm.s32 $0x0;
	s20 =	sshll.u32 s7, $0x1;
	s7 =	sadd.s32 s21, s5  }
0x9f: {  	[timem:s9], [sflag:s22] =	dma.local [hbm:s7], s20  }
0xa0: {  	_ =	swait.ge [sflag:s22], s20  }
0xa1: {  	s6 =	ssub.s32 $0x0, s20;
	[sflag:s22] =	ssyncset.done $0x0  }
0xa2: {  	[sflag:s22] =	ssyncadd.s32 s6;
	_ =	sdelay $0x1  }
0xa3: {  	s23 =	simm.s32 $0x1B8B  }
0xa4: {  	_ =	swait.ge [sflag:s23], $0x1  }
0xa5: {  	[sflag:s23] =	ssyncset.done $0x0  }
0xa6: {  	s25 =	simm.s32 $0x1B8E;
	s24 =	sld [smem:$0x3FFE];
	[sflag:s23] =	ssyncadd.s32 $0xFFFFFFFF  }
0xa7: {  	s26 =	simm.s32 $execute0_lowered;
	[smem:$0x3FD2] =	sst s25  }
0xa8: {  	s7 =	sshll.u32 s26, $0x1;
	_ =	strace $0x80000046;
	[dreg:$0x1] =	wrdreg $0xFFFFFFFF  }
0xa9: {  	s28 =	simm.s32 $_size_execute0_lowered;
	s5 =	sadd.s32 s5, s7;
	[dreg:$0x0] =	wrdreg $0x0  }
0xaa: {  	s7 =	sshll.u32 s28, $0x1;
	[dreg:$0x2] =	wrdreg s5  }
0xab: {  	[dreg:$0x3] =	wrdreg s7  }
0xac: {  	[dreg:$0x4] =	wrdreg $0xC0  }
0xad: {  	_ =	task [dreg:s9], $0x5FFFF  }
0xae: {  	[dreg:$0x1] =	wrdreg $0xFFFFFFFF  }
0xaf: {  	[dreg:$0x0] =	wrdreg $0x60  }
0xb0: {  	[dreg:$0x2] =	wrdreg s2  }
0xb1: {  	[dreg:$0x3] =	wrdreg s18  }
0xb2: {  	[dreg:$0x4] =	wrdreg s24  }
0xb3: {  	[dreg:$0x5] =	wrdreg s4  }
0xb4: {  	[dreg:$0x6] =	wrdreg $0x9  }
0xb5: {  	_ =	task.clear_ibuf [dreg:s9], $0x7FFFF;
	_ =	strace $0x90000046  }
0xb6: {  	s29 =	simm.s32 $0x9;
	_ =	strace $0x80000048  }
0xb7: {  	_ =	swait.ge [sflag:s29], $0x1  }
0xb8: {  	[sflag:s29] =	ssyncadd.s32 $0xFFFFFFFF  }
0xb9: {  	_ =	strace $0x90000048  }
0xba: {  	_ =	sfence  }
0xbb: {  	s30 =	sld [smem:$0x0];
	_ =	sdelay $0x2  }
0xbc: {  	s31 =	sshll.u32 s1, $0xD;
	s1 =	sshrl.u32 s1, $0x2  }
0xbd: {  	s3 =	sand.u32 $0x4000, s31;
	s1 =	sadd.s32 s1, s30  }
0xbe: {  	s0 =	sor.u32 s3, s0;
	s1 =	sshll.u32 s1, $0x11  }
0xbf: {  	s0 =	sor.u32 s1, s0  }
0xc0: {  	s0 =	sadd.s32 $0x8F2B, s0  }
0xc1: {  	[sflag:s0] =	ssyncadd.remote.s32 $0x1  }
0xc2: {  	_ =	sfence.sel $0xFFFF  }
0xc3: {  	[dreg:$0x0] =	wrdreg $0xFFFFFFFF;
	(pc) =	sbr.abs _section_cstart, $3  }
0xc4: {  	[dreg:$0x1] =	wrdreg $0xFFFFFFFF  }
0xc5: {  	_ =	task.clear_ibuf [dreg:s9], $0x2FFFF;
	_ =	strace $0x9FFFFFFF  }
0xc6: {  	(tm) =	ssettm $0x7FFFFFFF  }
0xc7: {  	_ =	shalt  }
tec
execute0_lowered:
.L_overlay_start_1:
0x0: {  	(tag) =	ssettag $0x1  }
0x1: {  	s0 =	rddreg [dreg:$0x0]  }
0x2: {  	s1 =	rddreg [dreg:$0x1]  }
0x3: {  	s2 =	rddreg [dreg:$0x2]  }
0x4: {  	s4 =	rddreg [dreg:$0x3]  }
0x5: {  	s5 =	srdreg.scid;
	s6 =	stileid.u32;
	s3 =	simm.s32 $0x0  }
0x6: {  	s5 =	sand.u32 $0x1, s5;
	s6 =	sshll.u32 s6, $0x1;
	[smem:$0x7FF] =	sst s3  }
0x7: {  	s6 =	sor.u32 s5, s6;
	_ =	strace $0x80000047;
	s9 =	sshll.u32 s5, $0x6  }
0x8: {  	s14 =	ssub.s32 $0x2, s5;
	s7 =	sshll.u32 s6, $0x9;
	s8 =	sshll.u32 s6, $0x8  }
0x9: {  	s16 =	sshrl.u32 s14, $0x1;
	s7 =	sadd.s32 s7, s2;
	s2 =	sadd.s32 $0x400, s2  }
0xa: {  	s10 =	sand.u32 $0x1E00, s8;
	s8 =	sor.u32 s9, s8;
	[dreg:$0x5] =	wrdreg s2  }
0xb: {  	s15 =	sor.u32 s9, s10;
	s2 =	ssub.s32 s14, s16;
	s22 =	sadd.s32 $0x1400, s7  }
0xc: {  	s18 =	sshrl.u32 s8, $0x3;
	s25 =	sadd.s32 $0x1500, s7;
	[dreg:$0xa] =	wrdreg s22  }
0xd: {  	s5 =	sshrl.u32 s15, $0x3;
	[dreg:$0xf] =	wrdreg s25;
	s31 =	smax.u32 s2, $0x1  }
0xe: {  	s20 =	sor.u32 $0x20, s18;
	s17 =	sadd.s32 s0, s5;
	[dreg:$0x14] =	wrdreg s31  }
0xf: {  	s8 =	sadd.s32 s0, s20;
	[dreg:$0x6] =	wrdreg s17  }
0x10: {  	s5 =	sor.u32 $0x30, s18;
	s19 =	sadd.s32 $0x10, s17;
	[dreg:$0x8] =	wrdreg s8  }
0x11: {  	s21 =	sshll.u32 s6, $0xD;
	s0 =	sadd.s32 s0, s5;
	[dreg:$0x7] =	wrdreg s19  }
0x12: {  	[dreg:$0x9] =	wrdreg s0;
	s0 =	sadd.s32 s4, s21  }
0x13: {  	s29 =	simm.s32 $0x8900;
	s4 =	sadd.s32 $0x40000, s0;
	[dreg:$0xb] =	wrdreg s0  }
0x14: {  	s12 =	sadd.s32 $0x200, s1;
	s23 =	sadd.s32 $0x80000, s0;
	[dreg:$0xc] =	wrdreg s4  }
0x15: {  	s13 =	sadd.s32 $0x300, s1;
	s24 =	sadd.s32 $0xC0000, s0;
	[dreg:$0xd] =	wrdreg s23  }
0x16: {  	s6 =	simm.s32 $0x2;
	s26 =	sadd.s32 $0x1000, s0;
	[dreg:$0xe] =	wrdreg s24  }
0x17: {  	s10 =	sadd.s32 $0x100, s1;
	s28 =	sadd.s32 $0x41000, s0;
	[dreg:$0x10] =	wrdreg s26  }
0x18: {  	v2 =	vlaneseq.u32;
	s7 =	simm.s32 $0x4;
	s30 =	sadd.s32 $0x81000, s0;
	[dreg:$0x11] =	wrdreg s28  }
0x19: {  	vm0 =	vmmov $0xffff;
	v1 =	vshrl.u32 v2, $0x3;
	s8 =	simm.s32 $0x0;
	s0 =	sadd.s32 $0xC1000, s0;
	[dreg:$0x12] =	wrdreg s30  }
0x1a: {  	v0 =	vand.u32 $0x7, v2;
	v2 =	vor.u32 $0x8, v2;
	v1 =	vmul.u32 $0x8, v1;
	[dreg:$0x13] =	wrdreg s0;
	s23 =	simm.s32 $0x5;
	s4 =	simm.s32 $0x10900  }
.LBB2_1:
0x1b: {  	s0 =	rddreg [dreg:$0x6]  }
0x1c: {  	[tilespmem:s3], [sflag:$0x5] =	stream.linear.gather [hbm4b:s0+s3], $0x40, $0x38;
	[tilespmem:$0x18900] =	vst v63  }
0x1d: {  	_ =	swait.ge [sflag:s23], $0x40  }
0x1e: {  	[sflag:s23] =	ssyncset.done $0x0  }
0x1f: {  	s2 =	simm.s32 $0x40;
	s28 =	rddreg [dreg:$0x7];
	[sflag:s23] =	ssyncadd.s32 $0xFFFFFFC0  }
0x20: {  	[tilespmem:s2], [sflag:$0x5] =	stream.linear.gather [hbm4b:s28+s3], $0x40, $0x38;
	[tilespmem:$0x18900] =	vst v63  }
0x21: {  	_ =	swait.ge [sflag:s23], $0x40  }
0x22: {  	[sflag:s23] =	ssyncset.done $0x0  }
0x23: {  	s31 =	simm.s32 $0x80;
	s30 =	rddreg [dreg:$0x8];
	[sflag:s23] =	ssyncadd.s32 $0xFFFFFFC0  }
0x24: {  	[tilespmem:s31], [sflag:$0x5] =	stream.linear.gather [hbm4b:s30+s3], $0x40, $0x38;
	[tilespmem:$0x18900] =	vst v63  }
0x25: {  	_ =	swait.ge [sflag:s23], $0x40  }
0x26: {  	[sflag:s23] =	ssyncset.done $0x0  }
0x27: {  	s9 =	simm.s32 $0xC0;
	s5 =	rddreg [dreg:$0x9];
	[sflag:s23] =	ssyncadd.s32 $0xFFFFFFC0  }
0x28: {  	[tilespmem:s9], [sflag:$0x5] =	stream.linear.gather [hbm4b:s5+s3], $0x40, $0x38;
	[tilespmem:$0x18900] =	vst v63  }
0x29: {  	_ =	swait.ge [sflag:s23], $0x40  }
0x2a: {  	[sflag:s23] =	ssyncset.done $0x0  }
0x2b: {  	s14 =	simm.s32 $0x900;
	s11 =	rddreg [dreg:$0x5];
	[sflag:s23] =	ssyncadd.s32 $0xFFFFFFC0  }
0x2c: {  	[tilespmem:s14], [sflag:$0x5] =	stream.linear.gather [hbm4b:s11+s3], $0x8000, $0x38;
	[tilespmem:$0x18900] =	vst v63  }
0x2d: {  	_ =	swait.ge [sflag:s23], $0x8000  }
0x2e: {  	[sflag:s23] =	ssyncset.done $0x0  }
0x2f: {  	s16 =	simm.s32 $0x100;
	s15 =	rddreg [dreg:$0xa];
	[sflag:s23] =	ssyncadd.s32 $0xFFFF8000  }
0x30: {  	[tilespmem:s16], [sflag:$0x5] =	stream.linear.gather [hbm4b:s15+s3], $0x800, $0x38;
	[tilespmem:$0x18900] =	vst v63  }
0x31: {  	_ =	swait.ge [sflag:s23], $0x800  }
0x32: {  	[sflag:s23] =	ssyncset.done $0x0  }
0x33: {  	[sflag:s23] =	ssyncadd.s32 $0xFFFFF800  }
0x34: {  	v3 =	vld [tilespmem:$0x0];
	_ =	sdelay $0x4  }
0x35: {  	v4 =	vshll.u32 v3, $0x3  }
0x36: {  	v3 =	vand.u32 $0x7, v3;
	v4 =	vand.u32 $0xFFFFFFC0, v4  }
0x37: {  	v3 =	vor.u32 v3, v4  }
0x38: {  	v4 =	vperm.xlane v3, v0;
	_ =	sdelay $0x1  }
0x39: {  	v4 =	vadd.s32 v1, v4;
	_ =	sdelay $0x4  }
0x3a: {  	[tilespmem:s29], [sflag:$0x1] =	stream.indirect_vreg.gather [hbm4b:s1+s3], $0x80, v4, vm0, $0xb8;
	[tilespmem:$0x18900] =	vst v63  }
0x3b: {  	s17 =	simm.s32 $0x9100;
	v3 =	vperm.xlane v3, v2  }
0x3c: {  	[tilespmem:s17], [sflag:$0x1] =	stream.indirect_vreg.gather [hbm4b:s10+s3], $0x80, v4, vm0, $0xb8;
	[tilespmem:$0x18900] =	vst v63  }
0x3d: {  	s18 =	simm.s32 $0x9900;
	v3 =	vadd.s32 v1, v3  }
0x3e: {  	[tilespmem:s18], [sflag:$0x1] =	stream.indirect_vreg.gather [hbm4b:s12+s3], $0x80, v4, vm0, $0xb8;
	[tilespmem:$0x18900] =	vst v63  }
0x3f: {  	s19 =	simm.s32 $0xA100  }
0x40: {  	[tilespmem:s19], [sflag:$0x1] =	stream.indirect_vreg.gather [hbm4b:s13+s3], $0x80, v4, vm0, $0xb8;
	[tilespmem:$0x18900] =	vst v63  }
0x41: {  	s20 =	simm.s32 $0xA900  }
0x42: {  	[tilespmem:s20], [sflag:$0x1] =	stream.indirect_vreg.gather [hbm4b:s1+s3], $0x80, v3, vm0, $0xb8;
	[tilespmem:$0x18900] =	vst v63  }
0x43: {  	s21 =	simm.s32 $0xB100  }
0x44: {  	[tilespmem:s21], [sflag:$0x1] =	stream.indirect_vreg.gather [hbm4b:s10+s3], $0x80, v3, vm0, $0xb8;
	[tilespmem:$0x18900] =	vst v63  }
0x45: {  	s22 =	simm.s32 $0xB900  }
0x46: {  	[tilespmem:s22], [sflag:$0x1] =	stream.indirect_vreg.gather [hbm4b:s12+s3], $0x80, v3, vm0, $0xb8;
	[tilespmem:$0x18900] =	vst v63  }
0x47: {  	s24 =	simm.s32 $0xC100  }
0x48: {  	[tilespmem:s24], [sflag:$0x1] =	stream.indirect_vreg.gather [hbm4b:s13+s3], $0x80, v3, vm0, $0xb8;
	[tilespmem:$0x18900] =	vst v63  }
0x49: {  	v3 =	vld [tilespmem:$0x10];
	_ =	sdelay $0x4  }
0x4a: {  	v61 =	vshll.u32 v3, $0x3  }
0x4b: {  	v3 =	vand.u32 $0x7, v3;
	v4 =	vand.u32 $0xFFFFFFC0, v61  }
0x4c: {  	v3 =	vor.u32 v3, v4  }
0x4d: {  	v4 =	vperm.xlane v3, v0;
	_ =	sdelay $0x1  }
0x4e: {  	v4 =	vadd.s32 v1, v4;
	_ =	sdelay $0x3  }
0x4f: {  	s25 =	simm.s32 $0xC900  }
0x50: {  	[tilespmem:s25], [sflag:$0x1] =	stream.indirect_vreg.gather [hbm4b:s1+s3], $0x80, v4, vm0, $0xb8;
	[tilespmem:$0x18900] =	vst v63  }
0x51: {  	s26 =	simm.s32 $0xD100;
	v3 =	vperm.xlane v3, v2  }
0x52: {  	[tilespmem:s26], [sflag:$0x1] =	stream.indirect_vreg.gather [hbm4b:s10+s3], $0x80, v4, vm0, $0xb8;
	[tilespmem:$0x18900] =	vst v63  }
0x53: {  	s28 =	simm.s32 $0xD900;
	v3 =	vadd.s32 v1, v3  }
0x54: {  	[tilespmem:s28], [sflag:$0x1] =	stream.indirect_vreg.gather [hbm4b:s12+s3], $0x80, v4, vm0, $0xb8;
	[tilespmem:$0x18900] =	vst v63  }
0x55: {  	s30 =	simm.s32 $0xE100  }
0x56: {  	[tilespmem:s30], [sflag:$0x1] =	stream.indirect_vreg.gather [hbm4b:s13+s3], $0x80, v4, vm0, $0xb8;
	[tilespmem:$0x18900] =	vst v63  }
0x57: {  	s31 =	simm.s32 $0xE900  }
0x58: {  	[tilespmem:s31], [sflag:$0x1] =	stream.indirect_vreg.gather [hbm4b:s1+s3], $0x80, v3, vm0, $0xb8;
	[tilespmem:$0x18900] =	vst v63  }
0x59: {  	s2 =	simm.s32 $0xF100  }
0x5a: {  	[tilespmem:s2], [sflag:$0x1] =	stream.indirect_vreg.gather [hbm4b:s10+s3], $0x80, v3, vm0, $0xb8;
	[tilespmem:$0x18900] =	vst v63  }
0x5b: {  	s5 =	simm.s32 $0xF900  }
0x5c: {  	[tilespmem:s5], [sflag:$0x1] =	stream.indirect_vreg.gather [hbm4b:s12+s3], $0x80, v3, vm0, $0xb8;
	[tilespmem:$0x18900] =	vst v63  }
0x5d: {  	s9 =	simm.s32 $0x10100  }
0x5e: {  	[tilespmem:s9], [sflag:$0x1] =	stream.indirect_vreg.gather [hbm4b:s13+s3], $0x80, v3, vm0, $0xb8;
	[tilespmem:$0x18900] =	vst v63  }
0x5f: {  	v3 =	vld [tilespmem:$0x40];
	_ =	sdelay $0x4  }
0x60: {  	v62 =	vshll.u32 v3, $0x3  }
0x61: {  	v3 =	vand.u32 $0x7, v3;
	v4 =	vand.u32 $0xFFFFFFC0, v62  }
0x62: {  	v3 =	vor.u32 v3, v4  }
0x63: {  	v4 =	vperm.xlane v3, v0;
	_ =	sdelay $0x1  }
0x64: {  	v4 =	vadd.s32 v1, v4;
	_ =	sdelay $0x4  }
0x65: {  	[tilespmem:s4], [sflag:$0x2] =	stream.indirect_vreg.gather [hbm4b:s1+s3], $0x80, v4, vm0, $0xb8;
	[tilespmem:$0x18900] =	vst v63  }
0x66: {  	s11 =	simm.s32 $0x11100;
	v3 =	vperm.xlane v3, v2  }
0x67: {  	[tilespmem:s11], [sflag:$0x2] =	stream.indirect_vreg.gather [hbm4b:s10+s3], $0x80, v4, vm0, $0xb8;
	[tilespmem:$0x18900] =	vst v63  }
0x68: {  	s14 =	simm.s32 $0x11900;
	v3 =	vadd.s32 v1, v3  }
0x69: {  	[tilespmem:s14], [sflag:$0x2] =	stream.indirect_vreg.gather [hbm4b:s12+s3], $0x80, v4, vm0, $0xb8;
	[tilespmem:$0x18900] =	vst v63  }
0x6a: {  	s15 =	simm.s32 $0x12100  }
0x6b: {  	[tilespmem:s15], [sflag:$0x2] =	stream.indirect_vreg.gather [hbm4b:s13+s3], $0x80, v4, vm0, $0xb8;
	[tilespmem:$0x18900] =	vst v63  }
0x6c: {  	s16 =	simm.s32 $0x12900  }
0x6d: {  	[tilespmem:s16], [sflag:$0x2] =	stream.indirect_vreg.gather [hbm4b:s1+s3], $0x80, v3, vm0, $0xb8;
	[tilespmem:$0x18900] =	vst v63  }
0x6e: {  	s17 =	simm.s32 $0x13100  }
0x6f: {  	[tilespmem:s17], [sflag:$0x2] =	stream.indirect_vreg.gather [hbm4b:s10+s3], $0x80, v3, vm0, $0xb8;
	[tilespmem:$0x18900] =	vst v63  }
0x70: {  	s18 =	simm.s32 $0x13900  }
0x71: {  	[tilespmem:s18], [sflag:$0x2] =	stream.indirect_vreg.gather [hbm4b:s12+s3], $0x80, v3, vm0, $0xb8;
	[tilespmem:$0x18900] =	vst v63  }
0x72: {  	s19 =	simm.s32 $0x14100  }
0x73: {  	[tilespmem:s19], [sflag:$0x2] =	stream.indirect_vreg.gather [hbm4b:s13+s3], $0x80, v3, vm0, $0xb8;
	[tilespmem:$0x18900] =	vst v63  }
0x74: {  	v3 =	vld [tilespmem:$0x50];
	_ =	sdelay $0x4  }
0x75: {  	v63 =	vshll.u32 v3, $0x3  }
0x76: {  	v3 =	vand.u32 $0x7, v3;
	v4 =	vand.u32 $0xFFFFFFC0, v63  }
0x77: {  	v3 =	vor.u32 v3, v4  }
0x78: {  	v4 =	vperm.xlane v3, v0;
	_ =	sdelay $0x1  }
0x79: {  	v4 =	vadd.s32 v1, v4;
	_ =	sdelay $0x3  }
0x7a: {  	s20 =	simm.s32 $0x14900  }
0x7b: {  	[tilespmem:s20], [sflag:$0x2] =	stream.indirect_vreg.gather [hbm4b:s1+s3], $0x80, v4, vm0, $0xb8;
	[tilespmem:$0x18900] =	vst v63  }
0x7c: {  	s21 =	simm.s32 $0x15100;
	v3 =	vperm.xlane v3, v2  }
0x7d: {  	[tilespmem:s21], [sflag:$0x2] =	stream.indirect_vreg.gather [hbm4b:s10+s3], $0x80, v4, vm0, $0xb8;
	[tilespmem:$0x18900] =	vst v63  }
0x7e: {  	s22 =	simm.s32 $0x15900;
	v3 =	vadd.s32 v1, v3  }
0x7f: {  	[tilespmem:s22], [sflag:$0x2] =	stream.indirect_vreg.gather [hbm4b:s12+s3], $0x80, v4, vm0, $0xb8;
	[tilespmem:$0x18900] =	vst v63  }
0x80: {  	s24 =	simm.s32 $0x16100  }
0x81: {  	[tilespmem:s24], [sflag:$0x2] =	stream.indirect_vreg.gather [hbm4b:s13+s3], $0x80, v4, vm0, $0xb8;
	[tilespmem:$0x18900] =	vst v63  }
0x82: {  	s25 =	simm.s32 $0x16900  }
0x83: {  	[tilespmem:s25], [sflag:$0x2] =	stream.indirect_vreg.gather [hbm4b:s1+s3], $0x80, v3, vm0, $0xb8;
	[tilespmem:$0x18900] =	vst v63  }
0x84: {  	s26 =	simm.s32 $0x17100  }
0x85: {  	[tilespmem:s26], [sflag:$0x2] =	stream.indirect_vreg.gather [hbm4b:s10+s3], $0x80, v3, vm0, $0xb8;
	[tilespmem:$0x18900] =	vst v63  }
0x86: {  	s28 =	simm.s32 $0x17900  }
0x87: {  	[tilespmem:s28], [sflag:$0x2] =	stream.indirect_vreg.gather [hbm4b:s12+s3], $0x80, v3, vm0, $0xb8;
	[tilespmem:$0x18900] =	vst v63  }
0x88: {  	s30 =	simm.s32 $0x18100;
	s31 =	simm.s32 $0x1  }
0x89: {  	[tilespmem:s30], [sflag:$0x2] =	stream.indirect_vreg.gather [hbm4b:s13+s3], $0x80, v3, vm0, $0xb8;
	[tilespmem:$0x18900] =	vst v63  }
0x8a: {  	_ =	swait.ge [sflag:s31], $0x8000  }
0x8b: {  	s29 =	simm.s32 $0x10900;
	s9 =	simm.s32 $0x0;
	[sflag:s31] =	ssyncset.done $0x0  }
0x8c: {  	s14 =	simm.s32 $0x0;
	s15 =	simm.s32 $0x0;
	[sflag:s31] =	ssyncadd.s32 $0xFFFF8000  }
.LBB2_2:
0x8d: {  	s2 =	sshll.u32 s14, $0x2;
	s5 =	sand.u32 $0x7, s9  }
0x8e: {  	s0 =	sshll.u32 s15, $0x5;
	s2 =	sand.u32 $0xFFFFFE00, s2;
	s5 =	sshll.u32 s5, $0x6  }
0x8f: {  	s17 =	sand.u32 $0x60, s0;
	s11 =	sand.u32 $0x380, s0;
	v4 =	vld [tilespmem:s0+$0x100];
	s2 =	sor.u32 s5, s2  }
0x90: {  	v5 =	vld [tilespmem:s0+$0x510];
	s24 =	sor.u32 s17, s11;
	s2 =	sshrl.u32 s2, $0x2  }
0x91: {  	v6 =	vld [tilespmem:s24+$0x500];
	s2 =	sadd.s32 $0x4F00, s2  }
0x92: {  	v7 =	vld [tilespmem:s2+$0xFFFFC000]  }
0x93: {  	v8 =	vld [tilespmem:s2+$0x0]  }
0x94: {  	v9 =	vld [tilespmem:s2+$0xFFFFFA00]  }
0x95: {  	v10 =	vld [tilespmem:s2+$0xFFFFBC00]  }
0x96: {  	s18 =	sor.u32 $0x10, s17;
	v11 =	vld [tilespmem:s2+$0xFFFFFC00]  }
0x97: {  	s19 =	sor.u32 s18, s11;
	v12 =	vld [tilespmem:s2+$0xFFFFBE00]  }
0x98: {  	v3 =	vld [tilespmem:s19+$0x100]  }
0x99: {  	s25 =	sshll.u32 s15, $0x8;
	v15 =	vld [tilespmem:s2+$0xFFFFBA00];
	v13 =	vshll.u32 v7, $0x10;
	v7 =	vand.u32 $0xFFFF0000, v7  }
0x9a: {  	s20 =	simm.s32 $0x0;
	s21 =	simm.s32 $0x180;
	s22 =	simm.s32 $0x0;
	v14 =	vshll.u32 v8, $0x10;
	v8 =	vand.u32 $0xFFFF0000, v8;
	v17 =	vshll.u32 v9, $0x10  }
0x9b: {  	s28 =	simm.s32 $0x0;
	s0 =	sand.u32 $0x1C00, s25;
	s26 =	sand.u32 $0x6000, s20;
	v16 =	vld [tilespmem:s2+$0xFFFFFE00];
	v19 =	vand.u32 $0xFFFF0000, v9;
	v20 =	vshll.u32 v10, $0x10;
	v21 =	vshll.u32 v11, $0x10  }
0x9c: {  	s30 =	sand.u32 $0x380, s21;
	s25 =	simm.s32 $0x100;
	s5 =	sand.u32 $0x200, s28;
	v9 =	vshll.u32 v12, $0x10;
	v13 =	vmul.f32 v13, v4;
	v14 =	vmul.f32 v14, v6  }
0x9d: {  	s25 =	sand.u32 $0x300, s25;
	s24 =	simm.s32 $0x80;
	s19 =	sadd.s32 $0x8900, s0;
	v18 =	vmul.f32 v7, v3;
	v8 =	vmul.f32 v8, v5;
	v7 =	vand.u32 $0xFFFF0000, v10  }
0x9e: {  	s24 =	sand.u32 $0x280, s24;
	s0 =	sadd.s32 s26, s19;
	s2 =	sadd.s32 $0x800, s2;
	v10 =	vand.u32 $0xFFFF0000, v11;
	v11 =	vshll.u32 v15, $0x10;
	v17 =	vmul.f32 v17, v6  }
0x9f: {  	s11 =	sadd.s32 s30, s0;
	s5 =	sadd.s32 s5, s0;
	s31 =	sadd.s32 s24, s0;
	v11 =	vmul.f32 v11, v4;
	v13 =	vadd.f32 v14, v13;
	v18 =	vadd.f32 v8, v18  }
0xa0: {  	s28 =	sadd.s32 s25, s0;
	s26 =	sadd.s32 s17, s11;
	s11 =	sadd.s32 s18, s11;
	v8 =	vand.u32 $0xFFFF0000, v12;
	v14 =	vand.u32 $0xFFFF0000, v15;
	v12 =	vshll.u32 v16, $0x10  }
0xa1: {  	s24 =	sadd.s32 s17, s5;
	s25 =	sadd.s32 s18, s5;
	s0 =	sadd.s32 s17, s31;
	v15 =	vmul.f32 v19, v5;
	v14 =	vmul.f32 v14, v3;
	v11 =	vadd.f32 v17, v11;
	[tilespmem:s26+$0x0] =	vst.add.f32.msk $0xffff, v13  }
0xa2: {  	s5 =	sadd.s32 s18, s31;
	s31 =	sadd.s32 s17, s28;
	v17 =	vmul.f32 v21, v6;
	v13 =	vand.u32 $0xFFFF0000, v16;
	v16 =	vmul.f32 v20, v4;
	[tilespmem:s11+$0x0] =	vst.add.f32.msk $0xffff, v18;
	s11 =	sadd.s32 s18, s28  }
.LBB2_3:
0xa3: {  	v18 =	vld [tilespmem:s2+$0xFFFFC000];
	v14 =	vadd.f32 v15, v14;
	v7 =	vmul.f32 v7, v3;
	v10 =	vmul.f32 v10, v5  }
0xa4: {  	v9 =	vmul.f32 v9, v4;
	v12 =	vmul.f32 v12, v6;
	v15 =	vld [tilespmem:s2+$0x0];
	v16 =	vadd.f32 v17, v16  }
0xa5: {  	s22 =	sadd.s32 $0x4, s22;
	v17 =	vld [tilespmem:s2+$0xFFFFFA00];
	v19 =	vadd.f32 v10, v7;
	v7 =	vmul.f32 v8, v3;
	v8 =	vmul.f32 v13, v5  }
0xa6: {  	p0 =	slt.u32 s22, $0x1C;
	v20 =	vadd.f32 v12, v9;
	v10 =	vld [tilespmem:s2+$0xFFFFBC00]  }
0xa7: {  	v9 =	vld [tilespmem:s2+$0xFFFFFC00];
	v21 =	vadd.f32 v8, v7  }
0xa8: {  	v8 =	vld [tilespmem:s2+$0xFFFFBE00]  }
0xa9: {  	s20 =	sadd.s32 $0x1000, s20;
	s21 =	sadd.s32 $0x200, s21;
	v7 =	vshll.u32 v18, $0x10;
	v12 =	vand.u32 $0xFFFF0000, v18;
	v13 =	vld [tilespmem:s2+$0xFFFFFE00];
	v18 =	vshll.u32 v15, $0x10  }
0xaa: {  	s26 =	sand.u32 $0x6000, s20;
	s28 =	sadd.s32 $0xFFFFFE80, s21;
	v15 =	vand.u32 $0xFFFF0000, v15;
	v7 =	vmul.f32 v7, v4;
	v22 =	vld [tilespmem:s2+$0xFFFFBA00];
	v18 =	vmul.f32 v18, v6  }
0xab: {  	s30 =	sand.u32 $0x380, s21;
	s16 =	sadd.s32 $0xFFFFFF80, s21;
	s26 =	sadd.s32 s26, s19;
	v12 =	vmul.f32 v12, v3;
	v23 =	vshll.u32 v17, $0x10;
	v15 =	vmul.f32 v15, v5;
	[tilespmem:s24+$0x0] =	vst.add.f32.msk $0xffff, v11  }
0xac: {  	s16 =	sand.u32 $0x300, s16;
	s30 =	sadd.s32 s30, s26;
	v11 =	vand.u32 $0xFFFF0000, v17;
	v17 =	vshll.u32 v10, $0x10;
	s24 =	sadd.s32 $0xFFFFFF00, s21;
	v18 =	vadd.f32 v18, v7;
	[tilespmem:s25+$0x0] =	vst.add.f32.msk $0xffff, v14  }
0xad: {  	s25 =	sand.u32 $0x200, s28;
	v7 =	vand.u32 $0xFFFF0000, v10;
	v24 =	vshll.u32 v9, $0x10;
	s28 =	sand.u32 $0x280, s24;
	s24 =	sadd.s32 s17, s30;
	v14 =	vadd.f32 v15, v12;
	[tilespmem:s0+$0x0] =	vst.add.f32.msk $0xffff, v16  }
.Ltmp0:
0xae: {  	v10 =	vand.u32 $0xFFFF0000, v9;
	s0 =	sadd.s32 s25, s26;
	v9 =	vshll.u32 v8, $0x10;
	v8 =	vand.u32 $0xFFFF0000, v8;
	s25 =	sadd.s32 s18, s30;
	[tilespmem:s24+$0x0] =	vst.add.f32.msk $0xffff, v18;
	(pc) =	sbr.rel @p0 .LBB2_3-.Ltmp0, $4  }
0xaf: {  	s16 =	sadd.s32 s16, s26;
	s28 =	sadd.s32 s28, s26;
	s24 =	sadd.s32 s17, s0;
	v12 =	vshll.u32 v13, $0x10;
	v15 =	vshll.u32 v22, $0x10;
	v16 =	vand.u32 $0xFFFF0000, v22;
	[tilespmem:s25+$0x0] =	vst.add.f32.msk $0xffff, v14  }
0xb0: {  	v13 =	vand.u32 $0xFFFF0000, v13;
	v22 =	vmul.f32 v23, v6;
	s25 =	sadd.s32 s18, s0;
	s0 =	sadd.s32 s17, s28;
	v18 =	vmul.f32 v15, v4;
	[tilespmem:s5+$0x0] =	vst.add.f32.msk $0xffff, v19;
	s5 =	sadd.s32 s18, s28  }
0xb1: {  	s26 =	sadd.s32 s18, s16;
	v14 =	vmul.f32 v16, v3;
	v15 =	vmul.f32 v11, v5;
	[tilespmem:s31+$0x0] =	vst.add.f32.msk $0xffff, v20;
	s31 =	sadd.s32 s17, s16  }
0xb2: {  	s2 =	sadd.s32 $0x800, s2;
	v16 =	vmul.f32 v17, v4;
	v17 =	vmul.f32 v24, v6;
	v11 =	vadd.f32 v22, v18;
	[tilespmem:s11+$0x0] =	vst.add.f32.msk $0xffff, v21;
	s11 =	smov.u32 s26  }
0xb3: {  	v14 =	vadd.f32 v15, v14;
	v7 =	vmul.f32 v7, v3;
	v10 =	vmul.f32 v10, v5;
	s15 =	sadd.s32 $0x1, s15  }
0xb4: {  	v4 =	vmul.f32 v9, v4;
	v6 =	vmul.f32 v12, v6;
	v62 =	vadd.f32 v17, v16;
	[tilespmem:s24+$0x0] =	vst.add.f32.msk $0xffff, v11;
	p0 =	sne.s32 s15, $0x20  }
.Ltmp1:
0xb5: {  	v3 =	vmul.f32 v8, v3;
	v63 =	vmul.f32 v13, v5;
	v7 =	vadd.f32 v10, v7;
	[tilespmem:s25+$0x0] =	vst.add.f32.msk $0xffff, v14;
	(pc) =	sbr.rel @p0 .LBB2_2-.Ltmp1, $4  }
0xb6: {  	v4 =	vadd.f32 v6, v4;
	[tilespmem:s0+$0x0] =	vst.add.f32.msk $0xffff, v62  }
0xb7: {  	v3 =	vadd.f32 v63, v3;
	[tilespmem:s5+$0x0] =	vst.add.f32.msk $0xffff, v7  }
0xb8: {  	[tilespmem:s31+$0x0] =	vst.add.f32.msk $0xffff, v4  }
0xb9: {  	s14 =	sadd.s32 $0x10, s14;
	s9 =	sadd.s32 $0x1, s9;
	[tilespmem:s11+$0x0] =	vst.add.f32.msk $0xffff, v3  }
0xba: {  	s9 =	simm.s32 $0x0  }
0xbb: {  	s0 =	rddreg [dreg:$0xb];
	s2 =	simm.s32 $0x8900;
	s11 =	simm.s32 $0x3  }
0xbc: {  	[hbm4b:s0+s9] =	stream.linear.scatter [tilespmem:s2], [sflag:$0x3], $0x8000, $0x38;
	[tilespmem:$0x18900] =	vst v63  }
0xbd: {  	_ =	swait.ge [sflag:s11], $0x8000  }
0xbe: {  	[sflag:s11] =	ssyncset.done $0x0  }
0xbf: {  	[sflag:s11] =	ssyncadd.s32 $0xFFFF8000  }
0xc0: {  	v3 =	vld [tilespmem:$0x80];
	_ =	sdelay $0x4  }
0xc1: {  	v4 =	vshll.u32 v3, $0x3  }
0xc2: {  	v3 =	vand.u32 $0x7, v3;
	v4 =	vand.u32 $0xFFFFFFC0, v4  }
0xc3: {  	v3 =	vor.u32 v3, v4  }
0xc4: {  	v4 =	vperm.xlane v3, v0;
	_ =	sdelay $0x1  }
0xc5: {  	v4 =	vadd.s32 v1, v4;
	_ =	sdelay $0x4  }
0xc6: {  	[tilespmem:s2], [sflag:$0x1] =	stream.indirect_vreg.gather [hbm4b:s1+s9], $0x80, v4, vm0, $0xb8;
	[tilespmem:$0x18900] =	vst v63  }
0xc7: {  	s14 =	simm.s32 $0x9100;
	v3 =	vperm.xlane v3, v2  }
0xc8: {  	[tilespmem:s14], [sflag:$0x1] =	stream.indirect_vreg.gather [hbm4b:s10+s9], $0x80, v4, vm0, $0xb8;
	[tilespmem:$0x18900] =	vst v63  }
0xc9: {  	s15 =	simm.s32 $0x9900;
	v3 =	vadd.s32 v1, v3  }
0xca: {  	[tilespmem:s15], [sflag:$0x1] =	stream.indirect_vreg.gather [hbm4b:s12+s9], $0x80, v4, vm0, $0xb8;
	[tilespmem:$0x18900] =	vst v63  }
0xcb: {  	s16 =	simm.s32 $0xA100  }
0xcc: {  	[tilespmem:s16], [sflag:$0x1] =	stream.indirect_vreg.gather [hbm4b:s13+s9], $0x80, v4, vm0, $0xb8;
	[tilespmem:$0x18900] =	vst v63  }
0xcd: {  	s17 =	simm.s32 $0xA900  }
0xce: {  	[tilespmem:s17], [sflag:$0x1] =	stream.indirect_vreg.gather [hbm4b:s1+s9], $0x80, v3, vm0, $0xb8;
	[tilespmem:$0x18900] =	vst v63  }
0xcf: {  	s18 =	simm.s32 $0xB100  }
0xd0: {  	[tilespmem:s18], [sflag:$0x1] =	stream.indirect_vreg.gather [hbm4b:s10+s9], $0x80, v3, vm0, $0xb8;
	[tilespmem:$0x18900] =	vst v63  }
0xd1: {  	s19 =	simm.s32 $0xB900  }
0xd2: {  	[tilespmem:s19], [sflag:$0x1] =	stream.indirect_vreg.gather [hbm4b:s12+s9], $0x80, v3, vm0, $0xb8;
	[tilespmem:$0x18900] =	vst v63  }
0xd3: {  	s20 =	simm.s32 $0xC100  }
0xd4: {  	[tilespmem:s20], [sflag:$0x1] =	stream.indirect_vreg.gather [hbm4b:s13+s9], $0x80, v3, vm0, $0xb8;
	[tilespmem:$0x18900] =	vst v63  }
0xd5: {  	v3 =	vld [tilespmem:$0x90];
	_ =	sdelay $0x4  }
0xd6: {  	v63 =	vshll.u32 v3, $0x3  }
0xd7: {  	v3 =	vand.u32 $0x7, v3;
	v4 =	vand.u32 $0xFFFFFFC0, v63  }
0xd8: {  	v3 =	vor.u32 v3, v4  }
0xd9: {  	v4 =	vperm.xlane v3, v0;
	_ =	sdelay $0x1  }
0xda: {  	v4 =	vadd.s32 v1, v4;
	_ =	sdelay $0x3  }
0xdb: {  	s21 =	simm.s32 $0xC900  }
0xdc: {  	[tilespmem:s21], [sflag:$0x1] =	stream.indirect_vreg.gather [hbm4b:s1+s9], $0x80, v4, vm0, $0xb8;
	[tilespmem:$0x18900] =	vst v63  }
0xdd: {  	s22 =	simm.s32 $0xD100;
	v3 =	vperm.xlane v3, v2  }
0xde: {  	[tilespmem:s22], [sflag:$0x1] =	stream.indirect_vreg.gather [hbm4b:s10+s9], $0x80, v4, vm0, $0xb8;
	[tilespmem:$0x18900] =	vst v63  }
0xdf: {  	s24 =	simm.s32 $0xD900;
	v3 =	vadd.s32 v1, v3  }
0xe0: {  	[tilespmem:s24], [sflag:$0x1] =	stream.indirect_vreg.gather [hbm4b:s12+s9], $0x80, v4, vm0, $0xb8;
	[tilespmem:$0x18900] =	vst v63  }
0xe1: {  	s25 =	simm.s32 $0xE100  }
0xe2: {  	[tilespmem:s25], [sflag:$0x1] =	stream.indirect_vreg.gather [hbm4b:s13+s9], $0x80, v4, vm0, $0xb8;
	[tilespmem:$0x18900] =	vst v63  }
0xe3: {  	s26 =	simm.s32 $0xE900  }
0xe4: {  	[tilespmem:s26], [sflag:$0x1] =	stream.indirect_vreg.gather [hbm4b:s1+s9], $0x80, v3, vm0, $0xb8;
	[tilespmem:$0x18900] =	vst v63  }
0xe5: {  	s28 =	simm.s32 $0xF100  }
0xe6: {  	[tilespmem:s28], [sflag:$0x1] =	stream.indirect_vreg.gather [hbm4b:s10+s9], $0x80, v3, vm0, $0xb8;
	[tilespmem:$0x18900] =	vst v63  }
0xe7: {  	s30 =	simm.s32 $0xF900  }
0xe8: {  	[tilespmem:s30], [sflag:$0x1] =	stream.indirect_vreg.gather [hbm4b:s12+s9], $0x80, v3, vm0, $0xb8;
	[tilespmem:$0x18900] =	vst v63  }
0xe9: {  	s31 =	simm.s32 $0x10100  }
0xea: {  	[tilespmem:s31], [sflag:$0x1] =	stream.indirect_vreg.gather [hbm4b:s13+s9], $0x80, v3, vm0, $0xb8;
	[tilespmem:$0x18900] =	vst v63  }
0xeb: {  	_ =	swait.ge [sflag:s6], $0x8000  }
0xec: {  	s14 =	simm.s32 $0x0;
	[sflag:s6] =	ssyncset.done $0x0  }
0xed: {  	s15 =	simm.s32 $0x0;
	s17 =	simm.s32 $0x0;
	[sflag:s6] =	ssyncadd.s32 $0xFFFF8000  }
.LBB2_6:
0xee: {  	s2 =	sshll.u32 s15, $0x2;
	s5 =	sand.u32 $0x7, s14  }
0xef: {  	s0 =	sshll.u32 s17, $0x5;
	s2 =	sand.u32 $0xFFFFFE00, s2;
	s5 =	sshll.u32 s5, $0x6  }
0xf0: {  	s18 =	sand.u32 $0x60, s0;
	s11 =	sand.u32 $0x380, s0;
	v4 =	vld [tilespmem:s0+$0x100];
	s2 =	sor.u32 s5, s2  }
0xf1: {  	v5 =	vld [tilespmem:s0+$0x510];
	s22 =	sor.u32 s18, s11;
	s2 =	sshrl.u32 s2, $0x2  }
0xf2: {  	v6 =	vld [tilespmem:s22+$0x500];
	s2 =	sadd.s32 $0x4F00, s2  }
0xf3: {  	v7 =	vld [tilespmem:s2+$0xFFFFC000]  }
0xf4: {  	v8 =	vld [tilespmem:s2+$0x0]  }
0xf5: {  	v9 =	vld [tilespmem:s2+$0xFFFFFA00]  }
0xf6: {  	v10 =	vld [tilespmem:s2+$0xFFFFBC00]  }
0xf7: {  	s19 =	sor.u32 $0x10, s18;
	v11 =	vld [tilespmem:s2+$0xFFFFFC00]  }
0xf8: {  	s16 =	sor.u32 s19, s11;
	v12 =	vld [tilespmem:s2+$0xFFFFBE00]  }
0xf9: {  	v3 =	vld [tilespmem:s16+$0x100]  }
0xfa: {  	s24 =	sshll.u32 s17, $0x8;
	v15 =	vld [tilespmem:s2+$0xFFFFBA00];
	v13 =	vshll.u32 v7, $0x10;
	v7 =	vand.u32 $0xFFFF0000, v7  }
0xfb: {  	s21 =	simm.s32 $0x180;
	s25 =	sand.u32 $0x6000, s9;
	s26 =	simm.s32 $0x0;
	v14 =	vshll.u32 v8, $0x10;
	v8 =	vand.u32 $0xFFFF0000, v8;
	v17 =	vshll.u32 v9, $0x10  }
0xfc: {  	s30 =	simm.s32 $0x80;
	s0 =	sand.u32 $0x1C00, s24;
	s28 =	sand.u32 $0x380, s21;
	v16 =	vld [tilespmem:s2+$0xFFFFFE00];
	v19 =	vand.u32 $0xFFFF0000, v9;
	v20 =	vshll.u32 v10, $0x10;
	v21 =	vshll.u32 v11, $0x10  }
0xfd: {  	s24 =	simm.s32 $0x100;
	s20 =	sadd.s32 $0x10900, s0;
	s5 =	sand.u32 $0x200, s26;
	v9 =	vshll.u32 v12, $0x10;
	v13 =	vmul.f32 v13, v4;
	v14 =	vmul.f32 v14, v6  }
0xfe: {  	s24 =	sand.u32 $0x300, s24;
	s22 =	simm.s32 $0x0;
	s0 =	sadd.s32 s25, s20;
	v18 =	vmul.f32 v7, v3;
	v8 =	vmul.f32 v8, v5;
	v7 =	vand.u32 $0xFFFF0000, v10  }
0xff: {  	s11 =	sadd.s32 s28, s0;
	s16 =	sand.u32 $0x280, s30;
	s5 =	sadd.s32 s5, s0;
	v10 =	vand.u32 $0xFFFF0000, v11;
	v11 =	vshll.u32 v15, $0x10;
	v17 =	vmul.f32 v17, v6  }
0x100: {  	s24 =	sadd.s32 s24, s0;
	s28 =	sadd.s32 s18, s11;
	s11 =	sadd.s32 s19, s11;
	v11 =	vmul.f32 v11, v4;
	v13 =	vadd.f32 v14, v13;
	v18 =	vadd.f32 v8, v18  }
0x101: {  	s25 =	sadd.s32 s18, s5;
	s16 =	sadd.s32 s16, s0;
	s26 =	sadd.s32 s19, s5;
	v8 =	vand.u32 $0xFFFF0000, v12;
	v14 =	vand.u32 $0xFFFF0000, v15;
	v12 =	vshll.u32 v16, $0x10  }
0x102: {  	s31 =	sadd.s32 s18, s24;
	s2 =	sadd.s32 $0x800, s2;
	s0 =	sadd.s32 s18, s16;
	v15 =	vmul.f32 v19, v5;
	v14 =	vmul.f32 v14, v3;
	v11 =	vadd.f32 v17, v11;
	[tilespmem:s28+$0x0] =	vst.add.f32.msk $0xffff, v13  }
0x103: {  	s5 =	sadd.s32 s19, s16;
	v17 =	vmul.f32 v21, v6;
	v13 =	vand.u32 $0xFFFF0000, v16;
	v16 =	vmul.f32 v20, v4;
	[tilespmem:s11+$0x0] =	vst.add.f32.msk $0xffff, v18;
	s11 =	sadd.s32 s19, s24;
	s24 =	simm.s32 $0x0  }
.LBB2_7:
0x104: {  	v18 =	vld [tilespmem:s2+$0xFFFFC000];
	v14 =	vadd.f32 v15, v14;
	v7 =	vmul.f32 v7, v3;
	v10 =	vmul.f32 v10, v5  }
0x105: {  	v9 =	vmul.f32 v9, v4;
	v12 =	vmul.f32 v12, v6;
	v15 =	vld [tilespmem:s2+$0x0];
	v16 =	vadd.f32 v17, v16  }
0x106: {  	s22 =	sadd.s32 $0x4, s22;
	v17 =	vld [tilespmem:s2+$0xFFFFFA00];
	v19 =	vadd.f32 v10, v7;
	v7 =	vmul.f32 v8, v3;
	v8 =	vmul.f32 v13, v5  }
0x107: {  	p0 =	slt.u32 s22, $0x1C;
	v20 =	vadd.f32 v12, v9;
	v10 =	vld [tilespmem:s2+$0xFFFFBC00]  }
0x108: {  	v9 =	vld [tilespmem:s2+$0xFFFFFC00];
	v21 =	vadd.f32 v8, v7  }
0x109: {  	v8 =	vld [tilespmem:s2+$0xFFFFBE00]  }
0x10a: {  	s24 =	sadd.s32 $0x1000, s24;
	s21 =	sadd.s32 $0x200, s21;
	v7 =	vshll.u32 v18, $0x10;
	v12 =	vand.u32 $0xFFFF0000, v18;
	v13 =	vld [tilespmem:s2+$0xFFFFFE00];
	v18 =	vshll.u32 v15, $0x10  }
0x10b: {  	s16 =	sand.u32 $0x6000, s24;
	s28 =	sadd.s32 $0xFFFFFE80, s21;
	v15 =	vand.u32 $0xFFFF0000, v15;
	v7 =	vmul.f32 v7, v4;
	v22 =	vld [tilespmem:s2+$0xFFFFBA00];
	v18 =	vmul.f32 v18, v6  }
0x10c: {  	s30 =	sand.u32 $0x380, s21;
	s4 =	sadd.s32 $0xFFFFFF80, s21;
	s16 =	sadd.s32 s16, s20;
	v12 =	vmul.f32 v12, v3;
	v23 =	vshll.u32 v17, $0x10;
	v15 =	vmul.f32 v15, v5;
	[tilespmem:s25+$0x0] =	vst.add.f32.msk $0xffff, v11  }
0x10d: {  	s4 =	sand.u32 $0x300, s4;
	s30 =	sadd.s32 s30, s16;
	v11 =	vand.u32 $0xFFFF0000, v17;
	v17 =	vshll.u32 v10, $0x10;
	s25 =	sadd.s32 $0xFFFFFF00, s21;
	v18 =	vadd.f32 v18, v7;
	[tilespmem:s26+$0x0] =	vst.add.f32.msk $0xffff, v14  }
0x10e: {  	s26 =	sand.u32 $0x200, s28;
	v7 =	vand.u32 $0xFFFF0000, v10;
	v24 =	vshll.u32 v9, $0x10;
	s28 =	sand.u32 $0x280, s25;
	s25 =	sadd.s32 s18, s30;
	v14 =	vadd.f32 v15, v12;
	[tilespmem:s0+$0x0] =	vst.add.f32.msk $0xffff, v16  }
.Ltmp2:
0x10f: {  	v10 =	vand.u32 $0xFFFF0000, v9;
	s0 =	sadd.s32 s26, s16;
	v9 =	vshll.u32 v8, $0x10;
	v8 =	vand.u32 $0xFFFF0000, v8;
	s26 =	sadd.s32 s19, s30;
	[tilespmem:s25+$0x0] =	vst.add.f32.msk $0xffff, v18;
	(pc) =	sbr.rel @p0 .LBB2_7-.Ltmp2, $4  }
0x110: {  	s4 =	sadd.s32 s4, s16;
	s28 =	sadd.s32 s28, s16;
	s25 =	sadd.s32 s18, s0;
	v12 =	vshll.u32 v13, $0x10;
	v15 =	vshll.u32 v22, $0x10;
	v16 =	vand.u32 $0xFFFF0000, v22;
	[tilespmem:s26+$0x0] =	vst.add.f32.msk $0xffff, v14  }
0x111: {  	v13 =	vand.u32 $0xFFFF0000, v13;
	v22 =	vmul.f32 v23, v6;
	s26 =	sadd.s32 s19, s0;
	s0 =	sadd.s32 s18, s28;
	v18 =	vmul.f32 v15, v4;
	[tilespmem:s5+$0x0] =	vst.add.f32.msk $0xffff, v19;
	s5 =	sadd.s32 s19, s28  }
0x112: {  	s16 =	sadd.s32 s19, s4;
	v14 =	vmul.f32 v16, v3;
	v15 =	vmul.f32 v11, v5;
	[tilespmem:s31+$0x0] =	vst.add.f32.msk $0xffff, v20;
	s31 =	sadd.s32 s18, s4  }
0x113: {  	s2 =	sadd.s32 $0x800, s2;
	v16 =	vmul.f32 v17, v4;
	v17 =	vmul.f32 v24, v6;
	v11 =	vadd.f32 v22, v18;
	[tilespmem:s11+$0x0] =	vst.add.f32.msk $0xffff, v21;
	s11 =	smov.u32 s16  }
0x114: {  	v14 =	vadd.f32 v15, v14;
	v7 =	vmul.f32 v7, v3;
	v10 =	vmul.f32 v10, v5;
	s17 =	sadd.s32 $0x1, s17  }
0x115: {  	v4 =	vmul.f32 v9, v4;
	v6 =	vmul.f32 v12, v6;
	v62 =	vadd.f32 v17, v16;
	[tilespmem:s25+$0x0] =	vst.add.f32.msk $0xffff, v11;
	p0 =	sne.s32 s17, $0x20  }
.Ltmp3:
0x116: {  	v3 =	vmul.f32 v8, v3;
	v63 =	vmul.f32 v13, v5;
	v7 =	vadd.f32 v10, v7;
	[tilespmem:s26+$0x0] =	vst.add.f32.msk $0xffff, v14;
	(pc) =	sbr.rel @p0 .LBB2_6-.Ltmp3, $4  }
0x117: {  	v4 =	vadd.f32 v6, v4;
	[tilespmem:s0+$0x0] =	vst.add.f32.msk $0xffff, v62  }
0x118: {  	v3 =	vadd.f32 v63, v3;
	[tilespmem:s5+$0x0] =	vst.add.f32.msk $0xffff, v7  }
0x119: {  	[tilespmem:s31+$0x0] =	vst.add.f32.msk $0xffff, v4  }
0x11a: {  	s15 =	sadd.s32 $0x10, s15;
	s14 =	sadd.s32 $0x1, s14;
	[tilespmem:s11+$0x0] =	vst.add.f32.msk $0xffff, v3  }
0x11b: {  	s9 =	simm.s32 $0x0;
	s0 =	rddreg [dreg:$0xc]  }
0x11c: {  	[hbm4b:s0+s9] =	stream.linear.scatter [tilespmem:s29], [sflag:$0x4], $0x8000, $0x38;
	[tilespmem:$0x18900] =	vst v63  }
0x11d: {  	_ =	swait.ge [sflag:s7], $0x8000  }
0x11e: {  	[sflag:s7] =	ssyncset.done $0x0  }
0x11f: {  	[sflag:s7] =	ssyncadd.s32 $0xFFFF8000  }
0x120: {  	v3 =	vld [tilespmem:$0xC0];
	_ =	sdelay $0x4  }
0x121: {  	v4 =	vshll.u32 v3, $0x3  }
0x122: {  	v3 =	vand.u32 $0x7, v3;
	v4 =	vand.u32 $0xFFFFFFC0, v4  }
0x123: {  	v3 =	vor.u32 v3, v4  }
0x124: {  	v4 =	vperm.xlane v3, v0;
	_ =	sdelay $0x1  }
0x125: {  	v4 =	vadd.s32 v1, v4;
	_ =	sdelay $0x4  }
0x126: {  	[tilespmem:s29], [sflag:$0x2] =	stream.indirect_vreg.gather [hbm4b:s1+s9], $0x80, v4, vm0, $0xb8;
	[tilespmem:$0x18900] =	vst v63  }
0x127: {  	s11 =	simm.s32 $0x11100;
	v3 =	vperm.xlane v3, v2  }
0x128: {  	[tilespmem:s11], [sflag:$0x2] =	stream.indirect_vreg.gather [hbm4b:s10+s9], $0x80, v4, vm0, $0xb8;
	[tilespmem:$0x18900] =	vst v63  }
0x129: {  	s14 =	simm.s32 $0x11900;
	v3 =	vadd.s32 v1, v3  }
0x12a: {  	[tilespmem:s14], [sflag:$0x2] =	stream.indirect_vreg.gather [hbm4b:s12+s9], $0x80, v4, vm0, $0xb8;
	[tilespmem:$0x18900] =	vst v63  }
0x12b: {  	s15 =	simm.s32 $0x12100  }
0x12c: {  	[tilespmem:s15], [sflag:$0x2] =	stream.indirect_vreg.gather [hbm4b:s13+s9], $0x80, v4, vm0, $0xb8;
	[tilespmem:$0x18900] =	vst v63  }
0x12d: {  	s16 =	simm.s32 $0x12900  }
0x12e: {  	[tilespmem:s16], [sflag:$0x2] =	stream.indirect_vreg.gather [hbm4b:s1+s9], $0x80, v3, vm0, $0xb8;
	[tilespmem:$0x18900] =	vst v63  }
0x12f: {  	s17 =	simm.s32 $0x13100  }
0x130: {  	[tilespmem:s17], [sflag:$0x2] =	stream.indirect_vreg.gather [hbm4b:s10+s9], $0x80, v3, vm0, $0xb8;
	[tilespmem:$0x18900] =	vst v63  }
0x131: {  	s18 =	simm.s32 $0x13900  }
0x132: {  	[tilespmem:s18], [sflag:$0x2] =	stream.indirect_vreg.gather [hbm4b:s12+s9], $0x80, v3, vm0, $0xb8;
	[tilespmem:$0x18900] =	vst v63  }
0x133: {  	s19 =	simm.s32 $0x14100  }
0x134: {  	[tilespmem:s19], [sflag:$0x2] =	stream.indirect_vreg.gather [hbm4b:s13+s9], $0x80, v3, vm0, $0xb8;
	[tilespmem:$0x18900] =	vst v63  }
0x135: {  	v3 =	vld [tilespmem:$0xD0];
	_ =	sdelay $0x4  }
0x136: {  	v63 =	vshll.u32 v3, $0x3  }
0x137: {  	v3 =	vand.u32 $0x7, v3;
	v4 =	vand.u32 $0xFFFFFFC0, v63  }
0x138: {  	v3 =	vor.u32 v3, v4  }
0x139: {  	v4 =	vperm.xlane v3, v0;
	_ =	sdelay $0x1  }
0x13a: {  	v4 =	vadd.s32 v1, v4;
	_ =	sdelay $0x3  }
0x13b: {  	s20 =	simm.s32 $0x14900  }
0x13c: {  	[tilespmem:s20], [sflag:$0x2] =	stream.indirect_vreg.gather [hbm4b:s1+s9], $0x80, v4, vm0, $0xb8;
	[tilespmem:$0x18900] =	vst v63  }
0x13d: {  	s21 =	simm.s32 $0x15100;
	v3 =	vperm.xlane v3, v2  }
0x13e: {  	[tilespmem:s21], [sflag:$0x2] =	stream.indirect_vreg.gather [hbm4b:s10+s9], $0x80, v4, vm0, $0xb8;
	[tilespmem:$0x18900] =	vst v63  }
0x13f: {  	s22 =	simm.s32 $0x15900;
	v3 =	vadd.s32 v1, v3  }
0x140: {  	[tilespmem:s22], [sflag:$0x2] =	stream.indirect_vreg.gather [hbm4b:s12+s9], $0x80, v4, vm0, $0xb8;
	[tilespmem:$0x18900] =	vst v63  }
0x141: {  	s24 =	simm.s32 $0x16100  }
0x142: {  	[tilespmem:s24], [sflag:$0x2] =	stream.indirect_vreg.gather [hbm4b:s13+s9], $0x80, v4, vm0, $0xb8;
	[tilespmem:$0x18900] =	vst v63  }
0x143: {  	s25 =	simm.s32 $0x16900  }
0x144: {  	[tilespmem:s25], [sflag:$0x2] =	stream.indirect_vreg.gather [hbm4b:s1+s9], $0x80, v3, vm0, $0xb8;
	[tilespmem:$0x18900] =	vst v63  }
0x145: {  	s26 =	simm.s32 $0x17100  }
0x146: {  	[tilespmem:s26], [sflag:$0x2] =	stream.indirect_vreg.gather [hbm4b:s10+s9], $0x80, v3, vm0, $0xb8;
	[tilespmem:$0x18900] =	vst v63  }
0x147: {  	s28 =	simm.s32 $0x17900  }
0x148: {  	[tilespmem:s28], [sflag:$0x2] =	stream.indirect_vreg.gather [hbm4b:s12+s9], $0x80, v3, vm0, $0xb8;
	[tilespmem:$0x18900] =	vst v63  }
0x149: {  	s30 =	simm.s32 $0x18100;
	s31 =	simm.s32 $0x1  }
0x14a: {  	[tilespmem:s30], [sflag:$0x2] =	stream.indirect_vreg.gather [hbm4b:s13+s9], $0x80, v3, vm0, $0xb8;
	[tilespmem:$0x18900] =	vst v63  }
0x14b: {  	_ =	swait.ge [sflag:s31], $0x8000  }
0x14c: {  	s14 =	simm.s32 $0x0;
	[sflag:s31] =	ssyncset.done $0x0  }
0x14d: {  	s15 =	simm.s32 $0x0;
	s17 =	simm.s32 $0x0;
	[sflag:s31] =	ssyncadd.s32 $0xFFFF8000  }
.LBB2_10:
0x14e: {  	s2 =	sshll.u32 s15, $0x2;
	s4 =	sand.u32 $0x7, s14  }
0x14f: {  	s0 =	sshll.u32 s17, $0x5;
	s2 =	sand.u32 $0xFFFFFE00, s2;
	s4 =	sshll.u32 s4, $0x6  }
0x150: {  	s18 =	sand.u32 $0x60, s0;
	s5 =	sand.u32 $0x380, s0;
	v4 =	vld [tilespmem:s0+$0x100];
	s2 =	sor.u32 s4, s2  }
0x151: {  	v5 =	vld [tilespmem:s0+$0x510];
	s22 =	sor.u32 s18, s5;
	s2 =	sshrl.u32 s2, $0x2  }
0x152: {  	v6 =	vld [tilespmem:s22+$0x500];
	s2 =	sadd.s32 $0x4F00, s2  }
0x153: {  	v7 =	vld [tilespmem:s2+$0xFFFFC000]  }
0x154: {  	v8 =	vld [tilespmem:s2+$0x0]  }
0x155: {  	v9 =	vld [tilespmem:s2+$0xFFFFFA00]  }
0x156: {  	v10 =	vld [tilespmem:s2+$0xFFFFBC00]  }
0x157: {  	s19 =	sor.u32 $0x10, s18;
	v11 =	vld [tilespmem:s2+$0xFFFFFC00]  }
0x158: {  	s11 =	sor.u32 s19, s5;
	v12 =	vld [tilespmem:s2+$0xFFFFBE00]  }
0x159: {  	v3 =	vld [tilespmem:s11+$0x100]  }
0x15a: {  	s24 =	sshll.u32 s17, $0x8;
	v15 =	vld [tilespmem:s2+$0xFFFFBA00];
	v13 =	vshll.u32 v7, $0x10;
	v7 =	vand.u32 $0xFFFF0000, v7  }
0x15b: {  	s21 =	simm.s32 $0x180;
	s25 =	sand.u32 $0x6000, s9;
	s26 =	simm.s32 $0x0;
	v14 =	vshll.u32 v8, $0x10;
	v8 =	vand.u32 $0xFFFF0000, v8;
	v17 =	vshll.u32 v9, $0x10  }
0x15c: {  	s30 =	simm.s32 $0x80;
	s16 =	simm.s32 $0x100;
	s0 =	sand.u32 $0x1C00, s24;
	v16 =	vld [tilespmem:s2+$0xFFFFFE00];
	v19 =	vand.u32 $0xFFFF0000, v9;
	v20 =	vshll.u32 v10, $0x10;
	v21 =	vshll.u32 v11, $0x10  }
0x15d: {  	s28 =	sand.u32 $0x380, s21;
	s16 =	sand.u32 $0x300, s16;
	s20 =	sadd.s32 $0x8900, s0;
	v9 =	vshll.u32 v12, $0x10;
	v13 =	vmul.f32 v13, v4;
	v14 =	vmul.f32 v14, v6  }
0x15e: {  	s4 =	sand.u32 $0x200, s26;
	s22 =	simm.s32 $0x0;
	s0 =	sadd.s32 s25, s20;
	v18 =	vmul.f32 v7, v3;
	v8 =	vmul.f32 v8, v5;
	v7 =	vand.u32 $0xFFFF0000, v10  }
0x15f: {  	s5 =	sadd.s32 s28, s0;
	s11 =	sand.u32 $0x280, s30;
	s4 =	sadd.s32 s4, s0;
	v10 =	vand.u32 $0xFFFF0000, v11;
	v11 =	vshll.u32 v15, $0x10;
	v17 =	vmul.f32 v17, v6  }
0x160: {  	s30 =	sadd.s32 s16, s0;
	s24 =	sadd.s32 s18, s5;
	s28 =	sadd.s32 s19, s5;
	v11 =	vmul.f32 v11, v4;
	v13 =	vadd.f32 v14, v13;
	v18 =	vadd.f32 v8, v18  }
0x161: {  	s25 =	sadd.s32 s18, s4;
	s11 =	sadd.s32 s11, s0;
	s26 =	sadd.s32 s19, s4;
	v8 =	vand.u32 $0xFFFF0000, v12;
	v14 =	vand.u32 $0xFFFF0000, v15;
	v12 =	vshll.u32 v16, $0x10  }
0x162: {  	s31 =	sadd.s32 s18, s30;
	s2 =	sadd.s32 $0x800, s2;
	s0 =	sadd.s32 s18, s11;
	v15 =	vmul.f32 v19, v5;
	v14 =	vmul.f32 v14, v3;
	v11 =	vadd.f32 v17, v11;
	[tilespmem:s24+$0x0] =	vst.add.f32.msk $0xffff, v13  }
0x163: {  	s5 =	sadd.s32 s19, s11;
	s11 =	sadd.s32 s19, s30;
	v17 =	vmul.f32 v21, v6;
	v13 =	vand.u32 $0xFFFF0000, v16;
	v16 =	vmul.f32 v20, v4;
	s24 =	simm.s32 $0x0;
	[tilespmem:s28+$0x0] =	vst.add.f32.msk $0xffff, v18  }
.LBB2_11:
0x164: {  	v18 =	vld [tilespmem:s2+$0xFFFFC000];
	v14 =	vadd.f32 v15, v14;
	v7 =	vmul.f32 v7, v3;
	v10 =	vmul.f32 v10, v5  }
0x165: {  	v9 =	vmul.f32 v9, v4;
	v12 =	vmul.f32 v12, v6;
	v15 =	vld [tilespmem:s2+$0x0];
	v16 =	vadd.f32 v17, v16  }
0x166: {  	s22 =	sadd.s32 $0x4, s22;
	v17 =	vld [tilespmem:s2+$0xFFFFFA00];
	v19 =	vadd.f32 v10, v7;
	v7 =	vmul.f32 v8, v3;
	v8 =	vmul.f32 v13, v5  }
0x167: {  	p0 =	slt.u32 s22, $0x1C;
	v20 =	vadd.f32 v12, v9;
	v10 =	vld [tilespmem:s2+$0xFFFFBC00]  }
0x168: {  	v9 =	vld [tilespmem:s2+$0xFFFFFC00];
	v21 =	vadd.f32 v8, v7  }
0x169: {  	v8 =	vld [tilespmem:s2+$0xFFFFBE00]  }
0x16a: {  	s24 =	sadd.s32 $0x1000, s24;
	s21 =	sadd.s32 $0x200, s21;
	v7 =	vshll.u32 v18, $0x10;
	v12 =	vand.u32 $0xFFFF0000, v18;
	v13 =	vld [tilespmem:s2+$0xFFFFFE00];
	v18 =	vshll.u32 v15, $0x10  }
0x16b: {  	s4 =	sand.u32 $0x6000, s24;
	s16 =	sadd.s32 $0xFFFFFE80, s21;
	v15 =	vand.u32 $0xFFFF0000, v15;
	v7 =	vmul.f32 v7, v4;
	v22 =	vld [tilespmem:s2+$0xFFFFBA00];
	v18 =	vmul.f32 v18, v6  }
0x16c: {  	s28 =	sand.u32 $0x380, s21;
	s30 =	sadd.s32 $0xFFFFFF80, s21;
	s4 =	sadd.s32 s4, s20;
	v12 =	vmul.f32 v12, v3;
	v23 =	vshll.u32 v17, $0x10;
	v15 =	vmul.f32 v15, v5;
	[tilespmem:s25+$0x0] =	vst.add.f32.msk $0xffff, v11  }
0x16d: {  	s16 =	sand.u32 $0x200, s16;
	s28 =	sadd.s32 s28, s4;
	v11 =	vand.u32 $0xFFFF0000, v17;
	v17 =	vshll.u32 v10, $0x10;
	s25 =	sadd.s32 $0xFFFFFF00, s21;
	v18 =	vadd.f32 v18, v7;
	[tilespmem:s26+$0x0] =	vst.add.f32.msk $0xffff, v14  }
0x16e: {  	v7 =	vand.u32 $0xFFFF0000, v10;
	v24 =	vshll.u32 v9, $0x10;
	s26 =	sand.u32 $0x280, s25;
	s25 =	sadd.s32 s18, s28;
	v14 =	vadd.f32 v15, v12;
	s28 =	sadd.s32 s19, s28;
	[tilespmem:s0+$0x0] =	vst.add.f32.msk $0xffff, v16  }
.Ltmp4:
0x16f: {  	v10 =	vand.u32 $0xFFFF0000, v9;
	s0 =	sadd.s32 s16, s4;
	v9 =	vshll.u32 v8, $0x10;
	v8 =	vand.u32 $0xFFFF0000, v8;
	s16 =	sand.u32 $0x300, s30;
	[tilespmem:s25+$0x0] =	vst.add.f32.msk $0xffff, v18;
	(pc) =	sbr.rel @p0 .LBB2_11-.Ltmp4, $4  }
0x170: {  	s30 =	sadd.s32 s26, s4;
	s25 =	sadd.s32 s18, s0;
	v12 =	vshll.u32 v13, $0x10;
	s4 =	sadd.s32 s16, s4;
	v15 =	vshll.u32 v22, $0x10;
	v16 =	vand.u32 $0xFFFF0000, v22;
	[tilespmem:s28+$0x0] =	vst.add.f32.msk $0xffff, v14  }
0x171: {  	s26 =	sadd.s32 s19, s0;
	s0 =	sadd.s32 s18, s30;
	v13 =	vand.u32 $0xFFFF0000, v13;
	v22 =	vmul.f32 v23, v6;
	v18 =	vmul.f32 v15, v4;
	[tilespmem:s5+$0x0] =	vst.add.f32.msk $0xffff, v19;
	s5 =	sadd.s32 s19, s30  }
0x172: {  	s16 =	sadd.s32 s19, s4;
	v14 =	vmul.f32 v16, v3;
	v15 =	vmul.f32 v11, v5;
	[tilespmem:s31+$0x0] =	vst.add.f32.msk $0xffff, v20;
	s31 =	sadd.s32 s18, s4  }
0x173: {  	s2 =	sadd.s32 $0x800, s2;
	v16 =	vmul.f32 v17, v4;
	v17 =	vmul.f32 v24, v6;
	v11 =	vadd.f32 v22, v18;
	[tilespmem:s11+$0x0] =	vst.add.f32.msk $0xffff, v21;
	s11 =	smov.u32 s16  }
0x174: {  	v14 =	vadd.f32 v15, v14;
	v7 =	vmul.f32 v7, v3;
	v10 =	vmul.f32 v10, v5;
	s17 =	sadd.s32 $0x1, s17  }
0x175: {  	v4 =	vmul.f32 v9, v4;
	v6 =	vmul.f32 v12, v6;
	v62 =	vadd.f32 v17, v16;
	[tilespmem:s25+$0x0] =	vst.add.f32.msk $0xffff, v11;
	p0 =	sne.s32 s17, $0x20  }
.Ltmp5:
0x176: {  	v3 =	vmul.f32 v8, v3;
	v63 =	vmul.f32 v13, v5;
	v7 =	vadd.f32 v10, v7;
	[tilespmem:s26+$0x0] =	vst.add.f32.msk $0xffff, v14;
	(pc) =	sbr.rel @p0 .LBB2_10-.Ltmp5, $4  }
0x177: {  	v4 =	vadd.f32 v6, v4;
	[tilespmem:s0+$0x0] =	vst.add.f32.msk $0xffff, v62  }
0x178: {  	v3 =	vadd.f32 v63, v3;
	[tilespmem:s5+$0x0] =	vst.add.f32.msk $0xffff, v7  }
0x179: {  	[tilespmem:s31+$0x0] =	vst.add.f32.msk $0xffff, v4  }
0x17a: {  	s15 =	sadd.s32 $0x10, s15;
	s14 =	sadd.s32 $0x1, s14;
	[tilespmem:s11+$0x0] =	vst.add.f32.msk $0xffff, v3  }
0x17b: {  	s9 =	simm.s32 $0x0  }
0x17c: {  	s0 =	rddreg [dreg:$0xd];
	s2 =	simm.s32 $0x8900;
	s11 =	simm.s32 $0x3  }
0x17d: {  	[hbm4b:s0+s9] =	stream.linear.scatter [tilespmem:s2], [sflag:$0x3], $0x8000, $0x38;
	[tilespmem:$0x18900] =	vst v63  }
0x17e: {  	_ =	swait.ge [sflag:s11], $0x8000  }
0x17f: {  	[sflag:s11] =	ssyncset.done $0x0  }
0x180: {  	[sflag:s11] =	ssyncadd.s32 $0xFFFF8000  }
0x181: {  	v3 =	vld [tilespmem:$0x20];
	_ =	sdelay $0x4  }
0x182: {  	v4 =	vshll.u32 v3, $0x3  }
0x183: {  	v3 =	vand.u32 $0x7, v3;
	v4 =	vand.u32 $0xFFFFFFC0, v4  }
0x184: {  	v3 =	vor.u32 v3, v4  }
0x185: {  	v4 =	vperm.xlane v3, v0;
	_ =	sdelay $0x1  }
0x186: {  	v4 =	vadd.s32 v1, v4;
	_ =	sdelay $0x4  }
0x187: {  	[tilespmem:s2], [sflag:$0x1] =	stream.indirect_vreg.gather [hbm4b:s1+s9], $0x80, v4, vm0, $0xb8;
	[tilespmem:$0x18900] =	vst v63  }
0x188: {  	s14 =	simm.s32 $0x9100;
	v3 =	vperm.xlane v3, v2  }
0x189: {  	[tilespmem:s14], [sflag:$0x1] =	stream.indirect_vreg.gather [hbm4b:s10+s9], $0x80, v4, vm0, $0xb8;
	[tilespmem:$0x18900] =	vst v63  }
0x18a: {  	s15 =	simm.s32 $0x9900;
	v3 =	vadd.s32 v1, v3  }
0x18b: {  	[tilespmem:s15], [sflag:$0x1] =	stream.indirect_vreg.gather [hbm4b:s12+s9], $0x80, v4, vm0, $0xb8;
	[tilespmem:$0x18900] =	vst v63  }
0x18c: {  	s16 =	simm.s32 $0xA100  }
0x18d: {  	[tilespmem:s16], [sflag:$0x1] =	stream.indirect_vreg.gather [hbm4b:s13+s9], $0x80, v4, vm0, $0xb8;
	[tilespmem:$0x18900] =	vst v63  }
0x18e: {  	s17 =	simm.s32 $0xA900  }
0x18f: {  	[tilespmem:s17], [sflag:$0x1] =	stream.indirect_vreg.gather [hbm4b:s1+s9], $0x80, v3, vm0, $0xb8;
	[tilespmem:$0x18900] =	vst v63  }
0x190: {  	s18 =	simm.s32 $0xB100  }
0x191: {  	[tilespmem:s18], [sflag:$0x1] =	stream.indirect_vreg.gather [hbm4b:s10+s9], $0x80, v3, vm0, $0xb8;
	[tilespmem:$0x18900] =	vst v63  }
0x192: {  	s19 =	simm.s32 $0xB900  }
0x193: {  	[tilespmem:s19], [sflag:$0x1] =	stream.indirect_vreg.gather [hbm4b:s12+s9], $0x80, v3, vm0, $0xb8;
	[tilespmem:$0x18900] =	vst v63  }
0x194: {  	s20 =	simm.s32 $0xC100  }
0x195: {  	[tilespmem:s20], [sflag:$0x1] =	stream.indirect_vreg.gather [hbm4b:s13+s9], $0x80, v3, vm0, $0xb8;
	[tilespmem:$0x18900] =	vst v63  }
0x196: {  	v3 =	vld [tilespmem:$0x30];
	_ =	sdelay $0x4  }
0x197: {  	v63 =	vshll.u32 v3, $0x3  }
0x198: {  	v3 =	vand.u32 $0x7, v3;
	v4 =	vand.u32 $0xFFFFFFC0, v63  }
0x199: {  	v3 =	vor.u32 v3, v4  }
0x19a: {  	v4 =	vperm.xlane v3, v0;
	_ =	sdelay $0x1  }
0x19b: {  	v4 =	vadd.s32 v1, v4;
	_ =	sdelay $0x3  }
0x19c: {  	s21 =	simm.s32 $0xC900  }
0x19d: {  	[tilespmem:s21], [sflag:$0x1] =	stream.indirect_vreg.gather [hbm4b:s1+s9], $0x80, v4, vm0, $0xb8;
	[tilespmem:$0x18900] =	vst v63  }
0x19e: {  	s22 =	simm.s32 $0xD100;
	v3 =	vperm.xlane v3, v2  }
0x19f: {  	[tilespmem:s22], [sflag:$0x1] =	stream.indirect_vreg.gather [hbm4b:s10+s9], $0x80, v4, vm0, $0xb8;
	[tilespmem:$0x18900] =	vst v63  }
0x1a0: {  	s24 =	simm.s32 $0xD900;
	v3 =	vadd.s32 v1, v3  }
0x1a1: {  	[tilespmem:s24], [sflag:$0x1] =	stream.indirect_vreg.gather [hbm4b:s12+s9], $0x80, v4, vm0, $0xb8;
	[tilespmem:$0x18900] =	vst v63  }
0x1a2: {  	s25 =	simm.s32 $0xE100  }
0x1a3: {  	[tilespmem:s25], [sflag:$0x1] =	stream.indirect_vreg.gather [hbm4b:s13+s9], $0x80, v4, vm0, $0xb8;
	[tilespmem:$0x18900] =	vst v63  }
0x1a4: {  	s26 =	simm.s32 $0xE900  }
0x1a5: {  	[tilespmem:s26], [sflag:$0x1] =	stream.indirect_vreg.gather [hbm4b:s1+s9], $0x80, v3, vm0, $0xb8;
	[tilespmem:$0x18900] =	vst v63  }
0x1a6: {  	s28 =	simm.s32 $0xF100  }
0x1a7: {  	[tilespmem:s28], [sflag:$0x1] =	stream.indirect_vreg.gather [hbm4b:s10+s9], $0x80, v3, vm0, $0xb8;
	[tilespmem:$0x18900] =	vst v63  }
0x1a8: {  	s30 =	simm.s32 $0xF900  }
0x1a9: {  	[tilespmem:s30], [sflag:$0x1] =	stream.indirect_vreg.gather [hbm4b:s12+s9], $0x80, v3, vm0, $0xb8;
	[tilespmem:$0x18900] =	vst v63  }
0x1aa: {  	s31 =	simm.s32 $0x10100  }
0x1ab: {  	[tilespmem:s31], [sflag:$0x1] =	stream.indirect_vreg.gather [hbm4b:s13+s9], $0x80, v3, vm0, $0xb8;
	[tilespmem:$0x18900] =	vst v63  }
0x1ac: {  	_ =	swait.ge [sflag:s6], $0x8000  }
0x1ad: {  	s14 =	simm.s32 $0x0;
	[sflag:s6] =	ssyncset.done $0x0  }
0x1ae: {  	s15 =	simm.s32 $0x0;
	s17 =	simm.s32 $0x0;
	[sflag:s6] =	ssyncadd.s32 $0xFFFF8000  }
.LBB2_14:
0x1af: {  	s2 =	sshll.u32 s15, $0x2;
	s4 =	sand.u32 $0x7, s14  }
0x1b0: {  	s0 =	sshll.u32 s17, $0x5;
	s2 =	sand.u32 $0xFFFFFE00, s2;
	s4 =	sshll.u32 s4, $0x6  }
0x1b1: {  	s18 =	sand.u32 $0x60, s0;
	s5 =	sand.u32 $0x380, s0;
	v4 =	vld [tilespmem:s0+$0x100];
	s2 =	sor.u32 s4, s2  }
0x1b2: {  	v5 =	vld [tilespmem:s0+$0x510];
	s22 =	sor.u32 s18, s5;
	s2 =	sshrl.u32 s2, $0x2  }
0x1b3: {  	v6 =	vld [tilespmem:s22+$0x500];
	s2 =	sadd.s32 $0x4F00, s2  }
0x1b4: {  	v7 =	vld [tilespmem:s2+$0xFFFFC000]  }
0x1b5: {  	v8 =	vld [tilespmem:s2+$0x0]  }
0x1b6: {  	v9 =	vld [tilespmem:s2+$0xFFFFFA00]  }
0x1b7: {  	v10 =	vld [tilespmem:s2+$0xFFFFBC00]  }
0x1b8: {  	s19 =	sor.u32 $0x10, s18;
	v11 =	vld [tilespmem:s2+$0xFFFFFC00]  }
0x1b9: {  	s11 =	sor.u32 s19, s5;
	v12 =	vld [tilespmem:s2+$0xFFFFBE00]  }
0x1ba: {  	v3 =	vld [tilespmem:s11+$0x100]  }
0x1bb: {  	s24 =	sshll.u32 s17, $0x8;
	v15 =	vld [tilespmem:s2+$0xFFFFBA00];
	v13 =	vshll.u32 v7, $0x10;
	v7 =	vand.u32 $0xFFFF0000, v7  }
0x1bc: {  	s21 =	simm.s32 $0x180;
	s25 =	sand.u32 $0x6000, s9;
	s26 =	simm.s32 $0x0;
	v14 =	vshll.u32 v8, $0x10;
	v8 =	vand.u32 $0xFFFF0000, v8;
	v17 =	vshll.u32 v9, $0x10  }
0x1bd: {  	s30 =	simm.s32 $0x80;
	s16 =	simm.s32 $0x100;
	s0 =	sand.u32 $0x1C00, s24;
	v16 =	vld [tilespmem:s2+$0xFFFFFE00];
	v19 =	vand.u32 $0xFFFF0000, v9;
	v20 =	vshll.u32 v10, $0x10;
	v21 =	vshll.u32 v11, $0x10  }
0x1be: {  	s28 =	sand.u32 $0x380, s21;
	s16 =	sand.u32 $0x300, s16;
	s20 =	sadd.s32 $0x10900, s0;
	v9 =	vshll.u32 v12, $0x10;
	v13 =	vmul.f32 v13, v4;
	v14 =	vmul.f32 v14, v6  }
0x1bf: {  	s4 =	sand.u32 $0x200, s26;
	s22 =	simm.s32 $0x0;
	s0 =	sadd.s32 s25, s20;
	v18 =	vmul.f32 v7, v3;
	v8 =	vmul.f32 v8, v5;
	v7 =	vand.u32 $0xFFFF0000, v10  }
0x1c0: {  	s5 =	sadd.s32 s28, s0;
	s11 =	sand.u32 $0x280, s30;
	s4 =	sadd.s32 s4, s0;
	v10 =	vand.u32 $0xFFFF0000, v11;
	v11 =	vshll.u32 v15, $0x10;
	v17 =	vmul.f32 v17, v6  }
0x1c1: {  	s30 =	sadd.s32 s16, s0;
	s24 =	sadd.s32 s18, s5;
	s28 =	sadd.s32 s19, s5;
	v11 =	vmul.f32 v11, v4;
	v13 =	vadd.f32 v14, v13;
	v18 =	vadd.f32 v8, v18  }
0x1c2: {  	s25 =	sadd.s32 s18, s4;
	s11 =	sadd.s32 s11, s0;
	s26 =	sadd.s32 s19, s4;
	v8 =	vand.u32 $0xFFFF0000, v12;
	v14 =	vand.u32 $0xFFFF0000, v15;
	v12 =	vshll.u32 v16, $0x10  }
0x1c3: {  	s31 =	sadd.s32 s18, s30;
	s2 =	sadd.s32 $0x800, s2;
	s0 =	sadd.s32 s18, s11;
	v15 =	vmul.f32 v19, v5;
	v14 =	vmul.f32 v14, v3;
	v11 =	vadd.f32 v17, v11;
	[tilespmem:s24+$0x0] =	vst.add.f32.msk $0xffff, v13  }
0x1c4: {  	s5 =	sadd.s32 s19, s11;
	s11 =	sadd.s32 s19, s30;
	v17 =	vmul.f32 v21, v6;
	v13 =	vand.u32 $0xFFFF0000, v16;
	v16 =	vmul.f32 v20, v4;
	s24 =	simm.s32 $0x0;
	[tilespmem:s28+$0x0] =	vst.add.f32.msk $0xffff, v18  }
.LBB2_15:
0x1c5: {  	v18 =	vld [tilespmem:s2+$0xFFFFC000];
	v14 =	vadd.f32 v15, v14;
	v7 =	vmul.f32 v7, v3;
	v10 =	vmul.f32 v10, v5  }
0x1c6: {  	v9 =	vmul.f32 v9, v4;
	v12 =	vmul.f32 v12, v6;
	v15 =	vld [tilespmem:s2+$0x0];
	v16 =	vadd.f32 v17, v16  }
0x1c7: {  	s22 =	sadd.s32 $0x4, s22;
	v17 =	vld [tilespmem:s2+$0xFFFFFA00];
	v19 =	vadd.f32 v10, v7;
	v7 =	vmul.f32 v8, v3;
	v8 =	vmul.f32 v13, v5  }
0x1c8: {  	p0 =	slt.u32 s22, $0x1C;
	v20 =	vadd.f32 v12, v9;
	v10 =	vld [tilespmem:s2+$0xFFFFBC00]  }
0x1c9: {  	v9 =	vld [tilespmem:s2+$0xFFFFFC00];
	v21 =	vadd.f32 v8, v7  }
0x1ca: {  	v8 =	vld [tilespmem:s2+$0xFFFFBE00]  }
0x1cb: {  	s24 =	sadd.s32 $0x1000, s24;
	s21 =	sadd.s32 $0x200, s21;
	v7 =	vshll.u32 v18, $0x10;
	v12 =	vand.u32 $0xFFFF0000, v18;
	v13 =	vld [tilespmem:s2+$0xFFFFFE00];
	v18 =	vshll.u32 v15, $0x10  }
0x1cc: {  	s4 =	sand.u32 $0x6000, s24;
	s16 =	sadd.s32 $0xFFFFFE80, s21;
	v15 =	vand.u32 $0xFFFF0000, v15;
	v7 =	vmul.f32 v7, v4;
	v22 =	vld [tilespmem:s2+$0xFFFFBA00];
	v18 =	vmul.f32 v18, v6  }
0x1cd: {  	s28 =	sand.u32 $0x380, s21;
	s30 =	sadd.s32 $0xFFFFFF80, s21;
	s4 =	sadd.s32 s4, s20;
	v12 =	vmul.f32 v12, v3;
	v23 =	vshll.u32 v17, $0x10;
	v15 =	vmul.f32 v15, v5;
	[tilespmem:s25+$0x0] =	vst.add.f32.msk $0xffff, v11  }
0x1ce: {  	s16 =	sand.u32 $0x200, s16;
	s28 =	sadd.s32 s28, s4;
	v11 =	vand.u32 $0xFFFF0000, v17;
	v17 =	vshll.u32 v10, $0x10;
	s25 =	sadd.s32 $0xFFFFFF00, s21;
	v18 =	vadd.f32 v18, v7;
	[tilespmem:s26+$0x0] =	vst.add.f32.msk $0xffff, v14  }
0x1cf: {  	v7 =	vand.u32 $0xFFFF0000, v10;
	v24 =	vshll.u32 v9, $0x10;
	s26 =	sand.u32 $0x280, s25;
	s25 =	sadd.s32 s18, s28;
	v14 =	vadd.f32 v15, v12;
	s28 =	sadd.s32 s19, s28;
	[tilespmem:s0+$0x0] =	vst.add.f32.msk $0xffff, v16  }
.Ltmp6:
0x1d0: {  	v10 =	vand.u32 $0xFFFF0000, v9;
	s0 =	sadd.s32 s16, s4;
	v9 =	vshll.u32 v8, $0x10;
	v8 =	vand.u32 $0xFFFF0000, v8;
	s16 =	sand.u32 $0x300, s30;
	[tilespmem:s25+$0x0] =	vst.add.f32.msk $0xffff, v18;
	(pc) =	sbr.rel @p0 .LBB2_15-.Ltmp6, $4  }
0x1d1: {  	s30 =	sadd.s32 s26, s4;
	s25 =	sadd.s32 s18, s0;
	v12 =	vshll.u32 v13, $0x10;
	s4 =	sadd.s32 s16, s4;
	v15 =	vshll.u32 v22, $0x10;
	v16 =	vand.u32 $0xFFFF0000, v22;
	[tilespmem:s28+$0x0] =	vst.add.f32.msk $0xffff, v14  }
0x1d2: {  	s26 =	sadd.s32 s19, s0;
	s0 =	sadd.s32 s18, s30;
	v13 =	vand.u32 $0xFFFF0000, v13;
	v22 =	vmul.f32 v23, v6;
	v18 =	vmul.f32 v15, v4;
	[tilespmem:s5+$0x0] =	vst.add.f32.msk $0xffff, v19;
	s5 =	sadd.s32 s19, s30  }
0x1d3: {  	s16 =	sadd.s32 s19, s4;
	v14 =	vmul.f32 v16, v3;
	v15 =	vmul.f32 v11, v5;
	[tilespmem:s31+$0x0] =	vst.add.f32.msk $0xffff, v20;
	s31 =	sadd.s32 s18, s4  }
0x1d4: {  	s2 =	sadd.s32 $0x800, s2;
	v16 =	vmul.f32 v17, v4;
	v17 =	vmul.f32 v24, v6;
	v11 =	vadd.f32 v22, v18;
	[tilespmem:s11+$0x0] =	vst.add.f32.msk $0xffff, v21;
	s11 =	smov.u32 s16  }
0x1d5: {  	v14 =	vadd.f32 v15, v14;
	v7 =	vmul.f32 v7, v3;
	v10 =	vmul.f32 v10, v5;
	s17 =	sadd.s32 $0x1, s17  }
0x1d6: {  	v4 =	vmul.f32 v9, v4;
	v6 =	vmul.f32 v12, v6;
	v62 =	vadd.f32 v17, v16;
	[tilespmem:s25+$0x0] =	vst.add.f32.msk $0xffff, v11;
	p0 =	sne.s32 s17, $0x20  }
.Ltmp7:
0x1d7: {  	v3 =	vmul.f32 v8, v3;
	v63 =	vmul.f32 v13, v5;
	v7 =	vadd.f32 v10, v7;
	[tilespmem:s26+$0x0] =	vst.add.f32.msk $0xffff, v14;
	(pc) =	sbr.rel @p0 .LBB2_14-.Ltmp7, $4  }
0x1d8: {  	v4 =	vadd.f32 v6, v4;
	[tilespmem:s0+$0x0] =	vst.add.f32.msk $0xffff, v62  }
0x1d9: {  	v3 =	vadd.f32 v63, v3;
	[tilespmem:s5+$0x0] =	vst.add.f32.msk $0xffff, v7  }
0x1da: {  	[tilespmem:s31+$0x0] =	vst.add.f32.msk $0xffff, v4  }
0x1db: {  	s15 =	sadd.s32 $0x10, s15;
	s14 =	sadd.s32 $0x1, s14;
	[tilespmem:s11+$0x0] =	vst.add.f32.msk $0xffff, v3  }
0x1dc: {  	s9 =	simm.s32 $0x0;
	s0 =	rddreg [dreg:$0xe]  }
0x1dd: {  	[hbm4b:s0+s9] =	stream.linear.scatter [tilespmem:s29], [sflag:$0x4], $0x8000, $0x38;
	[tilespmem:$0x18900] =	vst v63  }
0x1de: {  	s11 =	rddreg [dreg:$0xf];
	s2 =	simm.s32 $0x100  }
0x1df: {  	[tilespmem:s2], [sflag:$0x5] =	stream.linear.gather [hbm4b:s11+s9], $0x800, $0x38;
	[tilespmem:$0x18900] =	vst v63  }
0x1e0: {  	_ =	swait.ge [sflag:s23], $0x800  }
0x1e1: {  	[sflag:s23] =	ssyncset.done $0x0  }
0x1e2: {  	[sflag:s23] =	ssyncadd.s32 $0xFFFFF800  }
0x1e3: {  	_ =	swait.ge [sflag:s7], $0x8000  }
0x1e4: {  	[sflag:s7] =	ssyncset.done $0x0  }
0x1e5: {  	[sflag:s7] =	ssyncadd.s32 $0xFFFF8000  }
0x1e6: {  	v3 =	vld [tilespmem:$0x60];
	_ =	sdelay $0x4  }
0x1e7: {  	v4 =	vshll.u32 v3, $0x3  }
0x1e8: {  	v3 =	vand.u32 $0x7, v3;
	v4 =	vand.u32 $0xFFFFFFC0, v4  }
0x1e9: {  	v3 =	vor.u32 v3, v4  }
0x1ea: {  	v4 =	vperm.xlane v3, v0;
	_ =	sdelay $0x1  }
0x1eb: {  	v4 =	vadd.s32 v1, v4;
	_ =	sdelay $0x4  }
0x1ec: {  	[tilespmem:s29], [sflag:$0x2] =	stream.indirect_vreg.gather [hbm4b:s1+s9], $0x80, v4, vm0, $0xb8;
	[tilespmem:$0x18900] =	vst v63  }
0x1ed: {  	s14 =	simm.s32 $0x11100;
	v3 =	vperm.xlane v3, v2  }
0x1ee: {  	[tilespmem:s14], [sflag:$0x2] =	stream.indirect_vreg.gather [hbm4b:s10+s9], $0x80, v4, vm0, $0xb8;
	[tilespmem:$0x18900] =	vst v63  }
0x1ef: {  	s15 =	simm.s32 $0x11900;
	v3 =	vadd.s32 v1, v3  }
0x1f0: {  	[tilespmem:s15], [sflag:$0x2] =	stream.indirect_vreg.gather [hbm4b:s12+s9], $0x80, v4, vm0, $0xb8;
	[tilespmem:$0x18900] =	vst v63  }
0x1f1: {  	s16 =	simm.s32 $0x12100  }
0x1f2: {  	[tilespmem:s16], [sflag:$0x2] =	stream.indirect_vreg.gather [hbm4b:s13+s9], $0x80, v4, vm0, $0xb8;
	[tilespmem:$0x18900] =	vst v63  }
0x1f3: {  	s17 =	simm.s32 $0x12900  }
0x1f4: {  	[tilespmem:s17], [sflag:$0x2] =	stream.indirect_vreg.gather [hbm4b:s1+s9], $0x80, v3, vm0, $0xb8;
	[tilespmem:$0x18900] =	vst v63  }
0x1f5: {  	s18 =	simm.s32 $0x13100  }
0x1f6: {  	[tilespmem:s18], [sflag:$0x2] =	stream.indirect_vreg.gather [hbm4b:s10+s9], $0x80, v3, vm0, $0xb8;
	[tilespmem:$0x18900] =	vst v63  }
0x1f7: {  	s19 =	simm.s32 $0x13900  }
0x1f8: {  	[tilespmem:s19], [sflag:$0x2] =	stream.indirect_vreg.gather [hbm4b:s12+s9], $0x80, v3, vm0, $0xb8;
	[tilespmem:$0x18900] =	vst v63  }
0x1f9: {  	s20 =	simm.s32 $0x14100  }
0x1fa: {  	[tilespmem:s20], [sflag:$0x2] =	stream.indirect_vreg.gather [hbm4b:s13+s9], $0x80, v3, vm0, $0xb8;
	[tilespmem:$0x18900] =	vst v63  }
0x1fb: {  	v3 =	vld [tilespmem:$0x70];
	_ =	sdelay $0x4  }
0x1fc: {  	v63 =	vshll.u32 v3, $0x3  }
0x1fd: {  	v3 =	vand.u32 $0x7, v3;
	v4 =	vand.u32 $0xFFFFFFC0, v63  }
0x1fe: {  	v3 =	vor.u32 v3, v4  }
0x1ff: {  	v4 =	vperm.xlane v3, v0;
	_ =	sdelay $0x1  }
0x200: {  	v4 =	vadd.s32 v1, v4;
	_ =	sdelay $0x3  }
0x201: {  	s21 =	simm.s32 $0x14900  }
0x202: {  	[tilespmem:s21], [sflag:$0x2] =	stream.indirect_vreg.gather [hbm4b:s1+s9], $0x80, v4, vm0, $0xb8;
	[tilespmem:$0x18900] =	vst v63  }
0x203: {  	s22 =	simm.s32 $0x15100;
	v3 =	vperm.xlane v3, v2  }
0x204: {  	[tilespmem:s22], [sflag:$0x2] =	stream.indirect_vreg.gather [hbm4b:s10+s9], $0x80, v4, vm0, $0xb8;
	[tilespmem:$0x18900] =	vst v63  }
0x205: {  	s24 =	simm.s32 $0x15900;
	v3 =	vadd.s32 v1, v3  }
0x206: {  	[tilespmem:s24], [sflag:$0x2] =	stream.indirect_vreg.gather [hbm4b:s12+s9], $0x80, v4, vm0, $0xb8;
	[tilespmem:$0x18900] =	vst v63  }
0x207: {  	s25 =	simm.s32 $0x16100  }
0x208: {  	[tilespmem:s25], [sflag:$0x2] =	stream.indirect_vreg.gather [hbm4b:s13+s9], $0x80, v4, vm0, $0xb8;
	[tilespmem:$0x18900] =	vst v63  }
0x209: {  	s26 =	simm.s32 $0x16900  }
0x20a: {  	[tilespmem:s26], [sflag:$0x2] =	stream.indirect_vreg.gather [hbm4b:s1+s9], $0x80, v3, vm0, $0xb8;
	[tilespmem:$0x18900] =	vst v63  }
0x20b: {  	s28 =	simm.s32 $0x17100  }
0x20c: {  	[tilespmem:s28], [sflag:$0x2] =	stream.indirect_vreg.gather [hbm4b:s10+s9], $0x80, v3, vm0, $0xb8;
	[tilespmem:$0x18900] =	vst v63  }
0x20d: {  	s29 =	simm.s32 $0x17900  }
0x20e: {  	[tilespmem:s29], [sflag:$0x2] =	stream.indirect_vreg.gather [hbm4b:s12+s9], $0x80, v3, vm0, $0xb8;
	[tilespmem:$0x18900] =	vst v63  }
0x20f: {  	s30 =	simm.s32 $0x18100;
	s31 =	simm.s32 $0x1  }
0x210: {  	[tilespmem:s30], [sflag:$0x2] =	stream.indirect_vreg.gather [hbm4b:s13+s9], $0x80, v3, vm0, $0xb8;
	[tilespmem:$0x18900] =	vst v63  }
0x211: {  	_ =	swait.ge [sflag:s31], $0x8000  }
0x212: {  	s14 =	simm.s32 $0x0;
	[sflag:s31] =	ssyncset.done $0x0  }
0x213: {  	s15 =	simm.s32 $0x0;
	s17 =	simm.s32 $0x0;
	[sflag:s31] =	ssyncadd.s32 $0xFFFF8000  }
.LBB2_18:
0x214: {  	s2 =	sshll.u32 s15, $0x2;
	s4 =	sand.u32 $0x7, s14  }
0x215: {  	s0 =	sshll.u32 s17, $0x5;
	s2 =	sand.u32 $0xFFFFFE00, s2;
	s4 =	sshll.u32 s4, $0x6  }
0x216: {  	s18 =	sand.u32 $0x60, s0;
	s5 =	sand.u32 $0x380, s0;
	v4 =	vld [tilespmem:s0+$0x100];
	s2 =	sor.u32 s4, s2  }
0x217: {  	v5 =	vld [tilespmem:s0+$0x510];
	s21 =	sor.u32 s18, s5;
	s2 =	sshrl.u32 s2, $0x2  }
0x218: {  	v6 =	vld [tilespmem:s21+$0x500];
	s2 =	sadd.s32 $0x4F00, s2  }
0x219: {  	v7 =	vld [tilespmem:s2+$0xFFFFC000]  }
0x21a: {  	v8 =	vld [tilespmem:s2+$0x0]  }
0x21b: {  	v9 =	vld [tilespmem:s2+$0xFFFFFA00]  }
0x21c: {  	v10 =	vld [tilespmem:s2+$0xFFFFBC00]  }
0x21d: {  	s19 =	sor.u32 $0x10, s18;
	v11 =	vld [tilespmem:s2+$0xFFFFFC00]  }
0x21e: {  	s11 =	sor.u32 s19, s5;
	v12 =	vld [tilespmem:s2+$0xFFFFBE00]  }
0x21f: {  	v3 =	vld [tilespmem:s11+$0x100]  }
0x220: {  	s22 =	sshll.u32 s17, $0x8;
	v15 =	vld [tilespmem:s2+$0xFFFFBA00];
	v13 =	vshll.u32 v7, $0x10;
	v7 =	vand.u32 $0xFFFF0000, v7  }
0x221: {  	s24 =	sand.u32 $0x6000, s9;
	s25 =	simm.s32 $0x0;
	s28 =	simm.s32 $0x80;
	v14 =	vshll.u32 v8, $0x10;
	v8 =	vand.u32 $0xFFFF0000, v8;
	v17 =	vshll.u32 v9, $0x10  }
0x222: {  	s16 =	simm.s32 $0x100;
	s0 =	sand.u32 $0x1C00, s22;
	s22 =	simm.s32 $0x0;
	v16 =	vld [tilespmem:s2+$0xFFFFFE00];
	v19 =	vand.u32 $0xFFFF0000, v9;
	v20 =	vshll.u32 v10, $0x10;
	v21 =	vshll.u32 v11, $0x10  }
0x223: {  	s16 =	sand.u32 $0x300, s16;
	s20 =	sadd.s32 $0x8900, s0;
	s21 =	simm.s32 $0x180;
	v9 =	vshll.u32 v12, $0x10;
	v13 =	vmul.f32 v13, v4;
	v14 =	vmul.f32 v14, v6  }
0x224: {  	s4 =	sand.u32 $0x200, s25;
	s0 =	sadd.s32 s24, s20;
	s26 =	sand.u32 $0x380, s21;
	v18 =	vmul.f32 v7, v3;
	v8 =	vmul.f32 v8, v5;
	v7 =	vand.u32 $0xFFFF0000, v10  }
0x225: {  	s11 =	sand.u32 $0x280, s28;
	s4 =	sadd.s32 s4, s0;
	s30 =	sadd.s32 s16, s0;
	v10 =	vand.u32 $0xFFFF0000, v11;
	v11 =	vshll.u32 v15, $0x10;
	v17 =	vmul.f32 v17, v6  }
0x226: {  	s5 =	sadd.s32 s26, s0;
	s25 =	sadd.s32 s18, s4;
	s29 =	sadd.s32 s11, s0;
	v11 =	vmul.f32 v11, v4;
	v13 =	vadd.f32 v14, v13;
	v18 =	vadd.f32 v8, v18  }
0x227: {  	s26 =	sadd.s32 s19, s4;
	s31 =	sadd.s32 s18, s30;
	s24 =	sadd.s32 s18, s5;
	v8 =	vand.u32 $0xFFFF0000, v12;
	v14 =	vand.u32 $0xFFFF0000, v15;
	v12 =	vshll.u32 v16, $0x10  }
0x228: {  	s11 =	sadd.s32 s19, s30;
	s2 =	sadd.s32 $0x800, s2;
	s28 =	sadd.s32 s19, s5;
	v15 =	vmul.f32 v19, v5;
	v14 =	vmul.f32 v14, v3;
	v11 =	vadd.f32 v17, v11;
	[tilespmem:s24+$0x0] =	vst.add.f32.msk $0xffff, v13  }
0x229: {  	s0 =	sadd.s32 s18, s29;
	s5 =	sadd.s32 s19, s29;
	v17 =	vmul.f32 v21, v6;
	v13 =	vand.u32 $0xFFFF0000, v16;
	v16 =	vmul.f32 v20, v4;
	s24 =	simm.s32 $0x0;
	[tilespmem:s28+$0x0] =	vst.add.f32.msk $0xffff, v18  }
.LBB2_19:
0x22a: {  	v18 =	vld [tilespmem:s2+$0xFFFFC000];
	v14 =	vadd.f32 v15, v14;
	v7 =	vmul.f32 v7, v3;
	v10 =	vmul.f32 v10, v5  }
0x22b: {  	v9 =	vmul.f32 v9, v4;
	v12 =	vmul.f32 v12, v6;
	v15 =	vld [tilespmem:s2+$0x0];
	v16 =	vadd.f32 v17, v16  }
0x22c: {  	s22 =	sadd.s32 $0x4, s22;
	v17 =	vld [tilespmem:s2+$0xFFFFFA00];
	v19 =	vadd.f32 v10, v7;
	v7 =	vmul.f32 v8, v3;
	v8 =	vmul.f32 v13, v5  }
0x22d: {  	p0 =	slt.u32 s22, $0x1C;
	v20 =	vadd.f32 v12, v9;
	v10 =	vld [tilespmem:s2+$0xFFFFBC00]  }
0x22e: {  	v9 =	vld [tilespmem:s2+$0xFFFFFC00];
	v21 =	vadd.f32 v8, v7  }
0x22f: {  	v8 =	vld [tilespmem:s2+$0xFFFFBE00]  }
0x230: {  	s24 =	sadd.s32 $0x1000, s24;
	s21 =	sadd.s32 $0x200, s21;
	v7 =	vshll.u32 v18, $0x10;
	v12 =	vand.u32 $0xFFFF0000, v18;
	v13 =	vld [tilespmem:s2+$0xFFFFFE00];
	v18 =	vshll.u32 v15, $0x10  }
0x231: {  	s4 =	sand.u32 $0x6000, s24;
	s16 =	sadd.s32 $0xFFFFFE80, s21;
	v15 =	vand.u32 $0xFFFF0000, v15;
	v7 =	vmul.f32 v7, v4;
	v22 =	vld [tilespmem:s2+$0xFFFFBA00];
	v18 =	vmul.f32 v18, v6  }
0x232: {  	s28 =	sand.u32 $0x380, s21;
	s30 =	sadd.s32 $0xFFFFFF80, s21;
	s4 =	sadd.s32 s4, s20;
	v12 =	vmul.f32 v12, v3;
	v23 =	vshll.u32 v17, $0x10;
	v15 =	vmul.f32 v15, v5;
	[tilespmem:s25+$0x0] =	vst.add.f32.msk $0xffff, v11  }
0x233: {  	s16 =	sand.u32 $0x200, s16;
	s28 =	sadd.s32 s28, s4;
	v11 =	vand.u32 $0xFFFF0000, v17;
	v17 =	vshll.u32 v10, $0x10;
	s25 =	sadd.s32 $0xFFFFFF00, s21;
	v18 =	vadd.f32 v18, v7;
	[tilespmem:s26+$0x0] =	vst.add.f32.msk $0xffff, v14  }
0x234: {  	v7 =	vand.u32 $0xFFFF0000, v10;
	v24 =	vshll.u32 v9, $0x10;
	s26 =	sand.u32 $0x280, s25;
	s25 =	sadd.s32 s18, s28;
	v14 =	vadd.f32 v15, v12;
	s28 =	sadd.s32 s19, s28;
	[tilespmem:s0+$0x0] =	vst.add.f32.msk $0xffff, v16  }
.Ltmp8:
0x235: {  	v10 =	vand.u32 $0xFFFF0000, v9;
	s0 =	sadd.s32 s16, s4;
	v9 =	vshll.u32 v8, $0x10;
	v8 =	vand.u32 $0xFFFF0000, v8;
	s16 =	sand.u32 $0x300, s30;
	[tilespmem:s25+$0x0] =	vst.add.f32.msk $0xffff, v18;
	(pc) =	sbr.rel @p0 .LBB2_19-.Ltmp8, $4  }
0x236: {  	s30 =	sadd.s32 s26, s4;
	s25 =	sadd.s32 s18, s0;
	v12 =	vshll.u32 v13, $0x10;
	s4 =	sadd.s32 s16, s4;
	v15 =	vshll.u32 v22, $0x10;
	v16 =	vand.u32 $0xFFFF0000, v22;
	[tilespmem:s28+$0x0] =	vst.add.f32.msk $0xffff, v14  }
0x237: {  	s26 =	sadd.s32 s19, s0;
	s0 =	sadd.s32 s18, s30;
	v13 =	vand.u32 $0xFFFF0000, v13;
	v22 =	vmul.f32 v23, v6;
	v18 =	vmul.f32 v15, v4;
	[tilespmem:s5+$0x0] =	vst.add.f32.msk $0xffff, v19;
	s5 =	sadd.s32 s19, s30  }
0x238: {  	s16 =	sadd.s32 s19, s4;
	v14 =	vmul.f32 v16, v3;
	v15 =	vmul.f32 v11, v5;
	[tilespmem:s31+$0x0] =	vst.add.f32.msk $0xffff, v20;
	s31 =	sadd.s32 s18, s4  }
0x239: {  	s2 =	sadd.s32 $0x800, s2;
	v16 =	vmul.f32 v17, v4;
	v17 =	vmul.f32 v24, v6;
	v11 =	vadd.f32 v22, v18;
	[tilespmem:s11+$0x0] =	vst.add.f32.msk $0xffff, v21;
	s11 =	smov.u32 s16  }
0x23a: {  	v14 =	vadd.f32 v15, v14;
	v7 =	vmul.f32 v7, v3;
	v10 =	vmul.f32 v10, v5;
	s17 =	sadd.s32 $0x1, s17  }
0x23b: {  	v4 =	vmul.f32 v9, v4;
	v6 =	vmul.f32 v12, v6;
	v62 =	vadd.f32 v17, v16;
	[tilespmem:s25+$0x0] =	vst.add.f32.msk $0xffff, v11;
	p0 =	sne.s32 s17, $0x20  }
.Ltmp9:
0x23c: {  	v3 =	vmul.f32 v8, v3;
	v63 =	vmul.f32 v13, v5;
	v7 =	vadd.f32 v10, v7;
	[tilespmem:s26+$0x0] =	vst.add.f32.msk $0xffff, v14;
	(pc) =	sbr.rel @p0 .LBB2_18-.Ltmp9, $4  }
0x23d: {  	v4 =	vadd.f32 v6, v4;
	[tilespmem:s0+$0x0] =	vst.add.f32.msk $0xffff, v62  }
0x23e: {  	v3 =	vadd.f32 v63, v3;
	[tilespmem:s5+$0x0] =	vst.add.f32.msk $0xffff, v7  }
0x23f: {  	[tilespmem:s31+$0x0] =	vst.add.f32.msk $0xffff, v4  }
0x240: {  	s15 =	sadd.s32 $0x10, s15;
	s14 =	sadd.s32 $0x1, s14;
	[tilespmem:s11+$0x0] =	vst.add.f32.msk $0xffff, v3  }
0x241: {  	s9 =	simm.s32 $0x0  }
0x242: {  	s0 =	rddreg [dreg:$0x10];
	s2 =	simm.s32 $0x8900;
	s11 =	simm.s32 $0x3  }
0x243: {  	[hbm4b:s0+s9] =	stream.linear.scatter [tilespmem:s2], [sflag:$0x3], $0x8000, $0x38;
	[tilespmem:$0x18900] =	vst v63  }
0x244: {  	_ =	swait.ge [sflag:s11], $0x8000  }
0x245: {  	[sflag:s11] =	ssyncset.done $0x0  }
0x246: {  	[sflag:s11] =	ssyncadd.s32 $0xFFFF8000  }
0x247: {  	v3 =	vld [tilespmem:$0xA0];
	_ =	sdelay $0x4  }
0x248: {  	v4 =	vshll.u32 v3, $0x3  }
0x249: {  	v3 =	vand.u32 $0x7, v3;
	v4 =	vand.u32 $0xFFFFFFC0, v4  }
0x24a: {  	v3 =	vor.u32 v3, v4  }
0x24b: {  	v4 =	vperm.xlane v3, v0;
	_ =	sdelay $0x1  }
0x24c: {  	v4 =	vadd.s32 v1, v4;
	_ =	sdelay $0x4  }
0x24d: {  	[tilespmem:s2], [sflag:$0x1] =	stream.indirect_vreg.gather [hbm4b:s1+s9], $0x80, v4, vm0, $0xb8;
	[tilespmem:$0x18900] =	vst v63  }
0x24e: {  	s14 =	simm.s32 $0x9100;
	v3 =	vperm.xlane v3, v2  }
0x24f: {  	[tilespmem:s14], [sflag:$0x1] =	stream.indirect_vreg.gather [hbm4b:s10+s9], $0x80, v4, vm0, $0xb8;
	[tilespmem:$0x18900] =	vst v63  }
0x250: {  	s15 =	simm.s32 $0x9900;
	v3 =	vadd.s32 v1, v3  }
0x251: {  	[tilespmem:s15], [sflag:$0x1] =	stream.indirect_vreg.gather [hbm4b:s12+s9], $0x80, v4, vm0, $0xb8;
	[tilespmem:$0x18900] =	vst v63  }
0x252: {  	s16 =	simm.s32 $0xA100  }
0x253: {  	[tilespmem:s16], [sflag:$0x1] =	stream.indirect_vreg.gather [hbm4b:s13+s9], $0x80, v4, vm0, $0xb8;
	[tilespmem:$0x18900] =	vst v63  }
0x254: {  	s17 =	simm.s32 $0xA900  }
0x255: {  	[tilespmem:s17], [sflag:$0x1] =	stream.indirect_vreg.gather [hbm4b:s1+s9], $0x80, v3, vm0, $0xb8;
	[tilespmem:$0x18900] =	vst v63  }
0x256: {  	s18 =	simm.s32 $0xB100  }
0x257: {  	[tilespmem:s18], [sflag:$0x1] =	stream.indirect_vreg.gather [hbm4b:s10+s9], $0x80, v3, vm0, $0xb8;
	[tilespmem:$0x18900] =	vst v63  }
0x258: {  	s19 =	simm.s32 $0xB900  }
0x259: {  	[tilespmem:s19], [sflag:$0x1] =	stream.indirect_vreg.gather [hbm4b:s12+s9], $0x80, v3, vm0, $0xb8;
	[tilespmem:$0x18900] =	vst v63  }
0x25a: {  	s20 =	simm.s32 $0xC100  }
0x25b: {  	[tilespmem:s20], [sflag:$0x1] =	stream.indirect_vreg.gather [hbm4b:s13+s9], $0x80, v3, vm0, $0xb8;
	[tilespmem:$0x18900] =	vst v63  }
0x25c: {  	v3 =	vld [tilespmem:$0xB0];
	_ =	sdelay $0x4  }
0x25d: {  	v63 =	vshll.u32 v3, $0x3  }
0x25e: {  	v3 =	vand.u32 $0x7, v3;
	v4 =	vand.u32 $0xFFFFFFC0, v63  }
0x25f: {  	v3 =	vor.u32 v3, v4  }
0x260: {  	v4 =	vperm.xlane v3, v0;
	_ =	sdelay $0x1  }
0x261: {  	v4 =	vadd.s32 v1, v4;
	_ =	sdelay $0x3  }
0x262: {  	s21 =	simm.s32 $0xC900  }
0x263: {  	[tilespmem:s21], [sflag:$0x1] =	stream.indirect_vreg.gather [hbm4b:s1+s9], $0x80, v4, vm0, $0xb8;
	[tilespmem:$0x18900] =	vst v63  }
0x264: {  	s22 =	simm.s32 $0xD100;
	v3 =	vperm.xlane v3, v2  }
0x265: {  	[tilespmem:s22], [sflag:$0x1] =	stream.indirect_vreg.gather [hbm4b:s10+s9], $0x80, v4, vm0, $0xb8;
	[tilespmem:$0x18900] =	vst v63  }
0x266: {  	s24 =	simm.s32 $0xD900;
	v3 =	vadd.s32 v1, v3  }
0x267: {  	[tilespmem:s24], [sflag:$0x1] =	stream.indirect_vreg.gather [hbm4b:s12+s9], $0x80, v4, vm0, $0xb8;
	[tilespmem:$0x18900] =	vst v63  }
0x268: {  	s25 =	simm.s32 $0xE100  }
0x269: {  	[tilespmem:s25], [sflag:$0x1] =	stream.indirect_vreg.gather [hbm4b:s13+s9], $0x80, v4, vm0, $0xb8;
	[tilespmem:$0x18900] =	vst v63  }
0x26a: {  	s26 =	simm.s32 $0xE900  }
0x26b: {  	[tilespmem:s26], [sflag:$0x1] =	stream.indirect_vreg.gather [hbm4b:s1+s9], $0x80, v3, vm0, $0xb8;
	[tilespmem:$0x18900] =	vst v63  }
0x26c: {  	s28 =	simm.s32 $0xF100  }
0x26d: {  	[tilespmem:s28], [sflag:$0x1] =	stream.indirect_vreg.gather [hbm4b:s10+s9], $0x80, v3, vm0, $0xb8;
	[tilespmem:$0x18900] =	vst v63  }
0x26e: {  	s30 =	simm.s32 $0xF900  }
0x26f: {  	[tilespmem:s30], [sflag:$0x1] =	stream.indirect_vreg.gather [hbm4b:s12+s9], $0x80, v3, vm0, $0xb8;
	[tilespmem:$0x18900] =	vst v63  }
0x270: {  	s31 =	simm.s32 $0x10100  }
0x271: {  	[tilespmem:s31], [sflag:$0x1] =	stream.indirect_vreg.gather [hbm4b:s13+s9], $0x80, v3, vm0, $0xb8;
	[tilespmem:$0x18900] =	vst v63  }
0x272: {  	_ =	swait.ge [sflag:s6], $0x8000  }
0x273: {  	s29 =	simm.s32 $0x8900;
	s14 =	simm.s32 $0x0;
	[sflag:s6] =	ssyncset.done $0x0  }
0x274: {  	s15 =	simm.s32 $0x0;
	s17 =	simm.s32 $0x0;
	[sflag:s6] =	ssyncadd.s32 $0xFFFF8000  }
.LBB2_22:
0x275: {  	s2 =	sshll.u32 s15, $0x2;
	s4 =	sand.u32 $0x7, s14  }
0x276: {  	s0 =	sshll.u32 s17, $0x5;
	s2 =	sand.u32 $0xFFFFFE00, s2;
	s4 =	sshll.u32 s4, $0x6  }
0x277: {  	s18 =	sand.u32 $0x60, s0;
	s5 =	sand.u32 $0x380, s0;
	v4 =	vld [tilespmem:s0+$0x100];
	s2 =	sor.u32 s4, s2  }
0x278: {  	v5 =	vld [tilespmem:s0+$0x510];
	s22 =	sor.u32 s18, s5;
	s2 =	sshrl.u32 s2, $0x2  }
0x279: {  	v6 =	vld [tilespmem:s22+$0x500];
	s2 =	sadd.s32 $0x4F00, s2  }
0x27a: {  	v7 =	vld [tilespmem:s2+$0xFFFFC000]  }
0x27b: {  	v8 =	vld [tilespmem:s2+$0x0]  }
0x27c: {  	v9 =	vld [tilespmem:s2+$0xFFFFFA00]  }
0x27d: {  	v10 =	vld [tilespmem:s2+$0xFFFFBC00]  }
0x27e: {  	s19 =	sor.u32 $0x10, s18;
	v11 =	vld [tilespmem:s2+$0xFFFFFC00]  }
0x27f: {  	s11 =	sor.u32 s19, s5;
	v12 =	vld [tilespmem:s2+$0xFFFFBE00]  }
0x280: {  	v3 =	vld [tilespmem:s11+$0x100]  }
0x281: {  	s24 =	sshll.u32 s17, $0x8;
	v15 =	vld [tilespmem:s2+$0xFFFFBA00];
	v13 =	vshll.u32 v7, $0x10;
	v7 =	vand.u32 $0xFFFF0000, v7  }
0x282: {  	s21 =	simm.s32 $0x180;
	s25 =	sand.u32 $0x6000, s9;
	s26 =	simm.s32 $0x0;
	v14 =	vshll.u32 v8, $0x10;
	v8 =	vand.u32 $0xFFFF0000, v8;
	v17 =	vshll.u32 v9, $0x10  }
0x283: {  	s30 =	simm.s32 $0x80;
	s16 =	simm.s32 $0x100;
	s0 =	sand.u32 $0x1C00, s24;
	v16 =	vld [tilespmem:s2+$0xFFFFFE00];
	v19 =	vand.u32 $0xFFFF0000, v9;
	v20 =	vshll.u32 v10, $0x10;
	v21 =	vshll.u32 v11, $0x10  }
0x284: {  	s28 =	sand.u32 $0x380, s21;
	s16 =	sand.u32 $0x300, s16;
	s20 =	sadd.s32 $0x10900, s0;
	v9 =	vshll.u32 v12, $0x10;
	v13 =	vmul.f32 v13, v4;
	v14 =	vmul.f32 v14, v6  }
0x285: {  	s4 =	sand.u32 $0x200, s26;
	s22 =	simm.s32 $0x0;
	s0 =	sadd.s32 s25, s20;
	v18 =	vmul.f32 v7, v3;
	v8 =	vmul.f32 v8, v5;
	v7 =	vand.u32 $0xFFFF0000, v10  }
0x286: {  	s5 =	sadd.s32 s28, s0;
	s11 =	sand.u32 $0x280, s30;
	s4 =	sadd.s32 s4, s0;
	v10 =	vand.u32 $0xFFFF0000, v11;
	v11 =	vshll.u32 v15, $0x10;
	v17 =	vmul.f32 v17, v6  }
0x287: {  	s30 =	sadd.s32 s16, s0;
	s24 =	sadd.s32 s18, s5;
	s28 =	sadd.s32 s19, s5;
	v11 =	vmul.f32 v11, v4;
	v13 =	vadd.f32 v14, v13;
	v18 =	vadd.f32 v8, v18  }
0x288: {  	s25 =	sadd.s32 s18, s4;
	s11 =	sadd.s32 s11, s0;
	s26 =	sadd.s32 s19, s4;
	v8 =	vand.u32 $0xFFFF0000, v12;
	v14 =	vand.u32 $0xFFFF0000, v15;
	v12 =	vshll.u32 v16, $0x10  }
0x289: {  	s31 =	sadd.s32 s18, s30;
	s2 =	sadd.s32 $0x800, s2;
	s0 =	sadd.s32 s18, s11;
	v15 =	vmul.f32 v19, v5;
	v14 =	vmul.f32 v14, v3;
	v11 =	vadd.f32 v17, v11;
	[tilespmem:s24+$0x0] =	vst.add.f32.msk $0xffff, v13  }
0x28a: {  	s5 =	sadd.s32 s19, s11;
	s11 =	sadd.s32 s19, s30;
	v17 =	vmul.f32 v21, v6;
	v13 =	vand.u32 $0xFFFF0000, v16;
	v16 =	vmul.f32 v20, v4;
	s24 =	simm.s32 $0x0;
	[tilespmem:s28+$0x0] =	vst.add.f32.msk $0xffff, v18  }
.LBB2_23:
0x28b: {  	v18 =	vld [tilespmem:s2+$0xFFFFC000];
	v14 =	vadd.f32 v15, v14;
	v7 =	vmul.f32 v7, v3;
	v10 =	vmul.f32 v10, v5  }
0x28c: {  	v9 =	vmul.f32 v9, v4;
	v12 =	vmul.f32 v12, v6;
	v15 =	vld [tilespmem:s2+$0x0];
	v16 =	vadd.f32 v17, v16  }
0x28d: {  	s22 =	sadd.s32 $0x4, s22;
	v17 =	vld [tilespmem:s2+$0xFFFFFA00];
	v19 =	vadd.f32 v10, v7;
	v7 =	vmul.f32 v8, v3;
	v8 =	vmul.f32 v13, v5  }
0x28e: {  	p0 =	slt.u32 s22, $0x1C;
	v20 =	vadd.f32 v12, v9;
	v10 =	vld [tilespmem:s2+$0xFFFFBC00]  }
0x28f: {  	v9 =	vld [tilespmem:s2+$0xFFFFFC00];
	v21 =	vadd.f32 v8, v7  }
0x290: {  	v8 =	vld [tilespmem:s2+$0xFFFFBE00]  }
0x291: {  	s24 =	sadd.s32 $0x1000, s24;
	s21 =	sadd.s32 $0x200, s21;
	v7 =	vshll.u32 v18, $0x10;
	v12 =	vand.u32 $0xFFFF0000, v18;
	v13 =	vld [tilespmem:s2+$0xFFFFFE00];
	v18 =	vshll.u32 v15, $0x10  }
0x292: {  	s4 =	sand.u32 $0x6000, s24;
	s16 =	sadd.s32 $0xFFFFFE80, s21;
	v15 =	vand.u32 $0xFFFF0000, v15;
	v7 =	vmul.f32 v7, v4;
	v22 =	vld [tilespmem:s2+$0xFFFFBA00];
	v18 =	vmul.f32 v18, v6  }
0x293: {  	s28 =	sand.u32 $0x380, s21;
	s30 =	sadd.s32 $0xFFFFFF80, s21;
	s4 =	sadd.s32 s4, s20;
	v12 =	vmul.f32 v12, v3;
	v23 =	vshll.u32 v17, $0x10;
	v15 =	vmul.f32 v15, v5;
	[tilespmem:s25+$0x0] =	vst.add.f32.msk $0xffff, v11  }
0x294: {  	s16 =	sand.u32 $0x200, s16;
	s28 =	sadd.s32 s28, s4;
	v11 =	vand.u32 $0xFFFF0000, v17;
	v17 =	vshll.u32 v10, $0x10;
	s25 =	sadd.s32 $0xFFFFFF00, s21;
	v18 =	vadd.f32 v18, v7;
	[tilespmem:s26+$0x0] =	vst.add.f32.msk $0xffff, v14  }
0x295: {  	v7 =	vand.u32 $0xFFFF0000, v10;
	v24 =	vshll.u32 v9, $0x10;
	s26 =	sand.u32 $0x280, s25;
	s25 =	sadd.s32 s18, s28;
	v14 =	vadd.f32 v15, v12;
	s28 =	sadd.s32 s19, s28;
	[tilespmem:s0+$0x0] =	vst.add.f32.msk $0xffff, v16  }
.Ltmp10:
0x296: {  	v10 =	vand.u32 $0xFFFF0000, v9;
	s0 =	sadd.s32 s16, s4;
	v9 =	vshll.u32 v8, $0x10;
	v8 =	vand.u32 $0xFFFF0000, v8;
	s16 =	sand.u32 $0x300, s30;
	[tilespmem:s25+$0x0] =	vst.add.f32.msk $0xffff, v18;
	(pc) =	sbr.rel @p0 .LBB2_23-.Ltmp10, $4  }
0x297: {  	s30 =	sadd.s32 s26, s4;
	s25 =	sadd.s32 s18, s0;
	v12 =	vshll.u32 v13, $0x10;
	s4 =	sadd.s32 s16, s4;
	v15 =	vshll.u32 v22, $0x10;
	v16 =	vand.u32 $0xFFFF0000, v22;
	[tilespmem:s28+$0x0] =	vst.add.f32.msk $0xffff, v14  }
0x298: {  	s26 =	sadd.s32 s19, s0;
	s0 =	sadd.s32 s18, s30;
	v13 =	vand.u32 $0xFFFF0000, v13;
	v22 =	vmul.f32 v23, v6;
	v18 =	vmul.f32 v15, v4;
	[tilespmem:s5+$0x0] =	vst.add.f32.msk $0xffff, v19;
	s5 =	sadd.s32 s19, s30  }
0x299: {  	s16 =	sadd.s32 s19, s4;
	v14 =	vmul.f32 v16, v3;
	v15 =	vmul.f32 v11, v5;
	[tilespmem:s31+$0x0] =	vst.add.f32.msk $0xffff, v20;
	s31 =	sadd.s32 s18, s4  }
0x29a: {  	s2 =	sadd.s32 $0x800, s2;
	v16 =	vmul.f32 v17, v4;
	v17 =	vmul.f32 v24, v6;
	v11 =	vadd.f32 v22, v18;
	[tilespmem:s11+$0x0] =	vst.add.f32.msk $0xffff, v21;
	s11 =	smov.u32 s16  }
0x29b: {  	v14 =	vadd.f32 v15, v14;
	v7 =	vmul.f32 v7, v3;
	v10 =	vmul.f32 v10, v5;
	s17 =	sadd.s32 $0x1, s17  }
0x29c: {  	v4 =	vmul.f32 v9, v4;
	v6 =	vmul.f32 v12, v6;
	v62 =	vadd.f32 v17, v16;
	[tilespmem:s25+$0x0] =	vst.add.f32.msk $0xffff, v11;
	p0 =	sne.s32 s17, $0x20  }
.Ltmp11:
0x29d: {  	v3 =	vmul.f32 v8, v3;
	v63 =	vmul.f32 v13, v5;
	v7 =	vadd.f32 v10, v7;
	[tilespmem:s26+$0x0] =	vst.add.f32.msk $0xffff, v14;
	(pc) =	sbr.rel @p0 .LBB2_22-.Ltmp11, $4  }
0x29e: {  	v4 =	vadd.f32 v6, v4;
	[tilespmem:s0+$0x0] =	vst.add.f32.msk $0xffff, v62  }
0x29f: {  	v3 =	vadd.f32 v63, v3;
	[tilespmem:s5+$0x0] =	vst.add.f32.msk $0xffff, v7  }
0x2a0: {  	[tilespmem:s31+$0x0] =	vst.add.f32.msk $0xffff, v4  }
0x2a1: {  	s15 =	sadd.s32 $0x10, s15;
	s14 =	sadd.s32 $0x1, s14;
	[tilespmem:s11+$0x0] =	vst.add.f32.msk $0xffff, v3  }
0x2a2: {  	s9 =	simm.s32 $0x0;
	s0 =	rddreg [dreg:$0x11];
	s2 =	simm.s32 $0x10900  }
0x2a3: {  	[hbm4b:s0+s9] =	stream.linear.scatter [tilespmem:s2], [sflag:$0x4], $0x8000, $0x38;
	[tilespmem:$0x18900] =	vst v63  }
0x2a4: {  	_ =	swait.ge [sflag:s7], $0x8000  }
0x2a5: {  	[sflag:s7] =	ssyncset.done $0x0  }
0x2a6: {  	[sflag:s7] =	ssyncadd.s32 $0xFFFF8000  }
0x2a7: {  	v3 =	vld [tilespmem:$0xE0];
	_ =	sdelay $0x4  }
0x2a8: {  	v4 =	vshll.u32 v3, $0x3  }
0x2a9: {  	v3 =	vand.u32 $0x7, v3;
	v4 =	vand.u32 $0xFFFFFFC0, v4  }
0x2aa: {  	v3 =	vor.u32 v3, v4  }
0x2ab: {  	v4 =	vperm.xlane v3, v0;
	_ =	sdelay $0x1  }
0x2ac: {  	v4 =	vadd.s32 v1, v4;
	_ =	sdelay $0x4  }
0x2ad: {  	[tilespmem:s2], [sflag:$0x2] =	stream.indirect_vreg.gather [hbm4b:s1+s9], $0x80, v4, vm0, $0xb8;
	[tilespmem:$0x18900] =	vst v63  }
0x2ae: {  	s11 =	simm.s32 $0x11100;
	v3 =	vperm.xlane v3, v2  }
0x2af: {  	[tilespmem:s11], [sflag:$0x2] =	stream.indirect_vreg.gather [hbm4b:s10+s9], $0x80, v4, vm0, $0xb8;
	[tilespmem:$0x18900] =	vst v63  }
0x2b0: {  	s14 =	simm.s32 $0x11900;
	v3 =	vadd.s32 v1, v3  }
0x2b1: {  	[tilespmem:s14], [sflag:$0x2] =	stream.indirect_vreg.gather [hbm4b:s12+s9], $0x80, v4, vm0, $0xb8;
	[tilespmem:$0x18900] =	vst v63  }
0x2b2: {  	s15 =	simm.s32 $0x12100  }
0x2b3: {  	[tilespmem:s15], [sflag:$0x2] =	stream.indirect_vreg.gather [hbm4b:s13+s9], $0x80, v4, vm0, $0xb8;
	[tilespmem:$0x18900] =	vst v63  }
0x2b4: {  	s16 =	simm.s32 $0x12900  }
0x2b5: {  	[tilespmem:s16], [sflag:$0x2] =	stream.indirect_vreg.gather [hbm4b:s1+s9], $0x80, v3, vm0, $0xb8;
	[tilespmem:$0x18900] =	vst v63  }
0x2b6: {  	s17 =	simm.s32 $0x13100  }
0x2b7: {  	[tilespmem:s17], [sflag:$0x2] =	stream.indirect_vreg.gather [hbm4b:s10+s9], $0x80, v3, vm0, $0xb8;
	[tilespmem:$0x18900] =	vst v63  }
0x2b8: {  	s18 =	simm.s32 $0x13900  }
0x2b9: {  	[tilespmem:s18], [sflag:$0x2] =	stream.indirect_vreg.gather [hbm4b:s12+s9], $0x80, v3, vm0, $0xb8;
	[tilespmem:$0x18900] =	vst v63  }
0x2ba: {  	s19 =	simm.s32 $0x14100  }
0x2bb: {  	[tilespmem:s19], [sflag:$0x2] =	stream.indirect_vreg.gather [hbm4b:s13+s9], $0x80, v3, vm0, $0xb8;
	[tilespmem:$0x18900] =	vst v63  }
0x2bc: {  	v3 =	vld [tilespmem:$0xF0];
	_ =	sdelay $0x4  }
0x2bd: {  	v63 =	vshll.u32 v3, $0x3  }
0x2be: {  	v3 =	vand.u32 $0x7, v3;
	v4 =	vand.u32 $0xFFFFFFC0, v63  }
0x2bf: {  	v3 =	vor.u32 v3, v4  }
0x2c0: {  	v4 =	vperm.xlane v3, v0;
	_ =	sdelay $0x1  }
0x2c1: {  	v4 =	vadd.s32 v1, v4;
	_ =	sdelay $0x3  }
0x2c2: {  	s20 =	simm.s32 $0x14900  }
0x2c3: {  	[tilespmem:s20], [sflag:$0x2] =	stream.indirect_vreg.gather [hbm4b:s1+s9], $0x80, v4, vm0, $0xb8;
	[tilespmem:$0x18900] =	vst v63  }
0x2c4: {  	s21 =	simm.s32 $0x15100;
	v3 =	vperm.xlane v3, v2  }
0x2c5: {  	[tilespmem:s21], [sflag:$0x2] =	stream.indirect_vreg.gather [hbm4b:s10+s9], $0x80, v4, vm0, $0xb8;
	[tilespmem:$0x18900] =	vst v63  }
0x2c6: {  	s22 =	simm.s32 $0x15900;
	v3 =	vadd.s32 v1, v3  }
0x2c7: {  	[tilespmem:s22], [sflag:$0x2] =	stream.indirect_vreg.gather [hbm4b:s12+s9], $0x80, v4, vm0, $0xb8;
	[tilespmem:$0x18900] =	vst v63  }
0x2c8: {  	s24 =	simm.s32 $0x16100  }
0x2c9: {  	[tilespmem:s24], [sflag:$0x2] =	stream.indirect_vreg.gather [hbm4b:s13+s9], $0x80, v4, vm0, $0xb8;
	[tilespmem:$0x18900] =	vst v63  }
0x2ca: {  	s25 =	simm.s32 $0x16900  }
0x2cb: {  	[tilespmem:s25], [sflag:$0x2] =	stream.indirect_vreg.gather [hbm4b:s1+s9], $0x80, v3, vm0, $0xb8;
	[tilespmem:$0x18900] =	vst v63  }
0x2cc: {  	s26 =	simm.s32 $0x17100  }
0x2cd: {  	[tilespmem:s26], [sflag:$0x2] =	stream.indirect_vreg.gather [hbm4b:s10+s9], $0x80, v3, vm0, $0xb8;
	[tilespmem:$0x18900] =	vst v63  }
0x2ce: {  	s28 =	simm.s32 $0x17900  }
0x2cf: {  	[tilespmem:s28], [sflag:$0x2] =	stream.indirect_vreg.gather [hbm4b:s12+s9], $0x80, v3, vm0, $0xb8;
	[tilespmem:$0x18900] =	vst v63  }
0x2d0: {  	s30 =	simm.s32 $0x18100;
	s31 =	simm.s32 $0x1  }
0x2d1: {  	[tilespmem:s30], [sflag:$0x2] =	stream.indirect_vreg.gather [hbm4b:s13+s9], $0x80, v3, vm0, $0xb8;
	[tilespmem:$0x18900] =	vst v63  }
0x2d2: {  	_ =	swait.ge [sflag:s31], $0x8000  }
0x2d3: {  	s14 =	simm.s32 $0x0;
	[sflag:s31] =	ssyncset.done $0x0  }
0x2d4: {  	s15 =	simm.s32 $0x0;
	s17 =	simm.s32 $0x0;
	[sflag:s31] =	ssyncadd.s32 $0xFFFF8000  }
.LBB2_26:
0x2d5: {  	s2 =	sshll.u32 s15, $0x2;
	s4 =	sand.u32 $0x7, s14  }
0x2d6: {  	s0 =	sshll.u32 s17, $0x5;
	s2 =	sand.u32 $0xFFFFFE00, s2;
	s4 =	sshll.u32 s4, $0x6  }
0x2d7: {  	s18 =	sand.u32 $0x60, s0;
	s5 =	sand.u32 $0x380, s0;
	v4 =	vld [tilespmem:s0+$0x100];
	s2 =	sor.u32 s4, s2  }
0x2d8: {  	v5 =	vld [tilespmem:s0+$0x510];
	s22 =	sor.u32 s18, s5;
	s2 =	sshrl.u32 s2, $0x2  }
0x2d9: {  	v6 =	vld [tilespmem:s22+$0x500];
	s2 =	sadd.s32 $0x4F00, s2  }
0x2da: {  	v7 =	vld [tilespmem:s2+$0xFFFFC000]  }
0x2db: {  	v8 =	vld [tilespmem:s2+$0x0]  }
0x2dc: {  	v9 =	vld [tilespmem:s2+$0xFFFFFA00]  }
0x2dd: {  	v10 =	vld [tilespmem:s2+$0xFFFFBC00]  }
0x2de: {  	s19 =	sor.u32 $0x10, s18;
	v11 =	vld [tilespmem:s2+$0xFFFFFC00]  }
0x2df: {  	s11 =	sor.u32 s19, s5;
	v12 =	vld [tilespmem:s2+$0xFFFFBE00]  }
0x2e0: {  	v3 =	vld [tilespmem:s11+$0x100]  }
0x2e1: {  	s24 =	sshll.u32 s17, $0x8;
	v15 =	vld [tilespmem:s2+$0xFFFFBA00];
	v13 =	vshll.u32 v7, $0x10;
	v7 =	vand.u32 $0xFFFF0000, v7  }
0x2e2: {  	s21 =	simm.s32 $0x180;
	s25 =	sand.u32 $0x6000, s9;
	s26 =	simm.s32 $0x0;
	v14 =	vshll.u32 v8, $0x10;
	v8 =	vand.u32 $0xFFFF0000, v8;
	v17 =	vshll.u32 v9, $0x10  }
0x2e3: {  	s30 =	simm.s32 $0x80;
	s16 =	simm.s32 $0x100;
	s0 =	sand.u32 $0x1C00, s24;
	v16 =	vld [tilespmem:s2+$0xFFFFFE00];
	v19 =	vand.u32 $0xFFFF0000, v9;
	v20 =	vshll.u32 v10, $0x10;
	v21 =	vshll.u32 v11, $0x10  }
0x2e4: {  	s28 =	sand.u32 $0x380, s21;
	s16 =	sand.u32 $0x300, s16;
	s20 =	sadd.s32 $0x8900, s0;
	v9 =	vshll.u32 v12, $0x10;
	v13 =	vmul.f32 v13, v4;
	v14 =	vmul.f32 v14, v6  }
0x2e5: {  	s4 =	sand.u32 $0x200, s26;
	s22 =	simm.s32 $0x0;
	s0 =	sadd.s32 s25, s20;
	v18 =	vmul.f32 v7, v3;
	v8 =	vmul.f32 v8, v5;
	v7 =	vand.u32 $0xFFFF0000, v10  }
0x2e6: {  	s5 =	sadd.s32 s28, s0;
	s11 =	sand.u32 $0x280, s30;
	s4 =	sadd.s32 s4, s0;
	v10 =	vand.u32 $0xFFFF0000, v11;
	v11 =	vshll.u32 v15, $0x10;
	v17 =	vmul.f32 v17, v6  }
0x2e7: {  	s30 =	sadd.s32 s16, s0;
	s24 =	sadd.s32 s18, s5;
	s28 =	sadd.s32 s19, s5;
	v11 =	vmul.f32 v11, v4;
	v13 =	vadd.f32 v14, v13;
	v18 =	vadd.f32 v8, v18  }
0x2e8: {  	s25 =	sadd.s32 s18, s4;
	s11 =	sadd.s32 s11, s0;
	s26 =	sadd.s32 s19, s4;
	v8 =	vand.u32 $0xFFFF0000, v12;
	v14 =	vand.u32 $0xFFFF0000, v15;
	v12 =	vshll.u32 v16, $0x10  }
0x2e9: {  	s31 =	sadd.s32 s18, s30;
	s2 =	sadd.s32 $0x800, s2;
	s0 =	sadd.s32 s18, s11;
	v15 =	vmul.f32 v19, v5;
	v14 =	vmul.f32 v14, v3;
	v11 =	vadd.f32 v17, v11;
	[tilespmem:s24+$0x0] =	vst.add.f32.msk $0xffff, v13  }
0x2ea: {  	s5 =	sadd.s32 s19, s11;
	s11 =	sadd.s32 s19, s30;
	v17 =	vmul.f32 v21, v6;
	v13 =	vand.u32 $0xFFFF0000, v16;
	v16 =	vmul.f32 v20, v4;
	s24 =	simm.s32 $0x0;
	[tilespmem:s28+$0x0] =	vst.add.f32.msk $0xffff, v18  }
.LBB2_27:
0x2eb: {  	v18 =	vld [tilespmem:s2+$0xFFFFC000];
	v14 =	vadd.f32 v15, v14;
	v7 =	vmul.f32 v7, v3;
	v10 =	vmul.f32 v10, v5  }
0x2ec: {  	v9 =	vmul.f32 v9, v4;
	v12 =	vmul.f32 v12, v6;
	v15 =	vld [tilespmem:s2+$0x0];
	v16 =	vadd.f32 v17, v16  }
0x2ed: {  	s22 =	sadd.s32 $0x4, s22;
	v17 =	vld [tilespmem:s2+$0xFFFFFA00];
	v19 =	vadd.f32 v10, v7;
	v7 =	vmul.f32 v8, v3;
	v8 =	vmul.f32 v13, v5  }
0x2ee: {  	p0 =	slt.u32 s22, $0x1C;
	v20 =	vadd.f32 v12, v9;
	v10 =	vld [tilespmem:s2+$0xFFFFBC00]  }
0x2ef: {  	v9 =	vld [tilespmem:s2+$0xFFFFFC00];
	v21 =	vadd.f32 v8, v7  }
0x2f0: {  	v8 =	vld [tilespmem:s2+$0xFFFFBE00]  }
0x2f1: {  	s24 =	sadd.s32 $0x1000, s24;
	s21 =	sadd.s32 $0x200, s21;
	v7 =	vshll.u32 v18, $0x10;
	v12 =	vand.u32 $0xFFFF0000, v18;
	v13 =	vld [tilespmem:s2+$0xFFFFFE00];
	v18 =	vshll.u32 v15, $0x10  }
0x2f2: {  	s4 =	sand.u32 $0x6000, s24;
	s16 =	sadd.s32 $0xFFFFFE80, s21;
	v15 =	vand.u32 $0xFFFF0000, v15;
	v7 =	vmul.f32 v7, v4;
	v22 =	vld [tilespmem:s2+$0xFFFFBA00];
	v18 =	vmul.f32 v18, v6  }
0x2f3: {  	s28 =	sand.u32 $0x380, s21;
	s30 =	sadd.s32 $0xFFFFFF80, s21;
	s4 =	sadd.s32 s4, s20;
	v12 =	vmul.f32 v12, v3;
	v23 =	vshll.u32 v17, $0x10;
	v15 =	vmul.f32 v15, v5;
	[tilespmem:s25+$0x0] =	vst.add.f32.msk $0xffff, v11  }
0x2f4: {  	s16 =	sand.u32 $0x200, s16;
	s28 =	sadd.s32 s28, s4;
	v11 =	vand.u32 $0xFFFF0000, v17;
	v17 =	vshll.u32 v10, $0x10;
	s25 =	sadd.s32 $0xFFFFFF00, s21;
	v18 =	vadd.f32 v18, v7;
	[tilespmem:s26+$0x0] =	vst.add.f32.msk $0xffff, v14  }
0x2f5: {  	v7 =	vand.u32 $0xFFFF0000, v10;
	v24 =	vshll.u32 v9, $0x10;
	s26 =	sand.u32 $0x280, s25;
	s25 =	sadd.s32 s18, s28;
	v14 =	vadd.f32 v15, v12;
	s28 =	sadd.s32 s19, s28;
	[tilespmem:s0+$0x0] =	vst.add.f32.msk $0xffff, v16  }
.Ltmp12:
0x2f6: {  	v10 =	vand.u32 $0xFFFF0000, v9;
	s0 =	sadd.s32 s16, s4;
	v9 =	vshll.u32 v8, $0x10;
	v8 =	vand.u32 $0xFFFF0000, v8;
	s16 =	sand.u32 $0x300, s30;
	[tilespmem:s25+$0x0] =	vst.add.f32.msk $0xffff, v18;
	(pc) =	sbr.rel @p0 .LBB2_27-.Ltmp12, $4  }
0x2f7: {  	s30 =	sadd.s32 s26, s4;
	s25 =	sadd.s32 s18, s0;
	v12 =	vshll.u32 v13, $0x10;
	s4 =	sadd.s32 s16, s4;
	v15 =	vshll.u32 v22, $0x10;
	v16 =	vand.u32 $0xFFFF0000, v22;
	[tilespmem:s28+$0x0] =	vst.add.f32.msk $0xffff, v14  }
0x2f8: {  	s26 =	sadd.s32 s19, s0;
	s0 =	sadd.s32 s18, s30;
	v13 =	vand.u32 $0xFFFF0000, v13;
	v22 =	vmul.f32 v23, v6;
	v18 =	vmul.f32 v15, v4;
	[tilespmem:s5+$0x0] =	vst.add.f32.msk $0xffff, v19;
	s5 =	sadd.s32 s19, s30  }
0x2f9: {  	s16 =	sadd.s32 s19, s4;
	v14 =	vmul.f32 v16, v3;
	v15 =	vmul.f32 v11, v5;
	[tilespmem:s31+$0x0] =	vst.add.f32.msk $0xffff, v20;
	s31 =	sadd.s32 s18, s4  }
0x2fa: {  	s2 =	sadd.s32 $0x800, s2;
	v16 =	vmul.f32 v17, v4;
	v17 =	vmul.f32 v24, v6;
	v11 =	vadd.f32 v22, v18;
	[tilespmem:s11+$0x0] =	vst.add.f32.msk $0xffff, v21;
	s11 =	smov.u32 s16  }
0x2fb: {  	v14 =	vadd.f32 v15, v14;
	v7 =	vmul.f32 v7, v3;
	v10 =	vmul.f32 v10, v5;
	s17 =	sadd.s32 $0x1, s17  }
0x2fc: {  	v4 =	vmul.f32 v9, v4;
	v6 =	vmul.f32 v12, v6;
	v62 =	vadd.f32 v17, v16;
	[tilespmem:s25+$0x0] =	vst.add.f32.msk $0xffff, v11;
	p0 =	sne.s32 s17, $0x20  }
.Ltmp13:
0x2fd: {  	v3 =	vmul.f32 v8, v3;
	v63 =	vmul.f32 v13, v5;
	v7 =	vadd.f32 v10, v7;
	[tilespmem:s26+$0x0] =	vst.add.f32.msk $0xffff, v14;
	(pc) =	sbr.rel @p0 .LBB2_26-.Ltmp13, $4  }
0x2fe: {  	v4 =	vadd.f32 v6, v4;
	[tilespmem:s0+$0x0] =	vst.add.f32.msk $0xffff, v62  }
0x2ff: {  	v3 =	vadd.f32 v63, v3;
	[tilespmem:s5+$0x0] =	vst.add.f32.msk $0xffff, v7  }
0x300: {  	[tilespmem:s31+$0x0] =	vst.add.f32.msk $0xffff, v4  }
0x301: {  	s15 =	sadd.s32 $0x10, s15;
	s14 =	sadd.s32 $0x1, s14;
	[tilespmem:s11+$0x0] =	vst.add.f32.msk $0xffff, v3  }
0x302: {  	s9 =	simm.s32 $0x0;
	s0 =	rddreg [dreg:$0x12]  }
0x303: {  	[hbm4b:s0+s9] =	stream.linear.scatter [tilespmem:s29], [sflag:$0x3], $0x8000, $0x38;
	[tilespmem:$0x18900] =	vst v63  }
0x304: {  	_ =	swait.ge [sflag:s6], $0x8000  }
0x305: {  	s14 =	simm.s32 $0x0;
	[sflag:s6] =	ssyncset.done $0x0  }
0x306: {  	s15 =	simm.s32 $0x0;
	s17 =	simm.s32 $0x0;
	[sflag:s6] =	ssyncadd.s32 $0xFFFF8000  }
.LBB2_30:
0x307: {  	s2 =	sshll.u32 s15, $0x2;
	s4 =	sand.u32 $0x7, s14  }
0x308: {  	s0 =	sshll.u32 s17, $0x5;
	s2 =	sand.u32 $0xFFFFFE00, s2;
	s4 =	sshll.u32 s4, $0x6  }
0x309: {  	s18 =	sand.u32 $0x60, s0;
	s5 =	sand.u32 $0x380, s0;
	v4 =	vld [tilespmem:s0+$0x100];
	s2 =	sor.u32 s4, s2  }
0x30a: {  	v5 =	vld [tilespmem:s0+$0x510];
	s22 =	sor.u32 s18, s5;
	s2 =	sshrl.u32 s2, $0x2  }
0x30b: {  	v6 =	vld [tilespmem:s22+$0x500];
	s2 =	sadd.s32 $0x4F00, s2  }
0x30c: {  	v7 =	vld [tilespmem:s2+$0xFFFFC000]  }
0x30d: {  	v8 =	vld [tilespmem:s2+$0x0]  }
0x30e: {  	v9 =	vld [tilespmem:s2+$0xFFFFFA00]  }
0x30f: {  	v10 =	vld [tilespmem:s2+$0xFFFFBC00]  }
0x310: {  	s19 =	sor.u32 $0x10, s18;
	v11 =	vld [tilespmem:s2+$0xFFFFFC00]  }
0x311: {  	s11 =	sor.u32 s19, s5;
	v12 =	vld [tilespmem:s2+$0xFFFFBE00]  }
0x312: {  	v3 =	vld [tilespmem:s11+$0x100]  }
0x313: {  	s24 =	sshll.u32 s17, $0x8;
	v15 =	vld [tilespmem:s2+$0xFFFFBA00];
	v13 =	vshll.u32 v7, $0x10;
	v7 =	vand.u32 $0xFFFF0000, v7  }
0x314: {  	s21 =	simm.s32 $0x180;
	s25 =	sand.u32 $0x6000, s9;
	s26 =	simm.s32 $0x0;
	v14 =	vshll.u32 v8, $0x10;
	v8 =	vand.u32 $0xFFFF0000, v8;
	v17 =	vshll.u32 v9, $0x10  }
0x315: {  	s30 =	simm.s32 $0x80;
	s16 =	simm.s32 $0x100;
	s0 =	sand.u32 $0x1C00, s24;
	v16 =	vld [tilespmem:s2+$0xFFFFFE00];
	v19 =	vand.u32 $0xFFFF0000, v9;
	v20 =	vshll.u32 v10, $0x10;
	v21 =	vshll.u32 v11, $0x10  }
0x316: {  	s28 =	sand.u32 $0x380, s21;
	s16 =	sand.u32 $0x300, s16;
	s20 =	sadd.s32 $0x10900, s0;
	v9 =	vshll.u32 v12, $0x10;
	v13 =	vmul.f32 v13, v4;
	v14 =	vmul.f32 v14, v6  }
0x317: {  	s4 =	sand.u32 $0x200, s26;
	s22 =	simm.s32 $0x0;
	s0 =	sadd.s32 s25, s20;
	v18 =	vmul.f32 v7, v3;
	v8 =	vmul.f32 v8, v5;
	v7 =	vand.u32 $0xFFFF0000, v10  }
0x318: {  	s5 =	sadd.s32 s28, s0;
	s11 =	sand.u32 $0x280, s30;
	s4 =	sadd.s32 s4, s0;
	v10 =	vand.u32 $0xFFFF0000, v11;
	v11 =	vshll.u32 v15, $0x10;
	v17 =	vmul.f32 v17, v6  }
0x319: {  	s30 =	sadd.s32 s16, s0;
	s24 =	sadd.s32 s18, s5;
	s28 =	sadd.s32 s19, s5;
	v11 =	vmul.f32 v11, v4;
	v13 =	vadd.f32 v14, v13;
	v18 =	vadd.f32 v8, v18  }
0x31a: {  	s25 =	sadd.s32 s18, s4;
	s11 =	sadd.s32 s11, s0;
	s26 =	sadd.s32 s19, s4;
	v8 =	vand.u32 $0xFFFF0000, v12;
	v14 =	vand.u32 $0xFFFF0000, v15;
	v12 =	vshll.u32 v16, $0x10  }
0x31b: {  	s31 =	sadd.s32 s18, s30;
	s2 =	sadd.s32 $0x800, s2;
	s0 =	sadd.s32 s18, s11;
	v15 =	vmul.f32 v19, v5;
	v14 =	vmul.f32 v14, v3;
	v11 =	vadd.f32 v17, v11;
	[tilespmem:s24+$0x0] =	vst.add.f32.msk $0xffff, v13  }
0x31c: {  	s5 =	sadd.s32 s19, s11;
	s11 =	sadd.s32 s19, s30;
	v17 =	vmul.f32 v21, v6;
	v13 =	vand.u32 $0xFFFF0000, v16;
	v16 =	vmul.f32 v20, v4;
	s24 =	simm.s32 $0x0;
	[tilespmem:s28+$0x0] =	vst.add.f32.msk $0xffff, v18  }
.LBB2_31:
0x31d: {  	v18 =	vld [tilespmem:s2+$0xFFFFC000];
	v14 =	vadd.f32 v15, v14;
	v7 =	vmul.f32 v7, v3;
	v10 =	vmul.f32 v10, v5  }
0x31e: {  	v9 =	vmul.f32 v9, v4;
	v12 =	vmul.f32 v12, v6;
	v15 =	vld [tilespmem:s2+$0x0];
	v16 =	vadd.f32 v17, v16  }
0x31f: {  	s22 =	sadd.s32 $0x4, s22;
	v17 =	vld [tilespmem:s2+$0xFFFFFA00];
	v19 =	vadd.f32 v10, v7;
	v7 =	vmul.f32 v8, v3;
	v8 =	vmul.f32 v13, v5  }
0x320: {  	p0 =	slt.u32 s22, $0x1C;
	v20 =	vadd.f32 v12, v9;
	v10 =	vld [tilespmem:s2+$0xFFFFBC00]  }
0x321: {  	v9 =	vld [tilespmem:s2+$0xFFFFFC00];
	v21 =	vadd.f32 v8, v7  }
0x322: {  	v8 =	vld [tilespmem:s2+$0xFFFFBE00]  }
0x323: {  	s24 =	sadd.s32 $0x1000, s24;
	s21 =	sadd.s32 $0x200, s21;
	v7 =	vshll.u32 v18, $0x10;
	v12 =	vand.u32 $0xFFFF0000, v18;
	v13 =	vld [tilespmem:s2+$0xFFFFFE00];
	v18 =	vshll.u32 v15, $0x10  }
0x324: {  	s4 =	sand.u32 $0x6000, s24;
	s16 =	sadd.s32 $0xFFFFFE80, s21;
	v15 =	vand.u32 $0xFFFF0000, v15;
	v7 =	vmul.f32 v7, v4;
	v22 =	vld [tilespmem:s2+$0xFFFFBA00];
	v18 =	vmul.f32 v18, v6  }
0x325: {  	s28 =	sand.u32 $0x380, s21;
	s30 =	sadd.s32 $0xFFFFFF80, s21;
	s4 =	sadd.s32 s4, s20;
	v12 =	vmul.f32 v12, v3;
	v23 =	vshll.u32 v17, $0x10;
	v15 =	vmul.f32 v15, v5;
	[tilespmem:s25+$0x0] =	vst.add.f32.msk $0xffff, v11  }
0x326: {  	s16 =	sand.u32 $0x200, s16;
	s28 =	sadd.s32 s28, s4;
	v11 =	vand.u32 $0xFFFF0000, v17;
	v17 =	vshll.u32 v10, $0x10;
	s25 =	sadd.s32 $0xFFFFFF00, s21;
	v18 =	vadd.f32 v18, v7;
	[tilespmem:s26+$0x0] =	vst.add.f32.msk $0xffff, v14  }
0x327: {  	v7 =	vand.u32 $0xFFFF0000, v10;
	v24 =	vshll.u32 v9, $0x10;
	s26 =	sand.u32 $0x280, s25;
	s25 =	sadd.s32 s18, s28;
	v14 =	vadd.f32 v15, v12;
	s28 =	sadd.s32 s19, s28;
	[tilespmem:s0+$0x0] =	vst.add.f32.msk $0xffff, v16  }
.Ltmp14:
0x328: {  	v10 =	vand.u32 $0xFFFF0000, v9;
	s0 =	sadd.s32 s16, s4;
	v9 =	vshll.u32 v8, $0x10;
	v8 =	vand.u32 $0xFFFF0000, v8;
	s16 =	sand.u32 $0x300, s30;
	[tilespmem:s25+$0x0] =	vst.add.f32.msk $0xffff, v18;
	(pc) =	sbr.rel @p0 .LBB2_31-.Ltmp14, $4  }
0x329: {  	s30 =	sadd.s32 s26, s4;
	s25 =	sadd.s32 s18, s0;
	v12 =	vshll.u32 v13, $0x10;
	s4 =	sadd.s32 s16, s4;
	v15 =	vshll.u32 v22, $0x10;
	v16 =	vand.u32 $0xFFFF0000, v22;
	[tilespmem:s28+$0x0] =	vst.add.f32.msk $0xffff, v14  }
0x32a: {  	s26 =	sadd.s32 s19, s0;
	s0 =	sadd.s32 s18, s30;
	v13 =	vand.u32 $0xFFFF0000, v13;
	v22 =	vmul.f32 v23, v6;
	v18 =	vmul.f32 v15, v4;
	[tilespmem:s5+$0x0] =	vst.add.f32.msk $0xffff, v19;
	s5 =	sadd.s32 s19, s30  }
0x32b: {  	s16 =	sadd.s32 s19, s4;
	v14 =	vmul.f32 v16, v3;
	v15 =	vmul.f32 v11, v5;
	[tilespmem:s31+$0x0] =	vst.add.f32.msk $0xffff, v20;
	s31 =	sadd.s32 s18, s4  }
0x32c: {  	s2 =	sadd.s32 $0x800, s2;
	v16 =	vmul.f32 v17, v4;
	v17 =	vmul.f32 v24, v6;
	v11 =	vadd.f32 v22, v18;
	[tilespmem:s11+$0x0] =	vst.add.f32.msk $0xffff, v21;
	s11 =	smov.u32 s16  }
0x32d: {  	v14 =	vadd.f32 v15, v14;
	v7 =	vmul.f32 v7, v3;
	v10 =	vmul.f32 v10, v5;
	s17 =	sadd.s32 $0x1, s17  }
0x32e: {  	v4 =	vmul.f32 v9, v4;
	v6 =	vmul.f32 v12, v6;
	v62 =	vadd.f32 v17, v16;
	[tilespmem:s25+$0x0] =	vst.add.f32.msk $0xffff, v11;
	p0 =	sne.s32 s17, $0x20  }
.Ltmp15:
0x32f: {  	v3 =	vmul.f32 v8, v3;
	v63 =	vmul.f32 v13, v5;
	v7 =	vadd.f32 v10, v7;
	[tilespmem:s26+$0x0] =	vst.add.f32.msk $0xffff, v14;
	(pc) =	sbr.rel @p0 .LBB2_30-.Ltmp15, $4  }
0x330: {  	v4 =	vadd.f32 v6, v4;
	[tilespmem:s0+$0x0] =	vst.add.f32.msk $0xffff, v62  }
0x331: {  	v3 =	vadd.f32 v63, v3;
	[tilespmem:s5+$0x0] =	vst.add.f32.msk $0xffff, v7  }
0x332: {  	[tilespmem:s31+$0x0] =	vst.add.f32.msk $0xffff, v4  }
0x333: {  	s15 =	sadd.s32 $0x10, s15;
	s14 =	sadd.s32 $0x1, s14;
	[tilespmem:s11+$0x0] =	vst.add.f32.msk $0xffff, v3  }
0x334: {  	s0 =	rddreg [dreg:$0x13];
	s4 =	simm.s32 $0x10900;
	s30 =	simm.s32 $0x3  }
0x335: {  	[hbm4b:s0+s3] =	stream.linear.scatter [tilespmem:s4], [sflag:$0x4], $0x8000, $0x38;
	[tilespmem:$0x18900] =	vst v63  }
0x336: {  	_ =	swait.ge [sflag:s30], $0x8000  }
0x337: {  	[sflag:s30] =	ssyncset.done $0x0  }
0x338: {  	[sflag:s30] =	ssyncadd.s32 $0xFFFF8000  }
0x339: {  	_ =	swait.ge [sflag:s7], $0x8000  }
0x33a: {  	s8 =	sadd.s32 $0x1, s8;
	s31 =	rddreg [dreg:$0x14]  }
0x33b: {  	p0 =	sne.s32 s8, s31  }
.Ltmp16:
0x33c: {  	_ = 	snop;
	(pc) =	sbr.rel @p0 .LBB2_1-.Ltmp16, $3  }
0x33d: {  	_ =	sdelay $0x1  }
0x33e: {  	[sflag:s7] =	ssyncset.done $0x0  }
0x33f: {  	[sflag:s7] =	ssyncadd.s32 $0xFFFF8000  }
0x340: {  	_ =	sfence.sel $0x180000  }
0x341: {  	[bflag:$0x0] =	sbarrier.arrive $0xFFFF  }
0x342: {  	_ =	strace $0x90000047  }
0x343: {  	s0 =	stileid.u32;
	[bflag:$0x2] =	sbarrier.arrive $0xFFFF  }
0x344: {  	p0 =	sne.s32 s0, $0x0;
	s0 =	rddreg [dreg:$0x4]  }
0x345: {  	s0 =	sadd.s32 @!p0 $0x100000, s0  }
0x346: {  	[sflag:s0] =	ssyncadd.tile.s32 @!p0 $0x1;
	_ =	shalt  }
.Lfunc_end2:
_tile_overlayer_lowered:
.L_overlay_start_2:
0x347: {  	(tag) =	ssettag $0x2  }
0x348: {  	s0 =	rddreg [dreg:$0x0];
	s2 =	stileid.u32  }
0x349: {  	s1 =	rddreg [dreg:$0x1];
	p0 =	sne.s32 s2, $0x0  }
0x34a: {  	s3 =	rddreg [dreg:$0x2];
	[bflag:$0x3] =	sbarrier.arrive $0xFFFF;
	s2 =	simm.s32 @!p0 $0x1C05  }
0x34b: {  	[timem:s3], [sflag:s2] =	dma.local @!p0 [hbm:s0], s1  }
0x34c: {  	s0 =	simm.s32 @!p0 $0x5  }
0x34d: {  	_ =	swait.ge @!p0 [sflag:s0], s1  }
0x34e: {  	s1 =	ssub.s32 @!p0 $0x0, s1;
	[sflag:s0] =	ssyncset.done @!p0 $0x0  }
0x34f: {  	[sflag:s0] =	ssyncadd.s32 @!p0 s1  }
0x350: {  	[bflag:$0x3] =	sbarrier.arrive $0xFFFF  }
0x351: {  	_ =	shalt  }

</sc_bundles>
